<compile_context>
chip_gen: v7x
topology: tpu7x:2x2x1
jax: 0.10.2.dev20260603
libtpu: 0.0.44.dev20260713+nightly
codegen_flags: <defaults>
</compile_context>

<pallas_src>
import functools

import jax
import jax.numpy as jnp
from jax import lax
from jax.experimental import pallas as pl
from jax.experimental.pallas import tpu as pltpu
from jax.experimental.pallas import tpu_sc as plsc

N = 10000
E = 320000
D = 128
NP = 10240
NW = 32
EPT = NP
CB = 128
CH = EPT // CB
ROWS_PT = NP // 16
G = 128
R = 1024

f32 = jnp.float32
bf16 = jnp.bfloat16
i32 = jnp.int32

def _deg_body(ei2_hbm, z1_hbm, out_hbm, src_v, dst_v, ones_v, zb_v, acc, sem):
    c = lax.axis_index("c")
    s = lax.axis_index("s")
    wid = s * 2 + c
    for i in range(CB // 16):
        ones_v[pl.ds(16 * i, 16)] = jnp.ones((16,), f32)
    sl2 = pl.ds(s * 2 * ROWS_PT, 2 * ROWS_PT)
    pltpu.sync_copy(z1_hbm, zb_v)
    pltpu.sync_copy(zb_v, acc.at[sl2])
    pltpu.sync_copy(ei2_hbm.at[0, wid], src_v)
    pltpu.sync_copy(ei2_hbm.at[1, wid], dst_v)
    plsc.subcore_barrier()

    def body(j, carry):
        pltpu.sync_copy(ones_v, acc.at[src_v.at[j]], add=True)
        pltpu.sync_copy(ones_v, acc.at[dst_v.at[j]], add=True)
        return carry

    lax.fori_loop(0, CH, body, 0)
    plsc.subcore_barrier()
    pltpu.sync_copy(acc.at[sl2], out_hbm.at[c, sl2])


def _hop_body(ei_hbm, hs_hbm, z2_hbm, out_hbm,
              sr, dr, ra_v, rb_v, acc, ia, ib, ga, gb, sa, sb):
    c = lax.axis_index("c")
    s = lax.axis_index("s")
    wid = s * 2 + c
    pltpu.sync_copy(z2_hbm, ra_v)
    for i in range(ROWS_PT // CB):
        pltpu.sync_copy(ra_v, acc.at[pl.ds(s * ROWS_PT + i * CB, CB)])
    plsc.subcore_barrier()

    pltpu.async_copy(ei_hbm.at[0, wid, pl.ds(0, 2)], sr.at[0], ia)
    pltpu.async_copy(ei_hbm.at[1, wid, pl.ds(0, 2)], dr.at[0], ia)
    pltpu.async_copy(ei_hbm.at[0, wid, pl.ds(2, 2)], sr.at[1], ib)
    pltpu.async_copy(ei_hbm.at[1, wid, pl.ds(2, 2)], dr.at[1], ib)
    pltpu.make_async_copy(ei_hbm.at[0, wid, pl.ds(0, 2)], sr.at[0], ia).wait()
    pltpu.make_async_copy(ei_hbm.at[1, wid, pl.ds(0, 2)], dr.at[0], ia).wait()
    pltpu.async_copy(hs_hbm.at[sr.at[0, 0]], ra_v, ga)
    pltpu.async_copy(hs_hbm.at[sr.at[0, 1]], rb_v, gb)

    def halfiter(j0, slot, oslot, isem_o, isem_s):
        pltpu.make_async_copy(hs_hbm.at[sr.at[slot, 0]], ra_v, ga).wait()
        pltpu.async_copy(ra_v, acc.at[dr.at[slot, 0]], sa, add=True)
        pltpu.make_async_copy(hs_hbm.at[sr.at[slot, 1]], rb_v, gb).wait()
        pltpu.async_copy(rb_v, acc.at[dr.at[slot, 1]], sb, add=True)

        @pl.when(j0 + 2 < CH)
        def _pf():
            pltpu.make_async_copy(
                ei_hbm.at[0, wid, pl.ds(0, 2)], sr.at[oslot], isem_o).wait()
            pltpu.make_async_copy(
                ei_hbm.at[1, wid, pl.ds(0, 2)], dr.at[oslot], isem_o).wait()
            pltpu.make_async_copy(ra_v, acc.at[dr.at[slot, 0]], sa).wait()
            pltpu.async_copy(hs_hbm.at[sr.at[oslot, 0]], ra_v, ga)
            pltpu.make_async_copy(rb_v, acc.at[dr.at[slot, 1]], sb).wait()
            pltpu.async_copy(hs_hbm.at[sr.at[oslot, 1]], rb_v, gb)

            @pl.when(j0 + 4 < CH)
            def _refill():
                pltpu.async_copy(
                    ei_hbm.at[0, wid, pl.ds(j0 + 4, 2)], sr.at[slot], isem_s)
                pltpu.async_copy(
                    ei_hbm.at[1, wid, pl.ds(j0 + 4, 2)], dr.at[slot], isem_s)

    def body(k, carry):
        j0 = 4 * k
        halfiter(j0, 0, 1, ib, ia)
        halfiter(j0 + 2, 1, 0, ia, ib)
        return carry

    lax.fori_loop(0, CH // 4, body, 0)
    pltpu.make_async_copy(ra_v, acc.at[dr.at[1, 0]], sa).wait()
    pltpu.make_async_copy(rb_v, acc.at[dr.at[1, 1]], sb).wait()
    plsc.subcore_barrier()
    for i in range(ROWS_PT // 128):
        sl = pl.ds(s * ROWS_PT + i * 128, 128)
        pltpu.sync_copy(acc.at[sl], out_hbm.at[c, sl])


@functools.cache
def _sc_mesh():
    return plsc.VectorSubcoreMesh(
        core_axis_name="c", subcore_axis_name="s",
        num_cores=2, num_subcores=16)


@functools.cache
def _deg_kernel():
    return functools.partial(
        pl.kernel,
        out_type=jax.ShapeDtypeStruct((2, 2 * NP), f32),
        mesh=_sc_mesh(),
        scratch_types=[
            pltpu.VMEM((CH, CB), i32),
            pltpu.VMEM((CH, CB), i32),
            pltpu.VMEM((CB,), f32),
            pltpu.VMEM((2 * ROWS_PT,), f32),
            pltpu.VMEM_SHARED((2 * NP,), f32),
            pltpu.SemaphoreType.DMA,
        ])(_deg_body)


@functools.cache
def _hop_kernel():
    return functools.partial(
        pl.kernel,
        out_type=jax.ShapeDtypeStruct((2, NP, D), f32),
        mesh=_sc_mesh(),
        scratch_types=[
            pltpu.VMEM((2, 2, CB), i32),
            pltpu.VMEM((2, 2, CB), i32),
            pltpu.VMEM((CB, D), f32),
            pltpu.VMEM((CB, D), f32),
            pltpu.VMEM_SHARED((NP, D), f32),
            pltpu.SemaphoreType.DMA,
            pltpu.SemaphoreType.DMA,
            pltpu.SemaphoreType.DMA,
            pltpu.SemaphoreType.DMA,
            pltpu.SemaphoreType.DMA,
            pltpu.SemaphoreType.DMA,
        ])(_hop_body)


def _deg_sc(ei2, z1):
    return _deg_kernel()(ei2, z1)


def _hop_sc(ei_p, hs, z2):
    return _hop_kernel()(ei_p, hs, z2)


def _norm_body(degp_ref, feat_ref, norm2_ref, hs_ref):
    od = degp_ref[0, :, 0:1] + degp_ref[1, :, 0:1]
    idg = degp_ref[0, :, 1:2] + degp_ref[1, :, 1:2]
    ns = 1.0 / jnp.sqrt(jnp.maximum(od, 1.0))
    nd = 1.0 / jnp.sqrt(jnp.maximum(idg, 1.0))
    norm2_ref[...] = jnp.concatenate([ns, nd], axis=1)
    hs_ref[...] = feat_ref[...] * ns


def _upd1_body(aggp_ref, norm2_ref, feat_ref, hs_ref):
    a = aggp_ref[0] + aggp_ref[1]
    n2 = norm2_ref[...]
    h = 0.5 * (a * n2[:, 1:2]) + 0.5 * feat_ref[...]
    hs_ref[...] = h * n2[:, 0:1]


def _upd2_final_body(aggp_ref, norm2_ref, feat_ref, t_ref, l_ref,
                     w1t_ref, b1_ref, w2t_ref, b2_ref, o_ref, h2_s, s_s):
    nb = NP // R
    r = pl.program_id(0)
    gid = t_ref[...] * 16 + l_ref[...]
    iota = lax.broadcasted_iota(i32, (R, G), 1)
    onehot = (iota == gid).astype(f32)

    @pl.when(r < nb)
    def _update_and_stats():
        a = aggp_ref[0] + aggp_ref[1]
        n2 = norm2_ref[...]
        h = 0.5 * (a * n2[:, 1:2]) + 0.5 * feat_ref[...]
        h2_s[pl.ds(r * R, R), :] = h
        onecol = (iota == 0).astype(f32)
        rowid = lax.broadcasted_iota(i32, (R, 1), 0) + r * R
        h_m = jnp.where(rowid < N, h, 0.0)
        y = jnp.concatenate([h_m, h_m * h_m, onecol], axis=1)

        @pl.when(r == 0)
        def _init():
            s_s[...] = jnp.zeros_like(s_s)

        s_s[...] += lax.dot_general(
            onehot, y, (((0,), (0,)), ((), ())), preferred_element_type=f32)

    @pl.when(r < nb)
    def _junk():
        o_ref[...] = jnp.zeros_like(o_ref)

    @pl.when(r >= nb)
    def _normalize_and_mlp():
        st = s_s[...]
        cnt = jnp.maximum(st[:, 2 * G:2 * G + 1], 1.0)
        mean = st[:, 0:G] / cnt
        ex2 = st[:, G:2 * G] / cnt
        var = jnp.maximum(ex2 - mean * mean, 0.0)
        inv = 1.0 / jnp.sqrt(var + 1e-5)
        mean_r = lax.dot_general(onehot, mean, (((1,), (0,)), ((), ())),
                                 preferred_element_type=f32)
        inv_r = lax.dot_general(onehot, inv, (((1,), (0,)), ((), ())),
                                preferred_element_type=f32)
        h = h2_s[pl.ds((r - nb) * R, R), :]
        hn = (h - mean_r) * inv_r
        z = lax.dot_general(hn, w1t_ref[...], (((1,), (0,)), ((), ())),
                            preferred_element_type=f32)
        z = jnp.maximum(z + b1_ref[...], 0.0)
        o = lax.dot_general(z, w2t_ref[...], (((1,), (0,)), ((), ())),
                            preferred_element_type=f32)
        o_ref[0] = jax.nn.sigmoid(o + b2_ref[...])


def _row_spec(width):
    return pl.BlockSpec((R, width), lambda r: (r, 0))


def _full_spec(shape):
    return pl.BlockSpec(shape, lambda r: tuple(0 for _ in shape))


def kernel(features, edge_index, labels, times, W1, b1, W2, b2):
    npad = NP - N
    epad = NW * EPT - E
    pad_idx = (N + (jnp.arange(epad, dtype=i32) % npad)).astype(i32)
    ei_p = jnp.concatenate(
        [edge_index, jnp.broadcast_to(pad_idx, (2, epad))],
        axis=1).reshape(2, NW, CH, CB)
    t_p = jnp.pad(times, (0, npad), constant_values=8).reshape(NP, 1)
    l_p = jnp.pad(labels, (0, npad)).reshape(NP, 1)
    z1 = jnp.zeros((2 * ROWS_PT,), f32)
    z2 = jnp.zeros((CB, D), f32)

    ei2 = ei_p * 2 + jnp.arange(2, dtype=i32).reshape(2, 1, 1, 1)
    degp2 = _deg_sc(ei2, z1).reshape(2, NP, 2)

    grid = (NP // R,)
    norm2, hs0 = pl.pallas_call(
        _norm_body,
        grid=grid,
        in_specs=[pl.BlockSpec((2, R, 2), lambda r: (0, r, 0)), _row_spec(D)],
        out_specs=[_row_spec(2), _row_spec(D)],
        out_shape=[jax.ShapeDtypeStruct((NP, 2), f32),
                   jax.ShapeDtypeStruct((NP, D), f32)],
    )(degp2, features)

    aggp1 = _hop_sc(ei_p, hs0, z2)
    hs1 = pl.pallas_call(
        _upd1_body,
        grid=grid,
        in_specs=[pl.BlockSpec((2, R, D), lambda r: (0, r, 0)),
                  _row_spec(2), _row_spec(D)],
        out_specs=_row_spec(D),
        out_shape=jax.ShapeDtypeStruct((NP, D), f32),
    )(aggp1, norm2, features)

    nb = NP // R
    aggp2 = _hop_sc(ei_p, hs1, z2)
    rowmap = lambda r: (lax.rem(r, nb), 0)
    out = pl.pallas_call(
        _upd2_final_body,
        grid=(2 * nb,),
        in_specs=[pl.BlockSpec((2, R, D), lambda r: (0, lax.rem(r, nb), 0)),
                  pl.BlockSpec((R, 2), rowmap),
                  pl.BlockSpec((R, D), rowmap),
                  pl.BlockSpec((R, 1), rowmap),
                  pl.BlockSpec((R, 1), rowmap),
                  _full_spec((D, D)), _full_spec((1, D)),
                  _full_spec((D, 32)), _full_spec((1, 32))],
        out_specs=pl.BlockSpec((1, R, 32),
                               lambda r: (r // nb, lax.rem(r, nb), 0)),
        out_shape=jax.ShapeDtypeStruct((2, NP, 32), f32),
        scratch_shapes=[pltpu.VMEM((NP, D), f32),
                        pltpu.VMEM((G, 3 * G), f32)],
    )(aggp2, norm2, features, t_p, l_p,
      W1.T, b1.reshape(1, D), W2.T, b2.reshape(1, 32))
    return out[1, :N]

# --- scband reference (transcript-rebuilt; emitter-appended) ---
"""Pipeline reference for scband-appnp-jj-21474836480044 (READ-ONLY COPY).

The authoritative reference and input builder live on the scoring server;
editing this copy changes nothing except your own understanding.
"""

import jax, jax.numpy as jnp
import numpy as np

N = 10000
E = 320000
D_IN = 128
HID = 128
OUT = 32
NUM_TIME = 8
NUM_LABEL = 16
K_HOPS = 2
ALPHA = 0.5


def setup_inputs(seed: int = 0) -> dict:
    key = jax.random.key(seed)
    ks = jax.random.split(key, 8)
    features = jax.random.normal(ks[0], (N, D_IN), dtype=jnp.float32)
    edge_index = jax.random.randint(ks[1], (2, E), 0, N, dtype=jnp.int32)
    labels = jax.random.randint(ks[2], (N,), 0, NUM_LABEL, dtype=jnp.int32)
    times = jax.random.randint(ks[3], (N,), 0, NUM_TIME, dtype=jnp.int32)
    W1 = jax.random.normal(ks[4], (HID, D_IN), dtype=jnp.float32) * 0.05
    b1 = jnp.zeros((HID,), dtype=jnp.float32)
    W2 = jax.random.normal(ks[5], (OUT, HID), dtype=jnp.float32) * 0.05
    b2 = jnp.zeros((OUT,), dtype=jnp.float32)
    return {
        "features": features,
        "edge_index": edge_index,
        "labels": labels,
        "times": times,
        "W1": W1,
        "b1": b1,
        "W2": W2,
        "b2": b2,
    }


def reference(features, edge_index, labels, times, W1, b1, W2, b2):
    src = edge_index[0]
    dst = edge_index[1]
    ones_e = jnp.ones((src.shape[0],), dtype=features.dtype)
    out_deg = jax.ops.segment_sum(ones_e, src, num_segments=N)
    in_deg = jax.ops.segment_sum(ones_e, dst, num_segments=N)
    norm_src = 1.0 / jnp.sqrt(jnp.clip(out_deg, 1.0))
    norm_dst = 1.0 / jnp.sqrt(jnp.clip(in_deg, 1.0))

    # APPNPConv(k=2, alpha=0.5) with symmetric normalization (DGL semantics)
    h0 = features
    h = features
    for _ in range(K_HOPS):
        msg = (h * norm_src[:, None])[src]
        agg = jax.ops.segment_sum(msg, dst, num_segments=N)
        h = (1.0 - ALPHA) * (agg * norm_dst[:, None]) + ALPHA * h0

    # JJ_Norm: joint (time, label) group normalization of node features
    G = NUM_TIME * NUM_LABEL
    gid = times * NUM_LABEL + labels
    cnt = jnp.clip(jax.ops.segment_sum(jnp.ones((N,), features.dtype), gid, num_segments=G), 1.0)
    s1 = jax.ops.segment_sum(h, gid, num_segments=G)
    s2 = jax.ops.segment_sum(h * h, gid, num_segments=G)
    mean = s1 / cnt[:, None]
    var = jnp.maximum(s2 / cnt[:, None] - mean * mean, 0.0)
    h = (h - mean[gid]) / jnp.sqrt(var[gid] + 1e-5)

    h = h @ W1.T + b1
    h = jax.nn.relu(h)
    h = h @ W2.T + b2
    return jax.nn.sigmoid(h)

if __name__ == "__main__":
    import jax
    _d = setup_inputs()
    print(jax.jit(kernel)(*tuple(_d.values())))

</pallas_src>

<mosaic_0001>
#map = affine_map<(d0, d1) -> (0, 0, 0, 0)>
#map1 = affine_map<(d0, d1) -> (0, 0)>
#map2 = affine_map<(d0, d1) -> (0, 0, 0)>
module attributes {stable_mosaic.version = 14 : i64} {
  func.func @_hop_body(%arg0: i32, %arg1: i32, %arg2: memref<2x32x80x128xi32, #tpu.memory_space<hbm>>, %arg3: memref<10240x128xf32, #tpu.memory_space<hbm>>, %arg4: memref<128x128xf32, #tpu.memory_space<hbm>>, %arg5: memref<2x10240x128xf32, #tpu.memory_space<hbm>>, %arg6: memref<2x2x128xi32, #tpu.memory_space<vmem>>, %arg7: memref<2x2x128xi32, #tpu.memory_space<vmem>>, %arg8: memref<128x128xf32, #tpu.memory_space<vmem>>, %arg9: memref<128x128xf32, #tpu.memory_space<vmem>>, %arg10: memref<10240x128xf32, #tpu.memory_space<vmem_shared>>, %arg11: memref<!tpu.dma_semaphore, #tpu.memory_space<semaphore_mem>>, %arg12: memref<!tpu.dma_semaphore, #tpu.memory_space<semaphore_mem>>, %arg13: memref<!tpu.dma_semaphore, #tpu.memory_space<semaphore_mem>>, %arg14: memref<!tpu.dma_semaphore, #tpu.memory_space<semaphore_mem>>, %arg15: memref<!tpu.dma_semaphore, #tpu.memory_space<semaphore_mem>>, %arg16: memref<!tpu.dma_semaphore, #tpu.memory_space<semaphore_mem>>) attributes {dimension_semantics = [#tpu.dimension_semantics<core_parallel>, #tpu.dimension_semantics<subcore_parallel>], iteration_bounds = array<i64: 2, 16>, scalar_prefetch = 0 : i64, scratch_operands = 11 : i64, tpu.core_type = #tpu.core_type<sc_vector_subcore>, window_params = [{transform_indices = #map}, {transform_indices = #map1}, {transform_indices = #map1}, {transform_indices = #map2}]} {
    %mul3A = arith.constant 2 : i32
    %mul3A_0 = arith.muli %arg1, %mul3A : i32
    %add3A = arith.addi %mul3A_0, %arg0 : i32
    "tpu.region"() ({
      %run_scoped3A = tpu.sem_alloc : memref<!tpu.dma_semaphore, #tpu.memory_space<semaphore_mem>>
      tpu.enqueue_dma source(%arg4 : memref<128x128xf32, #tpu.memory_space<hbm>>) target(%arg8 : memref<128x128xf32, #tpu.memory_space<vmem>>) target_semaphore(%run_scoped3A : memref<!tpu.dma_semaphore, #tpu.memory_space<semaphore_mem>>)
      tpu.wait_dma2 semaphore(%run_scoped3A : memref<!tpu.dma_semaphore, #tpu.memory_space<semaphore_mem>>) src(%arg4 : memref<128x128xf32, #tpu.memory_space<hbm>>) dst(%arg8 : memref<128x128xf32, #tpu.memory_space<vmem>>)
      tpu.yield
    }) : () -> ()
    %mul3A_1 = arith.constant 640 : i32
    %mul3A_2 = arith.muli %arg1, %mul3A_1 : i32
    %add3A_3 = arith.constant 0 : i32
    %add3A_4 = arith.addi %mul3A_2, %add3A_3 : i32
    "tpu.region"() ({
      %run_scoped3A = tpu.sem_alloc : memref<!tpu.dma_semaphore, #tpu.memory_space<semaphore_mem>>
      %dma_start3A_185 = arith.constant 0 : i32
      %dma_start3A_186 = tpu.memref_slice %arg10[%add3A_4, %dma_start3A_185] : memref<10240x128xf32, #tpu.memory_space<vmem_shared>> -> memref<128x128xf32, #tpu.memory_space<vmem_shared>>
      %dma_start3A_187 = arith.constant 0 : i32
      %dma_start3A_188 = tpu.memref_slice %arg10[%add3A_4, %dma_start3A_187] : memref<10240x128xf32, #tpu.memory_space<vmem_shared>> -> memref<128x128xf32, #tpu.memory_space<vmem_shared>>
      tpu.enqueue_dma source(%arg8 : memref<128x128xf32, #tpu.memory_space<vmem>>) target(%dma_start3A_188 : memref<128x128xf32, #tpu.memory_space<vmem_shared>>) target_semaphore(%run_scoped3A : memref<!tpu.dma_semaphore, #tpu.memory_space<semaphore_mem>>)
      %dma_wait3A_189 = arith.constant 0 : i32
      %dma_wait3A_190 = tpu.memref_slice %arg10[%add3A_4, %dma_wait3A_189] : memref<10240x128xf32, #tpu.memory_space<vmem_shared>> -> memref<128x128xf32, #tpu.memory_space<vmem_shared>>
      %dma_wait3A_191 = arith.constant 0 : i32
      %dma_wait3A_192 = tpu.memref_slice %arg10[%add3A_4, %dma_wait3A_191] : memref<10240x128xf32, #tpu.memory_space<vmem_shared>> -> memref<128x128xf32, #tpu.memory_space<vmem_shared>>
      tpu.wait_dma2 semaphore(%run_scoped3A : memref<!tpu.dma_semaphore, #tpu.memory_space<semaphore_mem>>) src(%arg8 : memref<128x128xf32, #tpu.memory_space<vmem>>) dst(%dma_wait3A_192 : memref<128x128xf32, #tpu.memory_space<vmem_shared>>)
      tpu.yield
    }) : () -> ()
    %mul3A_5 = arith.constant 640 : i32
    %mul3A_6 = arith.muli %arg1, %mul3A_5 : i32
    %add3A_7 = arith.constant 128 : i32
    %add3A_8 = arith.addi %mul3A_6, %add3A_7 : i32
    "tpu.region"() ({
      %run_scoped3A = tpu.sem_alloc : memref<!tpu.dma_semaphore, #tpu.memory_space<semaphore_mem>>
      %dma_start3A_185 = arith.constant 0 : i32
      %dma_start3A_186 = tpu.memref_slice %arg10[%add3A_8, %dma_start3A_185] : memref<10240x128xf32, #tpu.memory_space<vmem_shared>> -> memref<128x128xf32, #tpu.memory_space<vmem_shared>>
      %dma_start3A_187 = arith.constant 0 : i32
      %dma_start3A_188 = tpu.memref_slice %arg10[%add3A_8, %dma_start3A_187] : memref<10240x128xf32, #tpu.memory_space<vmem_shared>> -> memref<128x128xf32, #tpu.memory_space<vmem_shared>>
      tpu.enqueue_dma source(%arg8 : memref<128x128xf32, #tpu.memory_space<vmem>>) target(%dma_start3A_188 : memref<128x128xf32, #tpu.memory_space<vmem_shared>>) target_semaphore(%run_scoped3A : memref<!tpu.dma_semaphore, #tpu.memory_space<semaphore_mem>>)
      %dma_wait3A_189 = arith.constant 0 : i32
      %dma_wait3A_190 = tpu.memref_slice %arg10[%add3A_8, %dma_wait3A_189] : memref<10240x128xf32, #tpu.memory_space<vmem_shared>> -> memref<128x128xf32, #tpu.memory_space<vmem_shared>>
      %dma_wait3A_191 = arith.constant 0 : i32
      %dma_wait3A_192 = tpu.memref_slice %arg10[%add3A_8, %dma_wait3A_191] : memref<10240x128xf32, #tpu.memory_space<vmem_shared>> -> memref<128x128xf32, #tpu.memory_space<vmem_shared>>
      tpu.wait_dma2 semaphore(%run_scoped3A : memref<!tpu.dma_semaphore, #tpu.memory_space<semaphore_mem>>) src(%arg8 : memref<128x128xf32, #tpu.memory_space<vmem>>) dst(%dma_wait3A_192 : memref<128x128xf32, #tpu.memory_space<vmem_shared>>)
      tpu.yield
    }) : () -> ()
    %mul3A_9 = arith.constant 640 : i32
    %mul3A_10 = arith.muli %arg1, %mul3A_9 : i32
    %add3A_11 = arith.constant 256 : i32
    %add3A_12 = arith.addi %mul3A_10, %add3A_11 : i32
    "tpu.region"() ({
      %run_scoped3A = tpu.sem_alloc : memref<!tpu.dma_semaphore, #tpu.memory_space<semaphore_mem>>
      %dma_start3A_185 = arith.constant 0 : i32
      %dma_start3A_186 = tpu.memref_slice %arg10[%add3A_12, %dma_start3A_185] : memref<10240x128xf32, #tpu.memory_space<vmem_shared>> -> memref<128x128xf32, #tpu.memory_space<vmem_shared>>
      %dma_start3A_187 = arith.constant 0 : i32
      %dma_start3A_188 = tpu.memref_slice %arg10[%add3A_12, %dma_start3A_187] : memref<10240x128xf32, #tpu.memory_space<vmem_shared>> -> memref<128x128xf32, #tpu.memory_space<vmem_shared>>
      tpu.enqueue_dma source(%arg8 : memref<128x128xf32, #tpu.memory_space<vmem>>) target(%dma_start3A_188 : memref<128x128xf32, #tpu.memory_space<vmem_shared>>) target_semaphore(%run_scoped3A : memref<!tpu.dma_semaphore, #tpu.memory_space<semaphore_mem>>)
      %dma_wait3A_189 = arith.constant 0 : i32
      %dma_wait3A_190 = tpu.memref_slice %arg10[%add3A_12, %dma_wait3A_189] : memref<10240x128xf32, #tpu.memory_space<vmem_shared>> -> memref<128x128xf32, #tpu.memory_space<vmem_shared>>
      %dma_wait3A_191 = arith.constant 0 : i32
      %dma_wait3A_192 = tpu.memref_slice %arg10[%add3A_12, %dma_wait3A_191] : memref<10240x128xf32, #tpu.memory_space<vmem_shared>> -> memref<128x128xf32, #tpu.memory_space<vmem_shared>>
      tpu.wait_dma2 semaphore(%run_scoped3A : memref<!tpu.dma_semaphore, #tpu.memory_space<semaphore_mem>>) src(%arg8 : memref<128x128xf32, #tpu.memory_space<vmem>>) dst(%dma_wait3A_192 : memref<128x128xf32, #tpu.memory_space<vmem_shared>>)
      tpu.yield
    }) : () -> ()
    %mul3A_13 = arith.constant 640 : i32
    %mul3A_14 = arith.muli %arg1, %mul3A_13 : i32
    %add3A_15 = arith.constant 384 : i32
    %add3A_16 = arith.addi %mul3A_14, %add3A_15 : i32
    "tpu.region"() ({
      %run_scoped3A = tpu.sem_alloc : memref<!tpu.dma_semaphore, #tpu.memory_space<semaphore_mem>>
      %dma_start3A_185 = arith.constant 0 : i32
      %dma_start3A_186 = tpu.memref_slice %arg10[%add3A_16, %dma_start3A_185] : memref<10240x128xf32, #tpu.memory_space<vmem_shared>> -> memref<128x128xf32, #tpu.memory_space<vmem_shared>>
      %dma_start3A_187 = arith.constant 0 : i32
      %dma_start3A_188 = tpu.memref_slice %arg10[%add3A_16, %dma_start3A_187] : memref<10240x128xf32, #tpu.memory_space<vmem_shared>> -> memref<128x128xf32, #tpu.memory_space<vmem_shared>>
      tpu.enqueue_dma source(%arg8 : memref<128x128xf32, #tpu.memory_space<vmem>>) target(%dma_start3A_188 : memref<128x128xf32, #tpu.memory_space<vmem_shared>>) target_semaphore(%run_scoped3A : memref<!tpu.dma_semaphore, #tpu.memory_space<semaphore_mem>>)
      %dma_wait3A_189 = arith.constant 0 : i32
      %dma_wait3A_190 = tpu.memref_slice %arg10[%add3A_16, %dma_wait3A_189] : memref<10240x128xf32, #tpu.memory_space<vmem_shared>> -> memref<128x128xf32, #tpu.memory_space<vmem_shared>>
      %dma_wait3A_191 = arith.constant 0 : i32
      %dma_wait3A_192 = tpu.memref_slice %arg10[%add3A_16, %dma_wait3A_191] : memref<10240x128xf32, #tpu.memory_space<vmem_shared>> -> memref<128x128xf32, #tpu.memory_space<vmem_shared>>
      tpu.wait_dma2 semaphore(%run_scoped3A : memref<!tpu.dma_semaphore, #tpu.memory_space<semaphore_mem>>) src(%arg8 : memref<128x128xf32, #tpu.memory_space<vmem>>) dst(%dma_wait3A_192 : memref<128x128xf32, #tpu.memory_space<vmem_shared>>)
      tpu.yield
    }) : () -> ()
    %mul3A_17 = arith.constant 640 : i32
    %mul3A_18 = arith.muli %arg1, %mul3A_17 : i32
    %add3A_19 = arith.constant 512 : i32
    %add3A_20 = arith.addi %mul3A_18, %add3A_19 : i32
    "tpu.region"() ({
      %run_scoped3A = tpu.sem_alloc : memref<!tpu.dma_semaphore, #tpu.memory_space<semaphore_mem>>
      %dma_start3A_185 = arith.constant 0 : i32
      %dma_start3A_186 = tpu.memref_slice %arg10[%add3A_20, %dma_start3A_185] : memref<10240x128xf32, #tpu.memory_space<vmem_shared>> -> memref<128x128xf32, #tpu.memory_space<vmem_shared>>
      %dma_start3A_187 = arith.constant 0 : i32
      %dma_start3A_188 = tpu.memref_slice %arg10[%add3A_20, %dma_start3A_187] : memref<10240x128xf32, #tpu.memory_space<vmem_shared>> -> memref<128x128xf32, #tpu.memory_space<vmem_shared>>
      tpu.enqueue_dma source(%arg8 : memref<128x128xf32, #tpu.memory_space<vmem>>) target(%dma_start3A_188 : memref<128x128xf32, #tpu.memory_space<vmem_shared>>) target_semaphore(%run_scoped3A : memref<!tpu.dma_semaphore, #tpu.memory_space<semaphore_mem>>)
      %dma_wait3A_189 = arith.constant 0 : i32
      %dma_wait3A_190 = tpu.memref_slice %arg10[%add3A_20, %dma_wait3A_189] : memref<10240x128xf32, #tpu.memory_space<vmem_shared>> -> memref<128x128xf32, #tpu.memory_space<vmem_shared>>
      %dma_wait3A_191 = arith.constant 0 : i32
      %dma_wait3A_192 = tpu.memref_slice %arg10[%add3A_20, %dma_wait3A_191] : memref<10240x128xf32, #tpu.memory_space<vmem_shared>> -> memref<128x128xf32, #tpu.memory_space<vmem_shared>>
      tpu.wait_dma2 semaphore(%run_scoped3A : memref<!tpu.dma_semaphore, #tpu.memory_space<semaphore_mem>>) src(%arg8 : memref<128x128xf32, #tpu.memory_space<vmem>>) dst(%dma_wait3A_192 : memref<128x128xf32, #tpu.memory_space<vmem_shared>>)
      tpu.yield
    }) : () -> ()
    %barrier3A = arith.constant 0 : index
    tpu.barrier barrier_id(%barrier3A)
    %dma_start3A = arith.constant 0 : i32
    %dma_start3A_21 = arith.constant 0 : i32
    %dma_start3A_22 = arith.constant 0 : i32
    %dma_start3A_23 = arith.constant 0 : i32
    %dma_start3A_24 = tpu.memref_slice %arg6[%dma_start3A_21, %dma_start3A_22, %dma_start3A_23] : memref<2x2x128xi32, #tpu.memory_space<vmem>> -> memref<1x2x128xi32, #tpu.memory_space<vmem>>
    %dma_start3A_25 = tpu.memref_squeeze %dma_start3A_24 : memref<1x2x128xi32, #tpu.memory_space<vmem>> -> memref<2x128xi32, #tpu.memory_space<vmem>>
    %dma_start3A_26 = arith.constant 0 : i32
    %dma_start3A_27 = arith.constant 0 : i32
    %dma_start3A_28 = tpu.memref_slice %arg2[%dma_start3A, %add3A, %dma_start3A_26, %dma_start3A_27] : memref<2x32x80x128xi32, #tpu.memory_space<hbm>> -> memref<1x1x2x128xi32, #tpu.memory_space<hbm>>
    %dma_start3A_29 = tpu.memref_squeeze %dma_start3A_28 : memref<1x1x2x128xi32, #tpu.memory_space<hbm>> -> memref<2x128xi32, #tpu.memory_space<hbm>>
    %dma_start3A_30 = arith.constant 0 : i32
    %dma_start3A_31 = arith.constant 0 : i32
    %dma_start3A_32 = tpu.memref_slice %arg6[%dma_start3A_21, %dma_start3A_30, %dma_start3A_31] : memref<2x2x128xi32, #tpu.memory_space<vmem>> -> memref<1x2x128xi32, #tpu.memory_space<vmem>>
    %dma_start3A_33 = tpu.memref_squeeze %dma_start3A_32 : memref<1x2x128xi32, #tpu.memory_space<vmem>> -> memref<2x128xi32, #tpu.memory_space<vmem>>
    %dma_start3A_34 = arith.constant 0 : i32
    %dma_start3A_35 = arith.constant 0 : i32
    %dma_start3A_36 = tpu.memref_slice %arg2[%dma_start3A, %add3A, %dma_start3A_34, %dma_start3A_35] : memref<2x32x80x128xi32, #tpu.memory_space<hbm>> -> memref<1x1x2x128xi32, #tpu.memory_space<hbm>>
    %dma_start3A_37 = tpu.memref_squeeze %dma_start3A_36 : memref<1x1x2x128xi32, #tpu.memory_space<hbm>> -> memref<2x128xi32, #tpu.memory_space<hbm>>
    tpu.enqueue_dma source(%dma_start3A_37 : memref<2x128xi32, #tpu.memory_space<hbm>>) target(%dma_start3A_33 : memref<2x128xi32, #tpu.memory_space<vmem>>) target_semaphore(%arg11 : memref<!tpu.dma_semaphore, #tpu.memory_space<semaphore_mem>>)
    %dma_start3A_38 = arith.constant 1 : i32
    %dma_start3A_39 = arith.constant 0 : i32
    %dma_start3A_40 = arith.constant 0 : i32
    %dma_start3A_41 = arith.constant 0 : i32
    %dma_start3A_42 = tpu.memref_slice %arg7[%dma_start3A_39, %dma_start3A_40, %dma_start3A_41] : memref<2x2x128xi32, #tpu.memory_space<vmem>> -> memref<1x2x128xi32, #tpu.memory_space<vmem>>
    %dma_start3A_43 = tpu.memref_squeeze %dma_start3A_42 : memref<1x2x128xi32, #tpu.memory_space<vmem>> -> memref<2x128xi32, #tpu.memory_space<vmem>>
    %dma_start3A_44 = arith.constant 0 : i32
    %dma_start3A_45 = arith.constant 0 : i32
    %dma_start3A_46 = tpu.memref_slice %arg2[%dma_start3A_38, %add3A, %dma_start3A_44, %dma_start3A_45] : memref<2x32x80x128xi32, #tpu.memory_space<hbm>> -> memref<1x1x2x128xi32, #tpu.memory_space<hbm>>
    %dma_start3A_47 = tpu.memref_squeeze %dma_start3A_46 : memref<1x1x2x128xi32, #tpu.memory_space<hbm>> -> memref<2x128xi32, #tpu.memory_space<hbm>>
    %dma_start3A_48 = arith.constant 0 : i32
    %dma_start3A_49 = arith.constant 0 : i32
    %dma_start3A_50 = tpu.memref_slice %arg7[%dma_start3A_39, %dma_start3A_48, %dma_start3A_49] : memref<2x2x128xi32, #tpu.memory_space<vmem>> -> memref<1x2x128xi32, #tpu.memory_space<vmem>>
    %dma_start3A_51 = tpu.memref_squeeze %dma_start3A_50 : memref<1x2x128xi32, #tpu.memory_space<vmem>> -> memref<2x128xi32, #tpu.memory_space<vmem>>
    %dma_start3A_52 = arith.constant 0 : i32
    %dma_start3A_53 = arith.constant 0 : i32
    %dma_start3A_54 = tpu.memref_slice %arg2[%dma_start3A_38, %add3A, %dma_start3A_52, %dma_start3A_53] : memref<2x32x80x128xi32, #tpu.memory_space<hbm>> -> memref<1x1x2x128xi32, #tpu.memory_space<hbm>>
    %dma_start3A_55 = tpu.memref_squeeze %dma_start3A_54 : memref<1x1x2x128xi32, #tpu.memory_space<hbm>> -> memref<2x128xi32, #tpu.memory_space<hbm>>
    tpu.enqueue_dma source(%dma_start3A_55 : memref<2x128xi32, #tpu.memory_space<hbm>>) target(%dma_start3A_51 : memref<2x128xi32, #tpu.memory_space<vmem>>) target_semaphore(%arg11 : memref<!tpu.dma_semaphore, #tpu.memory_space<semaphore_mem>>)
    %dma_start3A_56 = arith.constant 0 : i32
    %dma_start3A_57 = arith.constant 1 : i32
    %dma_start3A_58 = arith.constant 0 : i32
    %dma_start3A_59 = arith.constant 0 : i32
    %dma_start3A_60 = tpu.memref_slice %arg6[%dma_start3A_57, %dma_start3A_58, %dma_start3A_59] : memref<2x2x128xi32, #tpu.memory_space<vmem>> -> memref<1x2x128xi32, #tpu.memory_space<vmem>>
    %dma_start3A_61 = tpu.memref_squeeze %dma_start3A_60 : memref<1x2x128xi32, #tpu.memory_space<vmem>> -> memref<2x128xi32, #tpu.memory_space<vmem>>
    %dma_start3A_62 = arith.constant 2 : i32
    %dma_start3A_63 = arith.constant 0 : i32
    %dma_start3A_64 = tpu.memref_slice %arg2[%dma_start3A_56, %add3A, %dma_start3A_62, %dma_start3A_63] : memref<2x32x80x128xi32, #tpu.memory_space<hbm>> -> memref<1x1x2x128xi32, #tpu.memory_space<hbm>>
    %dma_start3A_65 = tpu.memref_squeeze %dma_start3A_64 : memref<1x1x2x128xi32, #tpu.memory_space<hbm>> -> memref<2x128xi32, #tpu.memory_space<hbm>>
    %dma_start3A_66 = arith.constant 0 : i32
    %dma_start3A_67 = arith.constant 0 : i32
    %dma_start3A_68 = tpu.memref_slice %arg6[%dma_start3A_57, %dma_start3A_66, %dma_start3A_67] : memref<2x2x128xi32, #tpu.memory_space<vmem>> -> memref<1x2x128xi32, #tpu.memory_space<vmem>>
    %dma_start3A_69 = tpu.memref_squeeze %dma_start3A_68 : memref<1x2x128xi32, #tpu.memory_space<vmem>> -> memref<2x128xi32, #tpu.memory_space<vmem>>
    %dma_start3A_70 = arith.constant 2 : i32
    %dma_start3A_71 = arith.constant 0 : i32
    %dma_start3A_72 = tpu.memref_slice %arg2[%dma_start3A_56, %add3A, %dma_start3A_70, %dma_start3A_71] : memref<2x32x80x128xi32, #tpu.memory_space<hbm>> -> memref<1x1x2x128xi32, #tpu.memory_space<hbm>>
    %dma_start3A_73 = tpu.memref_squeeze %dma_start3A_72 : memref<1x1x2x128xi32, #tpu.memory_space<hbm>> -> memref<2x128xi32, #tpu.memory_space<hbm>>
    tpu.enqueue_dma source(%dma_start3A_73 : memref<2x128xi32, #tpu.memory_space<hbm>>) target(%dma_start3A_69 : memref<2x128xi32, #tpu.memory_space<vmem>>) target_semaphore(%arg12 : memref<!tpu.dma_semaphore, #tpu.memory_space<semaphore_mem>>)
    %dma_start3A_74 = arith.constant 1 : i32
    %dma_start3A_75 = arith.constant 1 : i32
    %dma_start3A_76 = arith.constant 0 : i32
    %dma_start3A_77 = arith.constant 0 : i32
    %dma_start3A_78 = tpu.memref_slice %arg7[%dma_start3A_75, %dma_start3A_76, %dma_start3A_77] : memref<2x2x128xi32, #tpu.memory_space<vmem>> -> memref<1x2x128xi32, #tpu.memory_space<vmem>>
    %dma_start3A_79 = tpu.memref_squeeze %dma_start3A_78 : memref<1x2x128xi32, #tpu.memory_space<vmem>> -> memref<2x128xi32, #tpu.memory_space<vmem>>
    %dma_start3A_80 = arith.constant 2 : i32
    %dma_start3A_81 = arith.constant 0 : i32
    %dma_start3A_82 = tpu.memref_slice %arg2[%dma_start3A_74, %add3A, %dma_start3A_80, %dma_start3A_81] : memref<2x32x80x128xi32, #tpu.memory_space<hbm>> -> memref<1x1x2x128xi32, #tpu.memory_space<hbm>>
    %dma_start3A_83 = tpu.memref_squeeze %dma_start3A_82 : memref<1x1x2x128xi32, #tpu.memory_space<hbm>> -> memref<2x128xi32, #tpu.memory_space<hbm>>
    %dma_start3A_84 = arith.constant 0 : i32
    %dma_start3A_85 = arith.constant 0 : i32
    %dma_start3A_86 = tpu.memref_slice %arg7[%dma_start3A_75, %dma_start3A_84, %dma_start3A_85] : memref<2x2x128xi32, #tpu.memory_space<vmem>> -> memref<1x2x128xi32, #tpu.memory_space<vmem>>
    %dma_start3A_87 = tpu.memref_squeeze %dma_start3A_86 : memref<1x2x128xi32, #tpu.memory_space<vmem>> -> memref<2x128xi32, #tpu.memory_space<vmem>>
    %dma_start3A_88 = arith.constant 2 : i32
    %dma_start3A_89 = arith.constant 0 : i32
    %dma_start3A_90 = tpu.memref_slice %arg2[%dma_start3A_74, %add3A, %dma_start3A_88, %dma_start3A_89] : memref<2x32x80x128xi32, #tpu.memory_space<hbm>> -> memref<1x1x2x128xi32, #tpu.memory_space<hbm>>
    %dma_start3A_91 = tpu.memref_squeeze %dma_start3A_90 : memref<1x1x2x128xi32, #tpu.memory_space<hbm>> -> memref<2x128xi32, #tpu.memory_space<hbm>>
    tpu.enqueue_dma source(%dma_start3A_91 : memref<2x128xi32, #tpu.memory_space<hbm>>) target(%dma_start3A_87 : memref<2x128xi32, #tpu.memory_space<vmem>>) target_semaphore(%arg12 : memref<!tpu.dma_semaphore, #tpu.memory_space<semaphore_mem>>)
    %dma_wait3A = arith.constant 0 : i32
    %dma_wait3A_92 = arith.constant 0 : i32
    %dma_wait3A_93 = arith.constant 0 : i32
    %dma_wait3A_94 = arith.constant 0 : i32
    %dma_wait3A_95 = tpu.memref_slice %arg6[%dma_wait3A_92, %dma_wait3A_93, %dma_wait3A_94] : memref<2x2x128xi32, #tpu.memory_space<vmem>> -> memref<1x2x128xi32, #tpu.memory_space<vmem>>
    %dma_wait3A_96 = tpu.memref_squeeze %dma_wait3A_95 : memref<1x2x128xi32, #tpu.memory_space<vmem>> -> memref<2x128xi32, #tpu.memory_space<vmem>>
    %dma_wait3A_97 = arith.constant 0 : i32
    %dma_wait3A_98 = arith.constant 0 : i32
    %dma_wait3A_99 = tpu.memref_slice %arg2[%dma_wait3A, %add3A, %dma_wait3A_97, %dma_wait3A_98] : memref<2x32x80x128xi32, #tpu.memory_space<hbm>> -> memref<1x1x2x128xi32, #tpu.memory_space<hbm>>
    %dma_wait3A_100 = tpu.memref_squeeze %dma_wait3A_99 : memref<1x1x2x128xi32, #tpu.memory_space<hbm>> -> memref<2x128xi32, #tpu.memory_space<hbm>>
    %dma_wait3A_101 = arith.constant 0 : i32
    %dma_wait3A_102 = arith.constant 0 : i32
    %dma_wait3A_103 = tpu.memref_slice %arg6[%dma_wait3A_92, %dma_wait3A_101, %dma_wait3A_102] : memref<2x2x128xi32, #tpu.memory_space<vmem>> -> memref<1x2x128xi32, #tpu.memory_space<vmem>>
    %dma_wait3A_104 = tpu.memref_squeeze %dma_wait3A_103 : memref<1x2x128xi32, #tpu.memory_space<vmem>> -> memref<2x128xi32, #tpu.memory_space<vmem>>
    %dma_wait3A_105 = arith.constant 0 : i32
    %dma_wait3A_106 = arith.constant 0 : i32
    %dma_wait3A_107 = tpu.memref_slice %arg2[%dma_wait3A, %add3A, %dma_wait3A_105, %dma_wait3A_106] : memref<2x32x80x128xi32, #tpu.memory_space<hbm>> -> memref<1x1x2x128xi32, #tpu.memory_space<hbm>>
    %dma_wait3A_108 = tpu.memref_squeeze %dma_wait3A_107 : memref<1x1x2x128xi32, #tpu.memory_space<hbm>> -> memref<2x128xi32, #tpu.memory_space<hbm>>
    tpu.wait_dma2 semaphore(%arg11 : memref<!tpu.dma_semaphore, #tpu.memory_space<semaphore_mem>>) src(%dma_wait3A_108 : memref<2x128xi32, #tpu.memory_space<hbm>>) dst(%dma_wait3A_104 : memref<2x128xi32, #tpu.memory_space<vmem>>)
    %dma_wait3A_109 = arith.constant 1 : i32
    %dma_wait3A_110 = arith.constant 0 : i32
    %dma_wait3A_111 = arith.constant 0 : i32
    %dma_wait3A_112 = arith.constant 0 : i32
    %dma_wait3A_113 = tpu.memref_slice %arg7[%dma_wait3A_110, %dma_wait3A_111, %dma_wait3A_112] : memref<2x2x128xi32, #tpu.memory_space<vmem>> -> memref<1x2x128xi32, #tpu.memory_space<vmem>>
    %dma_wait3A_114 = tpu.memref_squeeze %dma_wait3A_113 : memref<1x2x128xi32, #tpu.memory_space<vmem>> -> memref<2x128xi32, #tpu.memory_space<vmem>>
    %dma_wait3A_115 = arith.constant 0 : i32
    %dma_wait3A_116 = arith.constant 0 : i32
    %dma_wait3A_117 = tpu.memref_slice %arg2[%dma_wait3A_109, %add3A, %dma_wait3A_115, %dma_wait3A_116] : memref<2x32x80x128xi32, #tpu.memory_space<hbm>> -> memref<1x1x2x128xi32, #tpu.memory_space<hbm>>
    %dma_wait3A_118 = tpu.memref_squeeze %dma_wait3A_117 : memref<1x1x2x128xi32, #tpu.memory_space<hbm>> -> memref<2x128xi32, #tpu.memory_space<hbm>>
    %dma_wait3A_119 = arith.constant 0 : i32
    %dma_wait3A_120 = arith.constant 0 : i32
    %dma_wait3A_121 = tpu.memref_slice %arg7[%dma_wait3A_110, %dma_wait3A_119, %dma_wait3A_120] : memref<2x2x128xi32, #tpu.memory_space<vmem>> -> memref<1x2x128xi32, #tpu.memory_space<vmem>>
    %dma_wait3A_122 = tpu.memref_squeeze %dma_wait3A_121 : memref<1x2x128xi32, #tpu.memory_space<vmem>> -> memref<2x128xi32, #tpu.memory_space<vmem>>
    %dma_wait3A_123 = arith.constant 0 : i32
    %dma_wait3A_124 = arith.constant 0 : i32
    %dma_wait3A_125 = tpu.memref_slice %arg2[%dma_wait3A_109, %add3A, %dma_wait3A_123, %dma_wait3A_124] : memref<2x32x80x128xi32, #tpu.memory_space<hbm>> -> memref<1x1x2x128xi32, #tpu.memory_space<hbm>>
    %dma_wait3A_126 = tpu.memref_squeeze %dma_wait3A_125 : memref<1x1x2x128xi32, #tpu.memory_space<hbm>> -> memref<2x128xi32, #tpu.memory_space<hbm>>
    tpu.wait_dma2 semaphore(%arg11 : memref<!tpu.dma_semaphore, #tpu.memory_space<semaphore_mem>>) src(%dma_wait3A_126 : memref<2x128xi32, #tpu.memory_space<hbm>>) dst(%dma_wait3A_122 : memref<2x128xi32, #tpu.memory_space<vmem>>)
    %dma_start3A_127 = arith.constant 0 : i32
    %dma_start3A_128 = arith.constant 0 : i32
    %dma_start3A_129 = arith.constant 0 : i32
    %dma_start3A_130 = tpu.memref_slice %arg6[%dma_start3A_127, %dma_start3A_128, %dma_start3A_129] : memref<2x2x128xi32, #tpu.memory_space<vmem>> -> memref<1x1x128xi32, #tpu.memory_space<vmem>>
    %dma_start3A_131 = tpu.memref_squeeze %dma_start3A_130 : memref<1x1x128xi32, #tpu.memory_space<vmem>> -> memref<128xi32, #tpu.memory_space<vmem>>
    %dma_start3A_132 = arith.constant 0 : i32
    %dma_start3A_133 = arith.constant 0 : i32
    %dma_start3A_134 = tpu.memref_slice %arg3[%dma_start3A_132, %dma_start3A_133] : memref<10240x128xf32, #tpu.memory_space<hbm>> -> memref<10240x128xf32, #tpu.memory_space<hbm>>
    tpu.enqueue_indirect_dma source(%dma_start3A_134 : memref<10240x128xf32, #tpu.memory_space<hbm>>) target(%arg8 : memref<128x128xf32, #tpu.memory_space<vmem>>) offsets(%dma_start3A_131 : memref<128xi32, #tpu.memory_space<vmem>>) semaphore(%arg13 : memref<!tpu.dma_semaphore, #tpu.memory_space<semaphore_mem>>)
    %dma_start3A_135 = arith.constant 0 : i32
    %dma_start3A_136 = arith.constant 1 : i32
    %dma_start3A_137 = arith.constant 0 : i32
    %dma_start3A_138 = tpu.memref_slice %arg6[%dma_start3A_135, %dma_start3A_136, %dma_start3A_137] : memref<2x2x128xi32, #tpu.memory_space<vmem>> -> memref<1x1x128xi32, #tpu.memory_space<vmem>>
    %dma_start3A_139 = tpu.memref_squeeze %dma_start3A_138 : memref<1x1x128xi32, #tpu.memory_space<vmem>> -> memref<128xi32, #tpu.memory_space<vmem>>
    %dma_start3A_140 = arith.constant 0 : i32
    %dma_start3A_141 = arith.constant 0 : i32
    %dma_start3A_142 = tpu.memref_slice %arg3[%dma_start3A_140, %dma_start3A_141] : memref<10240x128xf32, #tpu.memory_space<hbm>> -> memref<10240x128xf32, #tpu.memory_space<hbm>>
    tpu.enqueue_indirect_dma source(%dma_start3A_142 : memref<10240x128xf32, #tpu.memory_space<hbm>>) target(%arg9 : memref<128x128xf32, #tpu.memory_space<vmem>>) offsets(%dma_start3A_139 : memref<128xi32, #tpu.memory_space<vmem>>) semaphore(%arg14 : memref<!tpu.dma_semaphore, #tpu.memory_space<semaphore_mem>>)
    %scan3A = arith.constant 0 : i32
    %scan3A_143 = arith.constant 0 : i32
    %scan3A_144 = arith.constant 20 : i32
    %scan3A_145 = arith.addi %scan3A_143, %scan3A_144 : i32
    %scan3A_146 = arith.constant 1 : i32
    scf.for %scan3A_185 = %scan3A_143 to %scan3A_145 step %scan3A_146  : i32 {
      %mul3A_186 = arith.constant 4 : i32
      %mul3A_187 = arith.muli %mul3A_186, %scan3A_185 : i32
      %dma_wait3A_188 = arith.constant 0 : i32
      %dma_wait3A_189 = arith.constant 0 : i32
      %dma_wait3A_190 = arith.constant 0 : i32
      %dma_wait3A_191 = tpu.memref_slice %arg6[%dma_wait3A_188, %dma_wait3A_189, %dma_wait3A_190] : memref<2x2x128xi32, #tpu.memory_space<vmem>> -> memref<1x1x128xi32, #tpu.memory_space<vmem>>
      %dma_wait3A_192 = tpu.memref_squeeze %dma_wait3A_191 : memref<1x1x128xi32, #tpu.memory_space<vmem>> -> memref<128xi32, #tpu.memory_space<vmem>>
      %dma_wait3A_193 = arith.constant 0 : i32
      %dma_wait3A_194 = arith.constant 0 : i32
      %dma_wait3A_195 = tpu.memref_slice %arg3[%dma_wait3A_193, %dma_wait3A_194] : memref<10240x128xf32, #tpu.memory_space<hbm>> -> memref<10240x128xf32, #tpu.memory_space<hbm>>
      tpu.wait_indirect_dma semaphore(%arg13 : memref<!tpu.dma_semaphore, #tpu.memory_space<semaphore_mem>>) src(%dma_wait3A_195 : memref<10240x128xf32, #tpu.memory_space<hbm>>) dst(%arg8 : memref<128x128xf32, #tpu.memory_space<vmem>>)
      %dma_start3A_196 = arith.constant 0 : i32
      %dma_start3A_197 = arith.constant 0 : i32
      %dma_start3A_198 = arith.constant 0 : i32
      %dma_start3A_199 = tpu.memref_slice %arg7[%dma_start3A_196, %dma_start3A_197, %dma_start3A_198] : memref<2x2x128xi32, #tpu.memory_space<vmem>> -> memref<1x1x128xi32, #tpu.memory_space<vmem>>
      %dma_start3A_200 = tpu.memref_squeeze %dma_start3A_199 : memref<1x1x128xi32, #tpu.memory_space<vmem>> -> memref<128xi32, #tpu.memory_space<vmem>>
      %dma_start3A_201 = arith.constant 0 : i32
      %dma_start3A_202 = arith.constant 0 : i32
      %dma_start3A_203 = tpu.memref_slice %arg10[%dma_start3A_201, %dma_start3A_202] : memref<10240x128xf32, #tpu.memory_space<vmem_shared>> -> memref<10240x128xf32, #tpu.memory_space<vmem_shared>>
      tpu.enqueue_indirect_dma source(%arg8 : memref<128x128xf32, #tpu.memory_space<vmem>>) target(%dma_start3A_203 : memref<10240x128xf32, #tpu.memory_space<vmem_shared>>) offsets(%dma_start3A_200 : memref<128xi32, #tpu.memory_space<vmem>>) semaphore(%arg15 : memref<!tpu.dma_semaphore, #tpu.memory_space<semaphore_mem>>) {add = true}
      %dma_wait3A_204 = arith.constant 0 : i32
      %dma_wait3A_205 = arith.constant 1 : i32
      %dma_wait3A_206 = arith.constant 0 : i32
      %dma_wait3A_207 = tpu.memref_slice %arg6[%dma_wait3A_204, %dma_wait3A_205, %dma_wait3A_206] : memref<2x2x128xi32, #tpu.memory_space<vmem>> -> memref<1x1x128xi32, #tpu.memory_space<vmem>>
      %dma_wait3A_208 = tpu.memref_squeeze %dma_wait3A_207 : memref<1x1x128xi32, #tpu.memory_space<vmem>> -> memref<128xi32, #tpu.memory_space<vmem>>
      %dma_wait3A_209 = arith.constant 0 : i32
      %dma_wait3A_210 = arith.constant 0 : i32
      %dma_wait3A_211 = tpu.memref_slice %arg3[%dma_wait3A_209, %dma_wait3A_210] : memref<10240x128xf32, #tpu.memory_space<hbm>> -> memref<10240x128xf32, #tpu.memory_space<hbm>>
      tpu.wait_indirect_dma semaphore(%arg14 : memref<!tpu.dma_semaphore, #tpu.memory_space<semaphore_mem>>) src(%dma_wait3A_211 : memref<10240x128xf32, #tpu.memory_space<hbm>>) dst(%arg9 : memref<128x128xf32, #tpu.memory_space<vmem>>)
      %dma_start3A_212 = arith.constant 0 : i32
      %dma_start3A_213 = arith.constant 1 : i32
      %dma_start3A_214 = arith.constant 0 : i32
      %dma_start3A_215 = tpu.memref_slice %arg7[%dma_start3A_212, %dma_start3A_213, %dma_start3A_214] : memref<2x2x128xi32, #tpu.memory_space<vmem>> -> memref<1x1x128xi32, #tpu.memory_space<vmem>>
      %dma_start3A_216 = tpu.memref_squeeze %dma_start3A_215 : memref<1x1x128xi32, #tpu.memory_space<vmem>> -> memref<128xi32, #tpu.memory_space<vmem>>
      %dma_start3A_217 = arith.constant 0 : i32
      %dma_start3A_218 = arith.constant 0 : i32
      %dma_start3A_219 = tpu.memref_slice %arg10[%dma_start3A_217, %dma_start3A_218] : memref<10240x128xf32, #tpu.memory_space<vmem_shared>> -> memref<10240x128xf32, #tpu.memory_space<vmem_shared>>
      tpu.enqueue_indirect_dma source(%arg9 : memref<128x128xf32, #tpu.memory_space<vmem>>) target(%dma_start3A_219 : memref<10240x128xf32, #tpu.memory_space<vmem_shared>>) offsets(%dma_start3A_216 : memref<128xi32, #tpu.memory_space<vmem>>) semaphore(%arg16 : memref<!tpu.dma_semaphore, #tpu.memory_space<semaphore_mem>>) {add = true}
      %add3A_220 = arith.constant 2 : i32
      %add3A_221 = arith.addi %mul3A_187, %add3A_220 : i32
      %lt3A = arith.constant 80 : i32
      %lt3A_222 = arith.cmpi slt, %add3A_221, %lt3A : i32
      %convert_element_type3A = arith.extui %lt3A_222 : i1 to i32
      %cond3A = arith.constant 0 : i32
      %cond3A_223 = arith.cmpi ne, %convert_element_type3A, %cond3A : i32
      scf.if %cond3A_223 {
        %dma_wait3A_265 = arith.constant 0 : i32
        %dma_wait3A_266 = arith.constant 1 : i32
        %dma_wait3A_267 = arith.constant 0 : i32
        %dma_wait3A_268 = arith.constant 0 : i32
        %dma_wait3A_269 = tpu.memref_slice %arg6[%dma_wait3A_266, %dma_wait3A_267, %dma_wait3A_268] : memref<2x2x128xi32, #tpu.memory_space<vmem>> -> memref<1x2x128xi32, #tpu.memory_space<vmem>>
        %dma_wait3A_270 = tpu.memref_squeeze %dma_wait3A_269 : memref<1x2x128xi32, #tpu.memory_space<vmem>> -> memref<2x128xi32, #tpu.memory_space<vmem>>
        %dma_wait3A_271 = arith.constant 0 : i32
        %dma_wait3A_272 = arith.constant 0 : i32
        %dma_wait3A_273 = tpu.memref_slice %arg2[%dma_wait3A_265, %add3A, %dma_wait3A_271, %dma_wait3A_272] : memref<2x32x80x128xi32, #tpu.memory_space<hbm>> -> memref<1x1x2x128xi32, #tpu.memory_space<hbm>>
        %dma_wait3A_274 = tpu.memref_squeeze %dma_wait3A_273 : memref<1x1x2x128xi32, #tpu.memory_space<hbm>> -> memref<2x128xi32, #tpu.memory_space<hbm>>
        %dma_wait3A_275 = arith.constant 0 : i32
        %dma_wait3A_276 = arith.constant 0 : i32
        %dma_wait3A_277 = tpu.memref_slice %arg6[%dma_wait3A_266, %dma_wait3A_275, %dma_wait3A_276] : memref<2x2x128xi32, #tpu.memory_space<vmem>> -> memref<1x2x128xi32, #tpu.memory_space<vmem>>
        %dma_wait3A_278 = tpu.memref_squeeze %dma_wait3A_277 : memref<1x2x128xi32, #tpu.memory_space<vmem>> -> memref<2x128xi32, #tpu.memory_space<vmem>>
        %dma_wait3A_279 = arith.constant 0 : i32
        %dma_wait3A_280 = arith.constant 0 : i32
        %dma_wait3A_281 = tpu.memref_slice %arg2[%dma_wait3A_265, %add3A, %dma_wait3A_279, %dma_wait3A_280] : memref<2x32x80x128xi32, #tpu.memory_space<hbm>> -> memref<1x1x2x128xi32, #tpu.memory_space<hbm>>
        %dma_wait3A_282 = tpu.memref_squeeze %dma_wait3A_281 : memref<1x1x2x128xi32, #tpu.memory_space<hbm>> -> memref<2x128xi32, #tpu.memory_space<hbm>>
        tpu.wait_dma2 semaphore(%arg12 : memref<!tpu.dma_semaphore, #tpu.memory_space<semaphore_mem>>) src(%dma_wait3A_282 : memref<2x128xi32, #tpu.memory_space<hbm>>) dst(%dma_wait3A_278 : memref<2x128xi32, #tpu.memory_space<vmem>>)
        %dma_wait3A_283 = arith.constant 1 : i32
        %dma_wait3A_284 = arith.constant 1 : i32
        %dma_wait3A_285 = arith.constant 0 : i32
        %dma_wait3A_286 = arith.constant 0 : i32
        %dma_wait3A_287 = tpu.memref_slice %arg7[%dma_wait3A_284, %dma_wait3A_285, %dma_wait3A_286] : memref<2x2x128xi32, #tpu.memory_space<vmem>> -> memref<1x2x128xi32, #tpu.memory_space<vmem>>
        %dma_wait3A_288 = tpu.memref_squeeze %dma_wait3A_287 : memref<1x2x128xi32, #tpu.memory_space<vmem>> -> memref<2x128xi32, #tpu.memory_space<vmem>>
        %dma_wait3A_289 = arith.constant 0 : i32
        %dma_wait3A_290 = arith.constant 0 : i32
        %dma_wait3A_291 = tpu.memref_slice %arg2[%dma_wait3A_283, %add3A, %dma_wait3A_289, %dma_wait3A_290] : memref<2x32x80x128xi32, #tpu.memory_space<hbm>> -> memref<1x1x2x128xi32, #tpu.memory_space<hbm>>
        %dma_wait3A_292 = tpu.memref_squeeze %dma_wait3A_291 : memref<1x1x2x128xi32, #tpu.memory_space<hbm>> -> memref<2x128xi32, #tpu.memory_space<hbm>>
        %dma_wait3A_293 = arith.constant 0 : i32
        %dma_wait3A_294 = arith.constant 0 : i32
        %dma_wait3A_295 = tpu.memref_slice %arg7[%dma_wait3A_284, %dma_wait3A_293, %dma_wait3A_294] : memref<2x2x128xi32, #tpu.memory_space<vmem>> -> memref<1x2x128xi32, #tpu.memory_space<vmem>>
        %dma_wait3A_296 = tpu.memref_squeeze %dma_wait3A_295 : memref<1x2x128xi32, #tpu.memory_space<vmem>> -> memref<2x128xi32, #tpu.memory_space<vmem>>
        %dma_wait3A_297 = arith.constant 0 : i32
        %dma_wait3A_298 = arith.constant 0 : i32
        %dma_wait3A_299 = tpu.memref_slice %arg2[%dma_wait3A_283, %add3A, %dma_wait3A_297, %dma_wait3A_298] : memref<2x32x80x128xi32, #tpu.memory_space<hbm>> -> memref<1x1x2x128xi32, #tpu.memory_space<hbm>>
        %dma_wait3A_300 = tpu.memref_squeeze %dma_wait3A_299 : memref<1x1x2x128xi32, #tpu.memory_space<hbm>> -> memref<2x128xi32, #tpu.memory_space<hbm>>
        tpu.wait_dma2 semaphore(%arg12 : memref<!tpu.dma_semaphore, #tpu.memory_space<semaphore_mem>>) src(%dma_wait3A_300 : memref<2x128xi32, #tpu.memory_space<hbm>>) dst(%dma_wait3A_296 : memref<2x128xi32, #tpu.memory_space<vmem>>)
        %dma_wait3A_301 = arith.constant 0 : i32
        %dma_wait3A_302 = arith.constant 0 : i32
        %dma_wait3A_303 = arith.constant 0 : i32
        %dma_wait3A_304 = tpu.memref_slice %arg7[%dma_wait3A_301, %dma_wait3A_302, %dma_wait3A_303] : memref<2x2x128xi32, #tpu.memory_space<vmem>> -> memref<1x1x128xi32, #tpu.memory_space<vmem>>
        %dma_wait3A_305 = tpu.memref_squeeze %dma_wait3A_304 : memref<1x1x128xi32, #tpu.memory_space<vmem>> -> memref<128xi32, #tpu.memory_space<vmem>>
        %dma_wait3A_306 = arith.constant 0 : i32
        %dma_wait3A_307 = arith.constant 0 : i32
        %dma_wait3A_308 = tpu.memref_slice %arg10[%dma_wait3A_306, %dma_wait3A_307] : memref<10240x128xf32, #tpu.memory_space<vmem_shared>> -> memref<10240x128xf32, #tpu.memory_space<vmem_shared>>
        tpu.wait_indirect_dma semaphore(%arg15 : memref<!tpu.dma_semaphore, #tpu.memory_space<semaphore_mem>>) src(%arg8 : memref<128x128xf32, #tpu.memory_space<vmem>>) dst(%dma_wait3A_308 : memref<10240x128xf32, #tpu.memory_space<vmem_shared>>)
        %dma_start3A_309 = arith.constant 1 : i32
        %dma_start3A_310 = arith.constant 0 : i32
        %dma_start3A_311 = arith.constant 0 : i32
        %dma_start3A_312 = tpu.memref_slice %arg6[%dma_start3A_309, %dma_start3A_310, %dma_start3A_311] : memref<2x2x128xi32, #tpu.memory_space<vmem>> -> memref<1x1x128xi32, #tpu.memory_space<vmem>>
        %dma_start3A_313 = tpu.memref_squeeze %dma_start3A_312 : memref<1x1x128xi32, #tpu.memory_space<vmem>> -> memref<128xi32, #tpu.memory_space<vmem>>
        %dma_start3A_314 = arith.constant 0 : i32
        %dma_start3A_315 = arith.constant 0 : i32
        %dma_start3A_316 = tpu.memref_slice %arg3[%dma_start3A_314, %dma_start3A_315] : memref<10240x128xf32, #tpu.memory_space<hbm>> -> memref<10240x128xf32, #tpu.memory_space<hbm>>
        tpu.enqueue_indirect_dma source(%dma_start3A_316 : memref<10240x128xf32, #tpu.memory_space<hbm>>) target(%arg8 : memref<128x128xf32, #tpu.memory_space<vmem>>) offsets(%dma_start3A_313 : memref<128xi32, #tpu.memory_space<vmem>>) semaphore(%arg13 : memref<!tpu.dma_semaphore, #tpu.memory_space<semaphore_mem>>)
        %dma_wait3A_317 = arith.constant 0 : i32
        %dma_wait3A_318 = arith.constant 1 : i32
        %dma_wait3A_319 = arith.constant 0 : i32
        %dma_wait3A_320 = tpu.memref_slice %arg7[%dma_wait3A_317, %dma_wait3A_318, %dma_wait3A_319] : memref<2x2x128xi32, #tpu.memory_space<vmem>> -> memref<1x1x128xi32, #tpu.memory_space<vmem>>
        %dma_wait3A_321 = tpu.memref_squeeze %dma_wait3A_320 : memref<1x1x128xi32, #tpu.memory_space<vmem>> -> memref<128xi32, #tpu.memory_space<vmem>>
        %dma_wait3A_322 = arith.constant 0 : i32
        %dma_wait3A_323 = arith.constant 0 : i32
        %dma_wait3A_324 = tpu.memref_slice %arg10[%dma_wait3A_322, %dma_wait3A_323] : memref<10240x128xf32, #tpu.memory_space<vmem_shared>> -> memref<10240x128xf32, #tpu.memory_space<vmem_shared>>
        tpu.wait_indirect_dma semaphore(%arg16 : memref<!tpu.dma_semaphore, #tpu.memory_space<semaphore_mem>>) src(%arg9 : memref<128x128xf32, #tpu.memory_space<vmem>>) dst(%dma_wait3A_324 : memref<10240x128xf32, #tpu.memory_space<vmem_shared>>)
        %dma_start3A_325 = arith.constant 1 : i32
        %dma_start3A_326 = arith.constant 1 : i32
        %dma_start3A_327 = arith.constant 0 : i32
        %dma_start3A_328 = tpu.memref_slice %arg6[%dma_start3A_325, %dma_start3A_326, %dma_start3A_327] : memref<2x2x128xi32, #tpu.memory_space<vmem>> -> memref<1x1x128xi32, #tpu.memory_space<vmem>>
        %dma_start3A_329 = tpu.memref_squeeze %dma_start3A_328 : memref<1x1x128xi32, #tpu.memory_space<vmem>> -> memref<128xi32, #tpu.memory_space<vmem>>
        %dma_start3A_330 = arith.constant 0 : i32
        %dma_start3A_331 = arith.constant 0 : i32
        %dma_start3A_332 = tpu.memref_slice %arg3[%dma_start3A_330, %dma_start3A_331] : memref<10240x128xf32, #tpu.memory_space<hbm>> -> memref<10240x128xf32, #tpu.memory_space<hbm>>
        tpu.enqueue_indirect_dma source(%dma_start3A_332 : memref<10240x128xf32, #tpu.memory_space<hbm>>) target(%arg9 : memref<128x128xf32, #tpu.memory_space<vmem>>) offsets(%dma_start3A_329 : memref<128xi32, #tpu.memory_space<vmem>>) semaphore(%arg14 : memref<!tpu.dma_semaphore, #tpu.memory_space<semaphore_mem>>)
        %add3A_333 = arith.constant 4 : i32
        %add3A_334 = arith.addi %mul3A_187, %add3A_333 : i32
        %lt3A_335 = arith.constant 80 : i32
        %lt3A_336 = arith.cmpi slt, %add3A_334, %lt3A_335 : i32
        %convert_element_type3A_337 = arith.extui %lt3A_336 : i1 to i32
        %cond3A_338 = arith.constant 0 : i32
        %cond3A_339 = arith.cmpi ne, %convert_element_type3A_337, %cond3A_338 : i32
        scf.if %cond3A_339 {
          %add3A_340 = arith.constant 4 : i32
          %add3A_341 = arith.addi %mul3A_187, %add3A_340 : i32
          %dma_start3A_342 = arith.constant 0 : i32
          %dma_start3A_343 = arith.constant 0 : i32
          %dma_start3A_344 = arith.constant 0 : i32
          %dma_start3A_345 = arith.constant 0 : i32
          %dma_start3A_346 = tpu.memref_slice %arg6[%dma_start3A_343, %dma_start3A_344, %dma_start3A_345] : memref<2x2x128xi32, #tpu.memory_space<vmem>> -> memref<1x2x128xi32, #tpu.memory_space<vmem>>
          %dma_start3A_347 = tpu.memref_squeeze %dma_start3A_346 : memref<1x2x128xi32, #tpu.memory_space<vmem>> -> memref<2x128xi32, #tpu.memory_space<vmem>>
          %dma_start3A_348 = arith.constant 0 : i32
          %dma_start3A_349 = tpu.memref_slice %arg2[%dma_start3A_342, %add3A, %add3A_341, %dma_start3A_348] : memref<2x32x80x128xi32, #tpu.memory_space<hbm>> -> memref<1x1x2x128xi32, #tpu.memory_space<hbm>>
          %dma_start3A_350 = tpu.memref_squeeze %dma_start3A_349 : memref<1x1x2x128xi32, #tpu.memory_space<hbm>> -> memref<2x128xi32, #tpu.memory_space<hbm>>
          %dma_start3A_351 = arith.constant 0 : i32
          %dma_start3A_352 = arith.constant 0 : i32
          %dma_start3A_353 = tpu.memref_slice %arg6[%dma_start3A_343, %dma_start3A_351, %dma_start3A_352] : memref<2x2x128xi32, #tpu.memory_space<vmem>> -> memref<1x2x128xi32, #tpu.memory_space<vmem>>
          %dma_start3A_354 = tpu.memref_squeeze %dma_start3A_353 : memref<1x2x128xi32, #tpu.memory_space<vmem>> -> memref<2x128xi32, #tpu.memory_space<vmem>>
          %dma_start3A_355 = arith.constant 0 : i32
          %dma_start3A_356 = tpu.memref_slice %arg2[%dma_start3A_342, %add3A, %add3A_341, %dma_start3A_355] : memref<2x32x80x128xi32, #tpu.memory_space<hbm>> -> memref<1x1x2x128xi32, #tpu.memory_space<hbm>>
          %dma_start3A_357 = tpu.memref_squeeze %dma_start3A_356 : memref<1x1x2x128xi32, #tpu.memory_space<hbm>> -> memref<2x128xi32, #tpu.memory_space<hbm>>
          tpu.enqueue_dma source(%dma_start3A_357 : memref<2x128xi32, #tpu.memory_space<hbm>>) target(%dma_start3A_354 : memref<2x128xi32, #tpu.memory_space<vmem>>) target_semaphore(%arg11 : memref<!tpu.dma_semaphore, #tpu.memory_space<semaphore_mem>>)
          %add3A_358 = arith.constant 4 : i32
          %add3A_359 = arith.addi %mul3A_187, %add3A_358 : i32
          %dma_start3A_360 = arith.constant 1 : i32
          %dma_start3A_361 = arith.constant 0 : i32
          %dma_start3A_362 = arith.constant 0 : i32
          %dma_start3A_363 = arith.constant 0 : i32
          %dma_start3A_364 = tpu.memref_slice %arg7[%dma_start3A_361, %dma_start3A_362, %dma_start3A_363] : memref<2x2x128xi32, #tpu.memory_space<vmem>> -> memref<1x2x128xi32, #tpu.memory_space<vmem>>
          %dma_start3A_365 = tpu.memref_squeeze %dma_start3A_364 : memref<1x2x128xi32, #tpu.memory_space<vmem>> -> memref<2x128xi32, #tpu.memory_space<vmem>>
          %dma_start3A_366 = arith.constant 0 : i32
          %dma_start3A_367 = tpu.memref_slice %arg2[%dma_start3A_360, %add3A, %add3A_359, %dma_start3A_366] : memref<2x32x80x128xi32, #tpu.memory_space<hbm>> -> memref<1x1x2x128xi32, #tpu.memory_space<hbm>>
          %dma_start3A_368 = tpu.memref_squeeze %dma_start3A_367 : memref<1x1x2x128xi32, #tpu.memory_space<hbm>> -> memref<2x128xi32, #tpu.memory_space<hbm>>
          %dma_start3A_369 = arith.constant 0 : i32
          %dma_start3A_370 = arith.constant 0 : i32
          %dma_start3A_371 = tpu.memref_slice %arg7[%dma_start3A_361, %dma_start3A_369, %dma_start3A_370] : memref<2x2x128xi32, #tpu.memory_space<vmem>> -> memref<1x2x128xi32, #tpu.memory_space<vmem>>
          %dma_start3A_372 = tpu.memref_squeeze %dma_start3A_371 : memref<1x2x128xi32, #tpu.memory_space<vmem>> -> memref<2x128xi32, #tpu.memory_space<vmem>>
          %dma_start3A_373 = arith.constant 0 : i32
          %dma_start3A_374 = tpu.memref_slice %arg2[%dma_start3A_360, %add3A, %add3A_359, %dma_start3A_373] : memref<2x32x80x128xi32, #tpu.memory_space<hbm>> -> memref<1x1x2x128xi32, #tpu.memory_space<hbm>>
          %dma_start3A_375 = tpu.memref_squeeze %dma_start3A_374 : memref<1x1x2x128xi32, #tpu.memory_space<hbm>> -> memref<2x128xi32, #tpu.memory_space<hbm>>
          tpu.enqueue_dma source(%dma_start3A_375 : memref<2x128xi32, #tpu.memory_space<hbm>>) target(%dma_start3A_372 : memref<2x128xi32, #tpu.memory_space<vmem>>) target_semaphore(%arg11 : memref<!tpu.dma_semaphore, #tpu.memory_space<semaphore_mem>>)
        } else {
        }
      } else {
      }
      %add3A_224 = arith.constant 2 : i32
      %add3A_225 = arith.addi %mul3A_187, %add3A_224 : i32
      %dma_wait3A_226 = arith.constant 1 : i32
      %dma_wait3A_227 = arith.constant 0 : i32
      %dma_wait3A_228 = arith.constant 0 : i32
      %dma_wait3A_229 = tpu.memref_slice %arg6[%dma_wait3A_226, %dma_wait3A_227, %dma_wait3A_228] : memref<2x2x128xi32, #tpu.memory_space<vmem>> -> memref<1x1x128xi32, #tpu.memory_space<vmem>>
      %dma_wait3A_230 = tpu.memref_squeeze %dma_wait3A_229 : memref<1x1x128xi32, #tpu.memory_space<vmem>> -> memref<128xi32, #tpu.memory_space<vmem>>
      %dma_wait3A_231 = arith.constant 0 : i32
      %dma_wait3A_232 = arith.constant 0 : i32
      %dma_wait3A_233 = tpu.memref_slice %arg3[%dma_wait3A_231, %dma_wait3A_232] : memref<10240x128xf32, #tpu.memory_space<hbm>> -> memref<10240x128xf32, #tpu.memory_space<hbm>>
      tpu.wait_indirect_dma semaphore(%arg13 : memref<!tpu.dma_semaphore, #tpu.memory_space<semaphore_mem>>) src(%dma_wait3A_233 : memref<10240x128xf32, #tpu.memory_space<hbm>>) dst(%arg8 : memref<128x128xf32, #tpu.memory_space<vmem>>)
      %dma_start3A_234 = arith.constant 1 : i32
      %dma_start3A_235 = arith.constant 0 : i32
      %dma_start3A_236 = arith.constant 0 : i32
      %dma_start3A_237 = tpu.memref_slice %arg7[%dma_start3A_234, %dma_start3A_235, %dma_start3A_236] : memref<2x2x128xi32, #tpu.memory_space<vmem>> -> memref<1x1x128xi32, #tpu.memory_space<vmem>>
      %dma_start3A_238 = tpu.memref_squeeze %dma_start3A_237 : memref<1x1x128xi32, #tpu.memory_space<vmem>> -> memref<128xi32, #tpu.memory_space<vmem>>
      %dma_start3A_239 = arith.constant 0 : i32
      %dma_start3A_240 = arith.constant 0 : i32
      %dma_start3A_241 = tpu.memref_slice %arg10[%dma_start3A_239, %dma_start3A_240] : memref<10240x128xf32, #tpu.memory_space<vmem_shared>> -> memref<10240x128xf32, #tpu.memory_space<vmem_shared>>
      tpu.enqueue_indirect_dma source(%arg8 : memref<128x128xf32, #tpu.memory_space<vmem>>) target(%dma_start3A_241 : memref<10240x128xf32, #tpu.memory_space<vmem_shared>>) offsets(%dma_start3A_238 : memref<128xi32, #tpu.memory_space<vmem>>) semaphore(%arg15 : memref<!tpu.dma_semaphore, #tpu.memory_space<semaphore_mem>>) {add = true}
      %dma_wait3A_242 = arith.constant 1 : i32
      %dma_wait3A_243 = arith.constant 1 : i32
      %dma_wait3A_244 = arith.constant 0 : i32
      %dma_wait3A_245 = tpu.memref_slice %arg6[%dma_wait3A_242, %dma_wait3A_243, %dma_wait3A_244] : memref<2x2x128xi32, #tpu.memory_space<vmem>> -> memref<1x1x128xi32, #tpu.memory_space<vmem>>
      %dma_wait3A_246 = tpu.memref_squeeze %dma_wait3A_245 : memref<1x1x128xi32, #tpu.memory_space<vmem>> -> memref<128xi32, #tpu.memory_space<vmem>>
      %dma_wait3A_247 = arith.constant 0 : i32
      %dma_wait3A_248 = arith.constant 0 : i32
      %dma_wait3A_249 = tpu.memref_slice %arg3[%dma_wait3A_247, %dma_wait3A_248] : memref<10240x128xf32, #tpu.memory_space<hbm>> -> memref<10240x128xf32, #tpu.memory_space<hbm>>
      tpu.wait_indirect_dma semaphore(%arg14 : memref<!tpu.dma_semaphore, #tpu.memory_space<semaphore_mem>>) src(%dma_wait3A_249 : memref<10240x128xf32, #tpu.memory_space<hbm>>) dst(%arg9 : memref<128x128xf32, #tpu.memory_space<vmem>>)
      %dma_start3A_250 = arith.constant 1 : i32
      %dma_start3A_251 = arith.constant 1 : i32
      %dma_start3A_252 = arith.constant 0 : i32
      %dma_start3A_253 = tpu.memref_slice %arg7[%dma_start3A_250, %dma_start3A_251, %dma_start3A_252] : memref<2x2x128xi32, #tpu.memory_space<vmem>> -> memref<1x1x128xi32, #tpu.memory_space<vmem>>
      %dma_start3A_254 = tpu.memref_squeeze %dma_start3A_253 : memref<1x1x128xi32, #tpu.memory_space<vmem>> -> memref<128xi32, #tpu.memory_space<vmem>>
      %dma_start3A_255 = arith.constant 0 : i32
      %dma_start3A_256 = arith.constant 0 : i32
      %dma_start3A_257 = tpu.memref_slice %arg10[%dma_start3A_255, %dma_start3A_256] : memref<10240x128xf32, #tpu.memory_space<vmem_shared>> -> memref<10240x128xf32, #tpu.memory_space<vmem_shared>>
      tpu.enqueue_indirect_dma source(%arg9 : memref<128x128xf32, #tpu.memory_space<vmem>>) target(%dma_start3A_257 : memref<10240x128xf32, #tpu.memory_space<vmem_shared>>) offsets(%dma_start3A_254 : memref<128xi32, #tpu.memory_space<vmem>>) semaphore(%arg16 : memref<!tpu.dma_semaphore, #tpu.memory_space<semaphore_mem>>) {add = true}
      %add3A_258 = arith.constant 2 : i32
      %add3A_259 = arith.addi %add3A_225, %add3A_258 : i32
      %lt3A_260 = arith.constant 80 : i32
      %lt3A_261 = arith.cmpi slt, %add3A_259, %lt3A_260 : i32
      %convert_element_type3A_262 = arith.extui %lt3A_261 : i1 to i32
      %cond3A_263 = arith.constant 0 : i32
      %cond3A_264 = arith.cmpi ne, %convert_element_type3A_262, %cond3A_263 : i32
      scf.if %cond3A_264 {
        %dma_wait3A_265 = arith.constant 0 : i32
        %dma_wait3A_266 = arith.constant 0 : i32
        %dma_wait3A_267 = arith.constant 0 : i32
        %dma_wait3A_268 = arith.constant 0 : i32
        %dma_wait3A_269 = tpu.memref_slice %arg6[%dma_wait3A_266, %dma_wait3A_267, %dma_wait3A_268] : memref<2x2x128xi32, #tpu.memory_space<vmem>> -> memref<1x2x128xi32, #tpu.memory_space<vmem>>
        %dma_wait3A_270 = tpu.memref_squeeze %dma_wait3A_269 : memref<1x2x128xi32, #tpu.memory_space<vmem>> -> memref<2x128xi32, #tpu.memory_space<vmem>>
        %dma_wait3A_271 = arith.constant 0 : i32
        %dma_wait3A_272 = arith.constant 0 : i32
        %dma_wait3A_273 = tpu.memref_slice %arg2[%dma_wait3A_265, %add3A, %dma_wait3A_271, %dma_wait3A_272] : memref<2x32x80x128xi32, #tpu.memory_space<hbm>> -> memref<1x1x2x128xi32, #tpu.memory_space<hbm>>
        %dma_wait3A_274 = tpu.memref_squeeze %dma_wait3A_273 : memref<1x1x2x128xi32, #tpu.memory_space<hbm>> -> memref<2x128xi32, #tpu.memory_space<hbm>>
        %dma_wait3A_275 = arith.constant 0 : i32
        %dma_wait3A_276 = arith.constant 0 : i32
        %dma_wait3A_277 = tpu.memref_slice %arg6[%dma_wait3A_266, %dma_wait3A_275, %dma_wait3A_276] : memref<2x2x128xi32, #tpu.memory_space<vmem>> -> memref<1x2x128xi32, #tpu.memory_space<vmem>>
        %dma_wait3A_278 = tpu.memref_squeeze %dma_wait3A_277 : memref<1x2x128xi32, #tpu.memory_space<vmem>> -> memref<2x128xi32, #tpu.memory_space<vmem>>
        %dma_wait3A_279 = arith.constant 0 : i32
        %dma_wait3A_280 = arith.constant 0 : i32
        %dma_wait3A_281 = tpu.memref_slice %arg2[%dma_wait3A_265, %add3A, %dma_wait3A_279, %dma_wait3A_280] : memref<2x32x80x128xi32, #tpu.memory_space<hbm>> -> memref<1x1x2x128xi32, #tpu.memory_space<hbm>>
        %dma_wait3A_282 = tpu.memref_squeeze %dma_wait3A_281 : memref<1x1x2x128xi32, #tpu.memory_space<hbm>> -> memref<2x128xi32, #tpu.memory_space<hbm>>
        tpu.wait_dma2 semaphore(%arg11 : memref<!tpu.dma_semaphore, #tpu.memory_space<semaphore_mem>>) src(%dma_wait3A_282 : memref<2x128xi32, #tpu.memory_space<hbm>>) dst(%dma_wait3A_278 : memref<2x128xi32, #tpu.memory_space<vmem>>)
        %dma_wait3A_283 = arith.constant 1 : i32
        %dma_wait3A_284 = arith.constant 0 : i32
        %dma_wait3A_285 = arith.constant 0 : i32
        %dma_wait3A_286 = arith.constant 0 : i32
        %dma_wait3A_287 = tpu.memref_slice %arg7[%dma_wait3A_284, %dma_wait3A_285, %dma_wait3A_286] : memref<2x2x128xi32, #tpu.memory_space<vmem>> -> memref<1x2x128xi32, #tpu.memory_space<vmem>>
        %dma_wait3A_288 = tpu.memref_squeeze %dma_wait3A_287 : memref<1x2x128xi32, #tpu.memory_space<vmem>> -> memref<2x128xi32, #tpu.memory_space<vmem>>
        %dma_wait3A_289 = arith.constant 0 : i32
        %dma_wait3A_290 = arith.constant 0 : i32
        %dma_wait3A_291 = tpu.memref_slice %arg2[%dma_wait3A_283, %add3A, %dma_wait3A_289, %dma_wait3A_290] : memref<2x32x80x128xi32, #tpu.memory_space<hbm>> -> memref<1x1x2x128xi32, #tpu.memory_space<hbm>>
        %dma_wait3A_292 = tpu.memref_squeeze %dma_wait3A_291 : memref<1x1x2x128xi32, #tpu.memory_space<hbm>> -> memref<2x128xi32, #tpu.memory_space<hbm>>
        %dma_wait3A_293 = arith.constant 0 : i32
        %dma_wait3A_294 = arith.constant 0 : i32
        %dma_wait3A_295 = tpu.memref_slice %arg7[%dma_wait3A_284, %dma_wait3A_293, %dma_wait3A_294] : memref<2x2x128xi32, #tpu.memory_space<vmem>> -> memref<1x2x128xi32, #tpu.memory_space<vmem>>
        %dma_wait3A_296 = tpu.memref_squeeze %dma_wait3A_295 : memref<1x2x128xi32, #tpu.memory_space<vmem>> -> memref<2x128xi32, #tpu.memory_space<vmem>>
        %dma_wait3A_297 = arith.constant 0 : i32
        %dma_wait3A_298 = arith.constant 0 : i32
        %dma_wait3A_299 = tpu.memref_slice %arg2[%dma_wait3A_283, %add3A, %dma_wait3A_297, %dma_wait3A_298] : memref<2x32x80x128xi32, #tpu.memory_space<hbm>> -> memref<1x1x2x128xi32, #tpu.memory_space<hbm>>
        %dma_wait3A_300 = tpu.memref_squeeze %dma_wait3A_299 : memref<1x1x2x128xi32, #tpu.memory_space<hbm>> -> memref<2x128xi32, #tpu.memory_space<hbm>>
        tpu.wait_dma2 semaphore(%arg11 : memref<!tpu.dma_semaphore, #tpu.memory_space<semaphore_mem>>) src(%dma_wait3A_300 : memref<2x128xi32, #tpu.memory_space<hbm>>) dst(%dma_wait3A_296 : memref<2x128xi32, #tpu.memory_space<vmem>>)
        %dma_wait3A_301 = arith.constant 1 : i32
        %dma_wait3A_302 = arith.constant 0 : i32
        %dma_wait3A_303 = arith.constant 0 : i32
        %dma_wait3A_304 = tpu.memref_slice %arg7[%dma_wait3A_301, %dma_wait3A_302, %dma_wait3A_303] : memref<2x2x128xi32, #tpu.memory_space<vmem>> -> memref<1x1x128xi32, #tpu.memory_space<vmem>>
        %dma_wait3A_305 = tpu.memref_squeeze %dma_wait3A_304 : memref<1x1x128xi32, #tpu.memory_space<vmem>> -> memref<128xi32, #tpu.memory_space<vmem>>
        %dma_wait3A_306 = arith.constant 0 : i32
        %dma_wait3A_307 = arith.constant 0 : i32
        %dma_wait3A_308 = tpu.memref_slice %arg10[%dma_wait3A_306, %dma_wait3A_307] : memref<10240x128xf32, #tpu.memory_space<vmem_shared>> -> memref<10240x128xf32, #tpu.memory_space<vmem_shared>>
        tpu.wait_indirect_dma semaphore(%arg15 : memref<!tpu.dma_semaphore, #tpu.memory_space<semaphore_mem>>) src(%arg8 : memref<128x128xf32, #tpu.memory_space<vmem>>) dst(%dma_wait3A_308 : memref<10240x128xf32, #tpu.memory_space<vmem_shared>>)
        %dma_start3A_309 = arith.constant 0 : i32
        %dma_start3A_310 = arith.constant 0 : i32
        %dma_start3A_311 = arith.constant 0 : i32
        %dma_start3A_312 = tpu.memref_slice %arg6[%dma_start3A_309, %dma_start3A_310, %dma_start3A_311] : memref<2x2x128xi32, #tpu.memory_space<vmem>> -> memref<1x1x128xi32, #tpu.memory_space<vmem>>
        %dma_start3A_313 = tpu.memref_squeeze %dma_start3A_312 : memref<1x1x128xi32, #tpu.memory_space<vmem>> -> memref<128xi32, #tpu.memory_space<vmem>>
        %dma_start3A_314 = arith.constant 0 : i32
        %dma_start3A_315 = arith.constant 0 : i32
        %dma_start3A_316 = tpu.memref_slice %arg3[%dma_start3A_314, %dma_start3A_315] : memref<10240x128xf32, #tpu.memory_space<hbm>> -> memref<10240x128xf32, #tpu.memory_space<hbm>>
        tpu.enqueue_indirect_dma source(%dma_start3A_316 : memref<10240x128xf32, #tpu.memory_space<hbm>>) target(%arg8 : memref<128x128xf32, #tpu.memory_space<vmem>>) offsets(%dma_start3A_313 : memref<128xi32, #tpu.memory_space<vmem>>) semaphore(%arg13 : memref<!tpu.dma_semaphore, #tpu.memory_space<semaphore_mem>>)
        %dma_wait3A_317 = arith.constant 1 : i32
        %dma_wait3A_318 = arith.constant 1 : i32
        %dma_wait3A_319 = arith.constant 0 : i32
        %dma_wait3A_320 = tpu.memref_slice %arg7[%dma_wait3A_317, %dma_wait3A_318, %dma_wait3A_319] : memref<2x2x128xi32, #tpu.memory_space<vmem>> -> memref<1x1x128xi32, #tpu.memory_space<vmem>>
        %dma_wait3A_321 = tpu.memref_squeeze %dma_wait3A_320 : memref<1x1x128xi32, #tpu.memory_space<vmem>> -> memref<128xi32, #tpu.memory_space<vmem>>
        %dma_wait3A_322 = arith.constant 0 : i32
        %dma_wait3A_323 = arith.constant 0 : i32
        %dma_wait3A_324 = tpu.memref_slice %arg10[%dma_wait3A_322, %dma_wait3A_323] : memref<10240x128xf32, #tpu.memory_space<vmem_shared>> -> memref<10240x128xf32, #tpu.memory_space<vmem_shared>>
        tpu.wait_indirect_dma semaphore(%arg16 : memref<!tpu.dma_semaphore, #tpu.memory_space<semaphore_mem>>) src(%arg9 : memref<128x128xf32, #tpu.memory_space<vmem>>) dst(%dma_wait3A_324 : memref<10240x128xf32, #tpu.memory_space<vmem_shared>>)
        %dma_start3A_325 = arith.constant 0 : i32
        %dma_start3A_326 = arith.constant 1 : i32
        %dma_start3A_327 = arith.constant 0 : i32
        %dma_start3A_328 = tpu.memref_slice %arg6[%dma_start3A_325, %dma_start3A_326, %dma_start3A_327] : memref<2x2x128xi32, #tpu.memory_space<vmem>> -> memref<1x1x128xi32, #tpu.memory_space<vmem>>
        %dma_start3A_329 = tpu.memref_squeeze %dma_start3A_328 : memref<1x1x128xi32, #tpu.memory_space<vmem>> -> memref<128xi32, #tpu.memory_space<vmem>>
        %dma_start3A_330 = arith.constant 0 : i32
        %dma_start3A_331 = arith.constant 0 : i32
        %dma_start3A_332 = tpu.memref_slice %arg3[%dma_start3A_330, %dma_start3A_331] : memref<10240x128xf32, #tpu.memory_space<hbm>> -> memref<10240x128xf32, #tpu.memory_space<hbm>>
        tpu.enqueue_indirect_dma source(%dma_start3A_332 : memref<10240x128xf32, #tpu.memory_space<hbm>>) target(%arg9 : memref<128x128xf32, #tpu.memory_space<vmem>>) offsets(%dma_start3A_329 : memref<128xi32, #tpu.memory_space<vmem>>) semaphore(%arg14 : memref<!tpu.dma_semaphore, #tpu.memory_space<semaphore_mem>>)
        %add3A_333 = arith.constant 4 : i32
        %add3A_334 = arith.addi %add3A_225, %add3A_333 : i32
        %lt3A_335 = arith.constant 80 : i32
        %lt3A_336 = arith.cmpi slt, %add3A_334, %lt3A_335 : i32
        %convert_element_type3A_337 = arith.extui %lt3A_336 : i1 to i32
        %cond3A_338 = arith.constant 0 : i32
        %cond3A_339 = arith.cmpi ne, %convert_element_type3A_337, %cond3A_338 : i32
        scf.if %cond3A_339 {
          %add3A_340 = arith.constant 4 : i32
          %add3A_341 = arith.addi %add3A_225, %add3A_340 : i32
          %dma_start3A_342 = arith.constant 0 : i32
          %dma_start3A_343 = arith.constant 1 : i32
          %dma_start3A_344 = arith.constant 0 : i32
          %dma_start3A_345 = arith.constant 0 : i32
          %dma_start3A_346 = tpu.memref_slice %arg6[%dma_start3A_343, %dma_start3A_344, %dma_start3A_345] : memref<2x2x128xi32, #tpu.memory_space<vmem>> -> memref<1x2x128xi32, #tpu.memory_space<vmem>>
          %dma_start3A_347 = tpu.memref_squeeze %dma_start3A_346 : memref<1x2x128xi32, #tpu.memory_space<vmem>> -> memref<2x128xi32, #tpu.memory_space<vmem>>
          %dma_start3A_348 = arith.constant 0 : i32
          %dma_start3A_349 = tpu.memref_slice %arg2[%dma_start3A_342, %add3A, %add3A_341, %dma_start3A_348] : memref<2x32x80x128xi32, #tpu.memory_space<hbm>> -> memref<1x1x2x128xi32, #tpu.memory_space<hbm>>
          %dma_start3A_350 = tpu.memref_squeeze %dma_start3A_349 : memref<1x1x2x128xi32, #tpu.memory_space<hbm>> -> memref<2x128xi32, #tpu.memory_space<hbm>>
          %dma_start3A_351 = arith.constant 0 : i32
          %dma_start3A_352 = arith.constant 0 : i32
          %dma_start3A_353 = tpu.memref_slice %arg6[%dma_start3A_343, %dma_start3A_351, %dma_start3A_352] : memref<2x2x128xi32, #tpu.memory_space<vmem>> -> memref<1x2x128xi32, #tpu.memory_space<vmem>>
          %dma_start3A_354 = tpu.memref_squeeze %dma_start3A_353 : memref<1x2x128xi32, #tpu.memory_space<vmem>> -> memref<2x128xi32, #tpu.memory_space<vmem>>
          %dma_start3A_355 = arith.constant 0 : i32
          %dma_start3A_356 = tpu.memref_slice %arg2[%dma_start3A_342, %add3A, %add3A_341, %dma_start3A_355] : memref<2x32x80x128xi32, #tpu.memory_space<hbm>> -> memref<1x1x2x128xi32, #tpu.memory_space<hbm>>
          %dma_start3A_357 = tpu.memref_squeeze %dma_start3A_356 : memref<1x1x2x128xi32, #tpu.memory_space<hbm>> -> memref<2x128xi32, #tpu.memory_space<hbm>>
          tpu.enqueue_dma source(%dma_start3A_357 : memref<2x128xi32, #tpu.memory_space<hbm>>) target(%dma_start3A_354 : memref<2x128xi32, #tpu.memory_space<vmem>>) target_semaphore(%arg12 : memref<!tpu.dma_semaphore, #tpu.memory_space<semaphore_mem>>)
          %add3A_358 = arith.constant 4 : i32
          %add3A_359 = arith.addi %add3A_225, %add3A_358 : i32
          %dma_start3A_360 = arith.constant 1 : i32
          %dma_start3A_361 = arith.constant 1 : i32
          %dma_start3A_362 = arith.constant 0 : i32
          %dma_start3A_363 = arith.constant 0 : i32
          %dma_start3A_364 = tpu.memref_slice %arg7[%dma_start3A_361, %dma_start3A_362, %dma_start3A_363] : memref<2x2x128xi32, #tpu.memory_space<vmem>> -> memref<1x2x128xi32, #tpu.memory_space<vmem>>
          %dma_start3A_365 = tpu.memref_squeeze %dma_start3A_364 : memref<1x2x128xi32, #tpu.memory_space<vmem>> -> memref<2x128xi32, #tpu.memory_space<vmem>>
          %dma_start3A_366 = arith.constant 0 : i32
          %dma_start3A_367 = tpu.memref_slice %arg2[%dma_start3A_360, %add3A, %add3A_359, %dma_start3A_366] : memref<2x32x80x128xi32, #tpu.memory_space<hbm>> -> memref<1x1x2x128xi32, #tpu.memory_space<hbm>>
          %dma_start3A_368 = tpu.memref_squeeze %dma_start3A_367 : memref<1x1x2x128xi32, #tpu.memory_space<hbm>> -> memref<2x128xi32, #tpu.memory_space<hbm>>
          %dma_start3A_369 = arith.constant 0 : i32
          %dma_start3A_370 = arith.constant 0 : i32
          %dma_start3A_371 = tpu.memref_slice %arg7[%dma_start3A_361, %dma_start3A_369, %dma_start3A_370] : memref<2x2x128xi32, #tpu.memory_space<vmem>> -> memref<1x2x128xi32, #tpu.memory_space<vmem>>
          %dma_start3A_372 = tpu.memref_squeeze %dma_start3A_371 : memref<1x2x128xi32, #tpu.memory_space<vmem>> -> memref<2x128xi32, #tpu.memory_space<vmem>>
          %dma_start3A_373 = arith.constant 0 : i32
          %dma_start3A_374 = tpu.memref_slice %arg2[%dma_start3A_360, %add3A, %add3A_359, %dma_start3A_373] : memref<2x32x80x128xi32, #tpu.memory_space<hbm>> -> memref<1x1x2x128xi32, #tpu.memory_space<hbm>>
          %dma_start3A_375 = tpu.memref_squeeze %dma_start3A_374 : memref<1x1x2x128xi32, #tpu.memory_space<hbm>> -> memref<2x128xi32, #tpu.memory_space<hbm>>
          tpu.enqueue_dma source(%dma_start3A_375 : memref<2x128xi32, #tpu.memory_space<hbm>>) target(%dma_start3A_372 : memref<2x128xi32, #tpu.memory_space<vmem>>) target_semaphore(%arg12 : memref<!tpu.dma_semaphore, #tpu.memory_space<semaphore_mem>>)
        } else {
        }
      } else {
      }
    }
    %scan3A_147 = arith.constant 20 : i32
    %dma_wait3A_148 = arith.constant 1 : i32
    %dma_wait3A_149 = arith.constant 0 : i32
    %dma_wait3A_150 = arith.constant 0 : i32
    %dma_wait3A_151 = tpu.memref_slice %arg7[%dma_wait3A_148, %dma_wait3A_149, %dma_wait3A_150] : memref<2x2x128xi32, #tpu.memory_space<vmem>> -> memref<1x1x128xi32, #tpu.memory_space<vmem>>
    %dma_wait3A_152 = tpu.memref_squeeze %dma_wait3A_151 : memref<1x1x128xi32, #tpu.memory_space<vmem>> -> memref<128xi32, #tpu.memory_space<vmem>>
    %dma_wait3A_153 = arith.constant 0 : i32
    %dma_wait3A_154 = arith.constant 0 : i32
    %dma_wait3A_155 = tpu.memref_slice %arg10[%dma_wait3A_153, %dma_wait3A_154] : memref<10240x128xf32, #tpu.memory_space<vmem_shared>> -> memref<10240x128xf32, #tpu.memory_space<vmem_shared>>
    tpu.wait_indirect_dma semaphore(%arg15 : memref<!tpu.dma_semaphore, #tpu.memory_space<semaphore_mem>>) src(%arg8 : memref<128x128xf32, #tpu.memory_space<vmem>>) dst(%dma_wait3A_155 : memref<10240x128xf32, #tpu.memory_space<vmem_shared>>)
    %dma_wait3A_156 = arith.constant 1 : i32
    %dma_wait3A_157 = arith.constant 1 : i32
    %dma_wait3A_158 = arith.constant 0 : i32
    %dma_wait3A_159 = tpu.memref_slice %arg7[%dma_wait3A_156, %dma_wait3A_157, %dma_wait3A_158] : memref<2x2x128xi32, #tpu.memory_space<vmem>> -> memref<1x1x128xi32, #tpu.memory_space<vmem>>
    %dma_wait3A_160 = tpu.memref_squeeze %dma_wait3A_159 : memref<1x1x128xi32, #tpu.memory_space<vmem>> -> memref<128xi32, #tpu.memory_space<vmem>>
    %dma_wait3A_161 = arith.constant 0 : i32
    %dma_wait3A_162 = arith.constant 0 : i32
    %dma_wait3A_163 = tpu.memref_slice %arg10[%dma_wait3A_161, %dma_wait3A_162] : memref<10240x128xf32, #tpu.memory_space<vmem_shared>> -> memref<10240x128xf32, #tpu.memory_space<vmem_shared>>
    tpu.wait_indirect_dma semaphore(%arg16 : memref<!tpu.dma_semaphore, #tpu.memory_space<semaphore_mem>>) src(%arg9 : memref<128x128xf32, #tpu.memory_space<vmem>>) dst(%dma_wait3A_163 : memref<10240x128xf32, #tpu.memory_space<vmem_shared>>)
    %barrier3A_164 = arith.constant 0 : index
    tpu.barrier barrier_id(%barrier3A_164)
    %mul3A_165 = arith.constant 640 : i32
    %mul3A_166 = arith.muli %arg1, %mul3A_165 : i32
    %add3A_167 = arith.constant 0 : i32
    %add3A_168 = arith.addi %mul3A_166, %add3A_167 : i32
    "tpu.region"() ({
      %run_scoped3A = tpu.sem_alloc : memref<!tpu.dma_semaphore, #tpu.memory_space<semaphore_mem>>
      %dma_start3A_185 = arith.constant 0 : i32
      %dma_start3A_186 = tpu.memref_slice %arg5[%arg0, %add3A_168, %dma_start3A_185] : memref<2x10240x128xf32, #tpu.memory_space<hbm>> -> memref<1x128x128xf32, #tpu.memory_space<hbm>>
      %dma_start3A_187 = tpu.memref_squeeze %dma_start3A_186 : memref<1x128x128xf32, #tpu.memory_space<hbm>> -> memref<128x128xf32, #tpu.memory_space<hbm>>
      %dma_start3A_188 = arith.constant 0 : i32
      %dma_start3A_189 = tpu.memref_slice %arg10[%add3A_168, %dma_start3A_188] : memref<10240x128xf32, #tpu.memory_space<vmem_shared>> -> memref<128x128xf32, #tpu.memory_space<vmem_shared>>
      tpu.enqueue_dma source(%dma_start3A_189 : memref<128x128xf32, #tpu.memory_space<vmem_shared>>) target(%dma_start3A_187 : memref<128x128xf32, #tpu.memory_space<hbm>>) target_semaphore(%run_scoped3A : memref<!tpu.dma_semaphore, #tpu.memory_space<semaphore_mem>>)
      %dma_wait3A_190 = arith.constant 0 : i32
      %dma_wait3A_191 = tpu.memref_slice %arg5[%arg0, %add3A_168, %dma_wait3A_190] : memref<2x10240x128xf32, #tpu.memory_space<hbm>> -> memref<1x128x128xf32, #tpu.memory_space<hbm>>
      %dma_wait3A_192 = tpu.memref_squeeze %dma_wait3A_191 : memref<1x128x128xf32, #tpu.memory_space<hbm>> -> memref<128x128xf32, #tpu.memory_space<hbm>>
      %dma_wait3A_193 = arith.constant 0 : i32
      %dma_wait3A_194 = tpu.memref_slice %arg10[%add3A_168, %dma_wait3A_193] : memref<10240x128xf32, #tpu.memory_space<vmem_shared>> -> memref<128x128xf32, #tpu.memory_space<vmem_shared>>
      tpu.wait_dma2 semaphore(%run_scoped3A : memref<!tpu.dma_semaphore, #tpu.memory_space<semaphore_mem>>) src(%dma_wait3A_194 : memref<128x128xf32, #tpu.memory_space<vmem_shared>>) dst(%dma_wait3A_192 : memref<128x128xf32, #tpu.memory_space<hbm>>)
      tpu.yield
    }) : () -> ()
    %mul3A_169 = arith.constant 640 : i32
    %mul3A_170 = arith.muli %arg1, %mul3A_169 : i32
    %add3A_171 = arith.constant 128 : i32
    %add3A_172 = arith.addi %mul3A_170, %add3A_171 : i32
    "tpu.region"() ({
      %run_scoped3A = tpu.sem_alloc : memref<!tpu.dma_semaphore, #tpu.memory_space<semaphore_mem>>
      %dma_start3A_185 = arith.constant 0 : i32
      %dma_start3A_186 = tpu.memref_slice %arg5[%arg0, %add3A_172, %dma_start3A_185] : memref<2x10240x128xf32, #tpu.memory_space<hbm>> -> memref<1x128x128xf32, #tpu.memory_space<hbm>>
      %dma_start3A_187 = tpu.memref_squeeze %dma_start3A_186 : memref<1x128x128xf32, #tpu.memory_space<hbm>> -> memref<128x128xf32, #tpu.memory_space<hbm>>
      %dma_start3A_188 = arith.constant 0 : i32
      %dma_start3A_189 = tpu.memref_slice %arg10[%add3A_172, %dma_start3A_188] : memref<10240x128xf32, #tpu.memory_space<vmem_shared>> -> memref<128x128xf32, #tpu.memory_space<vmem_shared>>
      tpu.enqueue_dma source(%dma_start3A_189 : memref<128x128xf32, #tpu.memory_space<vmem_shared>>) target(%dma_start3A_187 : memref<128x128xf32, #tpu.memory_space<hbm>>) target_semaphore(%run_scoped3A : memref<!tpu.dma_semaphore, #tpu.memory_space<semaphore_mem>>)
      %dma_wait3A_190 = arith.constant 0 : i32
      %dma_wait3A_191 = tpu.memref_slice %arg5[%arg0, %add3A_172, %dma_wait3A_190] : memref<2x10240x128xf32, #tpu.memory_space<hbm>> -> memref<1x128x128xf32, #tpu.memory_space<hbm>>
      %dma_wait3A_192 = tpu.memref_squeeze %dma_wait3A_191 : memref<1x128x128xf32, #tpu.memory_space<hbm>> -> memref<128x128xf32, #tpu.memory_space<hbm>>
      %dma_wait3A_193 = arith.constant 0 : i32
      %dma_wait3A_194 = tpu.memref_slice %arg10[%add3A_172, %dma_wait3A_193] : memref<10240x128xf32, #tpu.memory_space<vmem_shared>> -> memref<128x128xf32, #tpu.memory_space<vmem_shared>>
      tpu.wait_dma2 semaphore(%run_scoped3A : memref<!tpu.dma_semaphore, #tpu.memory_space<semaphore_mem>>) src(%dma_wait3A_194 : memref<128x128xf32, #tpu.memory_space<vmem_shared>>) dst(%dma_wait3A_192 : memref<128x128xf32, #tpu.memory_space<hbm>>)
      tpu.yield
    }) : () -> ()
    %mul3A_173 = arith.constant 640 : i32
    %mul3A_174 = arith.muli %arg1, %mul3A_173 : i32
    %add3A_175 = arith.constant 256 : i32
    %add3A_176 = arith.addi %mul3A_174, %add3A_175 : i32
    "tpu.region"() ({
      %run_scoped3A = tpu.sem_alloc : memref<!tpu.dma_semaphore, #tpu.memory_space<semaphore_mem>>
      %dma_start3A_185 = arith.constant 0 : i32
      %dma_start3A_186 = tpu.memref_slice %arg5[%arg0, %add3A_176, %dma_start3A_185] : memref<2x10240x128xf32, #tpu.memory_space<hbm>> -> memref<1x128x128xf32, #tpu.memory_space<hbm>>
      %dma_start3A_187 = tpu.memref_squeeze %dma_start3A_186 : memref<1x128x128xf32, #tpu.memory_space<hbm>> -> memref<128x128xf32, #tpu.memory_space<hbm>>
      %dma_start3A_188 = arith.constant 0 : i32
      %dma_start3A_189 = tpu.memref_slice %arg10[%add3A_176, %dma_start3A_188] : memref<10240x128xf32, #tpu.memory_space<vmem_shared>> -> memref<128x128xf32, #tpu.memory_space<vmem_shared>>
      tpu.enqueue_dma source(%dma_start3A_189 : memref<128x128xf32, #tpu.memory_space<vmem_shared>>) target(%dma_start3A_187 : memref<128x128xf32, #tpu.memory_space<hbm>>) target_semaphore(%run_scoped3A : memref<!tpu.dma_semaphore, #tpu.memory_space<semaphore_mem>>)
      %dma_wait3A_190 = arith.constant 0 : i32
      %dma_wait3A_191 = tpu.memref_slice %arg5[%arg0, %add3A_176, %dma_wait3A_190] : memref<2x10240x128xf32, #tpu.memory_space<hbm>> -> memref<1x128x128xf32, #tpu.memory_space<hbm>>
      %dma_wait3A_192 = tpu.memref_squeeze %dma_wait3A_191 : memref<1x128x128xf32, #tpu.memory_space<hbm>> -> memref<128x128xf32, #tpu.memory_space<hbm>>
      %dma_wait3A_193 = arith.constant 0 : i32
      %dma_wait3A_194 = tpu.memref_slice %arg10[%add3A_176, %dma_wait3A_193] : memref<10240x128xf32, #tpu.memory_space<vmem_shared>> -> memref<128x128xf32, #tpu.memory_space<vmem_shared>>
      tpu.wait_dma2 semaphore(%run_scoped3A : memref<!tpu.dma_semaphore, #tpu.memory_space<semaphore_mem>>) src(%dma_wait3A_194 : memref<128x128xf32, #tpu.memory_space<vmem_shared>>) dst(%dma_wait3A_192 : memref<128x128xf32, #tpu.memory_space<hbm>>)
      tpu.yield
    }) : () -> ()
    %mul3A_177 = arith.constant 640 : i32
    %mul3A_178 = arith.muli %arg1, %mul3A_177 : i32
    %add3A_179 = arith.constant 384 : i32
    %add3A_180 = arith.addi %mul3A_178, %add3A_179 : i32
    "tpu.region"() ({
      %run_scoped3A = tpu.sem_alloc : memref<!tpu.dma_semaphore, #tpu.memory_space<semaphore_mem>>
      %dma_start3A_185 = arith.constant 0 : i32
      %dma_start3A_186 = tpu.memref_slice %arg5[%arg0, %add3A_180, %dma_start3A_185] : memref<2x10240x128xf32, #tpu.memory_space<hbm>> -> memref<1x128x128xf32, #tpu.memory_space<hbm>>
      %dma_start3A_187 = tpu.memref_squeeze %dma_start3A_186 : memref<1x128x128xf32, #tpu.memory_space<hbm>> -> memref<128x128xf32, #tpu.memory_space<hbm>>
      %dma_start3A_188 = arith.constant 0 : i32
      %dma_start3A_189 = tpu.memref_slice %arg10[%add3A_180, %dma_start3A_188] : memref<10240x128xf32, #tpu.memory_space<vmem_shared>> -> memref<128x128xf32, #tpu.memory_space<vmem_shared>>
      tpu.enqueue_dma source(%dma_start3A_189 : memref<128x128xf32, #tpu.memory_space<vmem_shared>>) target(%dma_start3A_187 : memref<128x128xf32, #tpu.memory_space<hbm>>) target_semaphore(%run_scoped3A : memref<!tpu.dma_semaphore, #tpu.memory_space<semaphore_mem>>)
      %dma_wait3A_190 = arith.constant 0 : i32
      %dma_wait3A_191 = tpu.memref_slice %arg5[%arg0, %add3A_180, %dma_wait3A_190] : memref<2x10240x128xf32, #tpu.memory_space<hbm>> -> memref<1x128x128xf32, #tpu.memory_space<hbm>>
      %dma_wait3A_192 = tpu.memref_squeeze %dma_wait3A_191 : memref<1x128x128xf32, #tpu.memory_space<hbm>> -> memref<128x128xf32, #tpu.memory_space<hbm>>
      %dma_wait3A_193 = arith.constant 0 : i32
      %dma_wait3A_194 = tpu.memref_slice %arg10[%add3A_180, %dma_wait3A_193] : memref<10240x128xf32, #tpu.memory_space<vmem_shared>> -> memref<128x128xf32, #tpu.memory_space<vmem_shared>>
      tpu.wait_dma2 semaphore(%run_scoped3A : memref<!tpu.dma_semaphore, #tpu.memory_space<semaphore_mem>>) src(%dma_wait3A_194 : memref<128x128xf32, #tpu.memory_space<vmem_shared>>) dst(%dma_wait3A_192 : memref<128x128xf32, #tpu.memory_space<hbm>>)
      tpu.yield
    }) : () -> ()
    %mul3A_181 = arith.constant 640 : i32
    %mul3A_182 = arith.muli %arg1, %mul3A_181 : i32
    %add3A_183 = arith.constant 512 : i32
    %add3A_184 = arith.addi %mul3A_182, %add3A_183 : i32
    "tpu.region"() ({
      %run_scoped3A = tpu.sem_alloc : memref<!tpu.dma_semaphore, #tpu.memory_space<semaphore_mem>>
      %dma_start3A_185 = arith.constant 0 : i32
      %dma_start3A_186 = tpu.memref_slice %arg5[%arg0, %add3A_184, %dma_start3A_185] : memref<2x10240x128xf32, #tpu.memory_space<hbm>> -> memref<1x128x128xf32, #tpu.memory_space<hbm>>
      %dma_start3A_187 = tpu.memref_squeeze %dma_start3A_186 : memref<1x128x128xf32, #tpu.memory_space<hbm>> -> memref<128x128xf32, #tpu.memory_space<hbm>>
      %dma_start3A_188 = arith.constant 0 : i32
      %dma_start3A_189 = tpu.memref_slice %arg10[%add3A_184, %dma_start3A_188] : memref<10240x128xf32, #tpu.memory_space<vmem_shared>> -> memref<128x128xf32, #tpu.memory_space<vmem_shared>>
      tpu.enqueue_dma source(%dma_start3A_189 : memref<128x128xf32, #tpu.memory_space<vmem_shared>>) target(%dma_start3A_187 : memref<128x128xf32, #tpu.memory_space<hbm>>) target_semaphore(%run_scoped3A : memref<!tpu.dma_semaphore, #tpu.memory_space<semaphore_mem>>)
      %dma_wait3A_190 = arith.constant 0 : i32
      %dma_wait3A_191 = tpu.memref_slice %arg5[%arg0, %add3A_184, %dma_wait3A_190] : memref<2x10240x128xf32, #tpu.memory_space<hbm>> -> memref<1x128x128xf32, #tpu.memory_space<hbm>>
      %dma_wait3A_192 = tpu.memref_squeeze %dma_wait3A_191 : memref<1x128x128xf32, #tpu.memory_space<hbm>> -> memref<128x128xf32, #tpu.memory_space<hbm>>
      %dma_wait3A_193 = arith.constant 0 : i32
      %dma_wait3A_194 = tpu.memref_slice %arg10[%add3A_184, %dma_wait3A_193] : memref<10240x128xf32, #tpu.memory_space<vmem_shared>> -> memref<128x128xf32, #tpu.memory_space<vmem_shared>>
      tpu.wait_dma2 semaphore(%run_scoped3A : memref<!tpu.dma_semaphore, #tpu.memory_space<semaphore_mem>>) src(%dma_wait3A_194 : memref<128x128xf32, #tpu.memory_space<vmem_shared>>) dst(%dma_wait3A_192 : memref<128x128xf32, #tpu.memory_space<hbm>>)
      tpu.yield
    }) : () -> ()
    return
  }
}

#map = affine_map<(d0, d1) -> (0, 0, 0, 0)>
#map1 = affine_map<(d0, d1) -> (0, 0)>
#map2 = affine_map<(d0, d1) -> (0, 0, 0)>
module attributes {stable_mosaic.version = 14 : i64} {
  func.func @_hop_body(%arg0: i32, %arg1: i32, %arg2: memref<2x32x80x128xi32, #tpu.memory_space<hbm>>, %arg3: memref<10240x128xf32, #tpu.memory_space<hbm>>, %arg4: memref<128x128xf32, #tpu.memory_space<hbm>>, %arg5: memref<2x10240x128xf32, #tpu.memory_space<hbm>>, %arg6: memref<2x2x128xi32, #tpu.memory_space<vmem>>, %arg7: memref<2x2x128xi32, #tpu.memory_space<vmem>>, %arg8: memref<128x128xf32, #tpu.memory_space<vmem>>, %arg9: memref<128x128xf32, #tpu.memory_space<vmem>>, %arg10: memref<10240x128xf32, #tpu.memory_space<vmem_shared>>, %arg11: memref<!tpu.dma_semaphore, #tpu.memory_space<semaphore_mem>>, %arg12: memref<!tpu.dma_semaphore, #tpu.memory_space<semaphore_mem>>, %arg13: memref<!tpu.dma_semaphore, #tpu.memory_space<semaphore_mem>>, %arg14: memref<!tpu.dma_semaphore, #tpu.memory_space<semaphore_mem>>, %arg15: memref<!tpu.dma_semaphore, #tpu.memory_space<semaphore_mem>>, %arg16: memref<!tpu.dma_semaphore, #tpu.memory_space<semaphore_mem>>) attributes {dimension_semantics = [#tpu.dimension_semantics<core_parallel>, #tpu.dimension_semantics<subcore_parallel>], iteration_bounds = array<i64: 2, 16>, scalar_prefetch = 0 : i64, scratch_operands = 11 : i64, tpu.core_type = #tpu.core_type<sc_vector_subcore>, window_params = [{transform_indices = #map}, {transform_indices = #map1}, {transform_indices = #map1}, {transform_indices = #map2}]} {
    %mul3A = arith.constant 2 : i32
    %mul3A_0 = arith.muli %arg1, %mul3A : i32
    %add3A = arith.addi %mul3A_0, %arg0 : i32
    "tpu.region"() ({
      %run_scoped3A = tpu.sem_alloc : memref<!tpu.dma_semaphore, #tpu.memory_space<semaphore_mem>>
      tpu.enqueue_dma source(%arg4 : memref<128x128xf32, #tpu.memory_space<hbm>>) target(%arg8 : memref<128x128xf32, #tpu.memory_space<vmem>>) target_semaphore(%run_scoped3A : memref<!tpu.dma_semaphore, #tpu.memory_space<semaphore_mem>>)
      tpu.wait_dma2 semaphore(%run_scoped3A : memref<!tpu.dma_semaphore, #tpu.memory_space<semaphore_mem>>) src(%arg4 : memref<128x128xf32, #tpu.memory_space<hbm>>) dst(%arg8 : memref<128x128xf32, #tpu.memory_space<vmem>>)
      tpu.yield
    }) : () -> ()
    %mul3A_1 = arith.constant 640 : i32
    %mul3A_2 = arith.muli %arg1, %mul3A_1 : i32
    %add3A_3 = arith.constant 0 : i32
    %add3A_4 = arith.addi %mul3A_2, %add3A_3 : i32
    "tpu.region"() ({
      %run_scoped3A = tpu.sem_alloc : memref<!tpu.dma_semaphore, #tpu.memory_space<semaphore_mem>>
      %dma_start3A_185 = arith.constant 0 : i32
      %dma_start3A_186 = tpu.memref_slice %arg10[%add3A_4, %dma_start3A_185] : memref<10240x128xf32, #tpu.memory_space<vmem_shared>> -> memref<128x128xf32, #tpu.memory_space<vmem_shared>>
      %dma_start3A_187 = arith.constant 0 : i32
      %dma_start3A_188 = tpu.memref_slice %arg10[%add3A_4, %dma_start3A_187] : memref<10240x128xf32, #tpu.memory_space<vmem_shared>> -> memref<128x128xf32, #tpu.memory_space<vmem_shared>>
      tpu.enqueue_dma source(%arg8 : memref<128x128xf32, #tpu.memory_space<vmem>>) target(%dma_start3A_188 : memref<128x128xf32, #tpu.memory_space<vmem_shared>>) target_semaphore(%run_scoped3A : memref<!tpu.dma_semaphore, #tpu.memory_space<semaphore_mem>>)
      %dma_wait3A_189 = arith.constant 0 : i32
      %dma_wait3A_190 = tpu.memref_slice %arg10[%add3A_4, %dma_wait3A_189] : memref<10240x128xf32, #tpu.memory_space<vmem_shared>> -> memref<128x128xf32, #tpu.memory_space<vmem_shared>>
      %dma_wait3A_191 = arith.constant 0 : i32
      %dma_wait3A_192 = tpu.memref_slice %arg10[%add3A_4, %dma_wait3A_191] : memref<10240x128xf32, #tpu.memory_space<vmem_shared>> -> memref<128x128xf32, #tpu.memory_space<vmem_shared>>
      tpu.wait_dma2 semaphore(%run_scoped3A : memref<!tpu.dma_semaphore, #tpu.memory_space<semaphore_mem>>) src(%arg8 : memref<128x128xf32, #tpu.memory_space<vmem>>) dst(%dma_wait3A_192 : memref<128x128xf32, #tpu.memory_space<vmem_shared>>)
      tpu.yield
    }) : () -> ()
    %mul3A_5 = arith.constant 640 : i32
    %mul3A_6 = arith.muli %arg1, %mul3A_5 : i32
    %add3A_7 = arith.constant 128 : i32
    %add3A_8 = arith.addi %mul3A_6, %add3A_7 : i32
    "tpu.region"() ({
      %run_scoped3A = tpu.sem_alloc : memref<!tpu.dma_semaphore, #tpu.memory_space<semaphore_mem>>
      %dma_start3A_185 = arith.constant 0 : i32
      %dma_start3A_186 = tpu.memref_slice %arg10[%add3A_8, %dma_start3A_185] : memref<10240x128xf32, #tpu.memory_space<vmem_shared>> -> memref<128x128xf32, #tpu.memory_space<vmem_shared>>
      %dma_start3A_187 = arith.constant 0 : i32
      %dma_start3A_188 = tpu.memref_slice %arg10[%add3A_8, %dma_start3A_187] : memref<10240x128xf32, #tpu.memory_space<vmem_shared>> -> memref<128x128xf32, #tpu.memory_space<vmem_shared>>
      tpu.enqueue_dma source(%arg8 : memref<128x128xf32, #tpu.memory_space<vmem>>) target(%dma_start3A_188 : memref<128x128xf32, #tpu.memory_space<vmem_shared>>) target_semaphore(%run_scoped3A : memref<!tpu.dma_semaphore, #tpu.memory_space<semaphore_mem>>)
      %dma_wait3A_189 = arith.constant 0 : i32
      %dma_wait3A_190 = tpu.memref_slice %arg10[%add3A_8, %dma_wait3A_189] : memref<10240x128xf32, #tpu.memory_space<vmem_shared>> -> memref<128x128xf32, #tpu.memory_space<vmem_shared>>
      %dma_wait3A_191 = arith.constant 0 : i32
      %dma_wait3A_192 = tpu.memref_slice %arg10[%add3A_8, %dma_wait3A_191] : memref<10240x128xf32, #tpu.memory_space<vmem_shared>> -> memref<128x128xf32, #tpu.memory_space<vmem_shared>>
      tpu.wait_dma2 semaphore(%run_scoped3A : memref<!tpu.dma_semaphore, #tpu.memory_space<semaphore_mem>>) src(%arg8 : memref<128x128xf32, #tpu.memory_space<vmem>>) dst(%dma_wait3A_192 : memref<128x128xf32, #tpu.memory_space<vmem_shared>>)
      tpu.yield
    }) : () -> ()
    %mul3A_9 = arith.constant 640 : i32
    %mul3A_10 = arith.muli %arg1, %mul3A_9 : i32
    %add3A_11 = arith.constant 256 : i32
    %add3A_12 = arith.addi %mul3A_10, %add3A_11 : i32
    "tpu.region"() ({
      %run_scoped3A = tpu.sem_alloc : memref<!tpu.dma_semaphore, #tpu.memory_space<semaphore_mem>>
      %dma_start3A_185 = arith.constant 0 : i32
      %dma_start3A_186 = tpu.memref_slice %arg10[%add3A_12, %dma_start3A_185] : memref<10240x128xf32, #tpu.memory_space<vmem_shared>> -> memref<128x128xf32, #tpu.memory_space<vmem_shared>>
      %dma_start3A_187 = arith.constant 0 : i32
      %dma_start3A_188 = tpu.memref_slice %arg10[%add3A_12, %dma_start3A_187] : memref<10240x128xf32, #tpu.memory_space<vmem_shared>> -> memref<128x128xf32, #tpu.memory_space<vmem_shared>>
      tpu.enqueue_dma source(%arg8 : memref<128x128xf32, #tpu.memory_space<vmem>>) target(%dma_start3A_188 : memref<128x128xf32, #tpu.memory_space<vmem_shared>>) target_semaphore(%run_scoped3A : memref<!tpu.dma_semaphore, #tpu.memory_space<semaphore_mem>>)
      %dma_wait3A_189 = arith.constant 0 : i32
      %dma_wait3A_190 = tpu.memref_slice %arg10[%add3A_12, %dma_wait3A_189] : memref<10240x128xf32, #tpu.memory_space<vmem_shared>> -> memref<128x128xf32, #tpu.memory_space<vmem_shared>>
      %dma_wait3A_191 = arith.constant 0 : i32
      %dma_wait3A_192 = tpu.memref_slice %arg10[%add3A_12, %dma_wait3A_191] : memref<10240x128xf32, #tpu.memory_space<vmem_shared>> -> memref<128x128xf32, #tpu.memory_space<vmem_shared>>
      tpu.wait_dma2 semaphore(%run_scoped3A : memref<!tpu.dma_semaphore, #tpu.memory_space<semaphore_mem>>) src(%arg8 : memref<128x128xf32, #tpu.memory_space<vmem>>) dst(%dma_wait3A_192 : memref<128x128xf32, #tpu.memory_space<vmem_shared>>)
      tpu.yield
    }) : () -> ()
    %mul3A_13 = arith.constant 640 : i32
    %mul3A_14 = arith.muli %arg1, %mul3A_13 : i32
    %add3A_15 = arith.constant 384 : i32
    %add3A_16 = arith.addi %mul3A_14, %add3A_15 : i32
    "tpu.region"() ({
      %run_scoped3A = tpu.sem_alloc : memref<!tpu.dma_semaphore, #tpu.memory_space<semaphore_mem>>
      %dma_start3A_185 = arith.constant 0 : i32
      %dma_start3A_186 = tpu.memref_slice %arg10[%add3A_16, %dma_start3A_185] : memref<10240x128xf32, #tpu.memory_space<vmem_shared>> -> memref<128x128xf32, #tpu.memory_space<vmem_shared>>
      %dma_start3A_187 = arith.constant 0 : i32
      %dma_start3A_188 = tpu.memref_slice %arg10[%add3A_16, %dma_start3A_187] : memref<10240x128xf32, #tpu.memory_space<vmem_shared>> -> memref<128x128xf32, #tpu.memory_space<vmem_shared>>
      tpu.enqueue_dma source(%arg8 : memref<128x128xf32, #tpu.memory_space<vmem>>) target(%dma_start3A_188 : memref<128x128xf32, #tpu.memory_space<vmem_shared>>) target_semaphore(%run_scoped3A : memref<!tpu.dma_semaphore, #tpu.memory_space<semaphore_mem>>)
      %dma_wait3A_189 = arith.constant 0 : i32
      %dma_wait3A_190 = tpu.memref_slice %arg10[%add3A_16, %dma_wait3A_189] : memref<10240x128xf32, #tpu.memory_space<vmem_shared>> -> memref<128x128xf32, #tpu.memory_space<vmem_shared>>
      %dma_wait3A_191 = arith.constant 0 : i32
      %dma_wait3A_192 = tpu.memref_slice %arg10[%add3A_16, %dma_wait3A_191] : memref<10240x128xf32, #tpu.memory_space<vmem_shared>> -> memref<128x128xf32, #tpu.memory_space<vmem_shared>>
      tpu.wait_dma2 semaphore(%run_scoped3A : memref<!tpu.dma_semaphore, #tpu.memory_space<semaphore_mem>>) src(%arg8 : memref<128x128xf32, #tpu.memory_space<vmem>>) dst(%dma_wait3A_192 : memref<128x128xf32, #tpu.memory_space<vmem_shared>>)
      tpu.yield
    }) : () -> ()
    %mul3A_17 = arith.constant 640 : i32
    %mul3A_18 = arith.muli %arg1, %mul3A_17 : i32
    %add3A_19 = arith.constant 512 : i32
    %add3A_20 = arith.addi %mul3A_18, %add3A_19 : i32
    "tpu.region"() ({
      %run_scoped3A = tpu.sem_alloc : memref<!tpu.dma_semaphore, #tpu.memory_space<semaphore_mem>>
      %dma_start3A_185 = arith.constant 0 : i32
      %dma_start3A_186 = tpu.memref_slice %arg10[%add3A_20, %dma_start3A_185] : memref<10240x128xf32, #tpu.memory_space<vmem_shared>> -> memref<128x128xf32, #tpu.memory_space<vmem_shared>>
      %dma_start3A_187 = arith.constant 0 : i32
      %dma_start3A_188 = tpu.memref_slice %arg10[%add3A_20, %dma_start3A_187] : memref<10240x128xf32, #tpu.memory_space<vmem_shared>> -> memref<128x128xf32, #tpu.memory_space<vmem_shared>>
      tpu.enqueue_dma source(%arg8 : memref<128x128xf32, #tpu.memory_space<vmem>>) target(%dma_start3A_188 : memref<128x128xf32, #tpu.memory_space<vmem_shared>>) target_semaphore(%run_scoped3A : memref<!tpu.dma_semaphore, #tpu.memory_space<semaphore_mem>>)
      %dma_wait3A_189 = arith.constant 0 : i32
      %dma_wait3A_190 = tpu.memref_slice %arg10[%add3A_20, %dma_wait3A_189] : memref<10240x128xf32, #tpu.memory_space<vmem_shared>> -> memref<128x128xf32, #tpu.memory_space<vmem_shared>>
      %dma_wait3A_191 = arith.constant 0 : i32
      %dma_wait3A_192 = tpu.memref_slice %arg10[%add3A_20, %dma_wait3A_191] : memref<10240x128xf32, #tpu.memory_space<vmem_shared>> -> memref<128x128xf32, #tpu.memory_space<vmem_shared>>
      tpu.wait_dma2 semaphore(%run_scoped3A : memref<!tpu.dma_semaphore, #tpu.memory_space<semaphore_mem>>) src(%arg8 : memref<128x128xf32, #tpu.memory_space<vmem>>) dst(%dma_wait3A_192 : memref<128x128xf32, #tpu.memory_space<vmem_shared>>)
      tpu.yield
    }) : () -> ()
    %barrier3A = arith.constant 0 : index
    tpu.barrier barrier_id(%barrier3A)
    %dma_start3A = arith.constant 0 : i32
    %dma_start3A_21 = arith.constant 0 : i32
    %dma_start3A_22 = arith.constant 0 : i32
    %dma_start3A_23 = arith.constant 0 : i32
    %dma_start3A_24 = tpu.memref_slice %arg6[%dma_start3A_21, %dma_start3A_22, %dma_start3A_23] : memref<2x2x128xi32, #tpu.memory_space<vmem>> -> memref<1x2x128xi32, #tpu.memory_space<vmem>>
    %dma_start3A_25 = tpu.memref_squeeze %dma_start3A_24 : memref<1x2x128xi32, #tpu.memory_space<vmem>> -> memref<2x128xi32, #tpu.memory_space<vmem>>
    %dma_start3A_26 = arith.constant 0 : i32
    %dma_start3A_27 = arith.constant 0 : i32
    %dma_start3A_28 = tpu.memref_slice %arg2[%dma_start3A, %add3A, %dma_start3A_26, %dma_start3A_27] : memref<2x32x80x128xi32, #tpu.memory_space<hbm>> -> memref<1x1x2x128xi32, #tpu.memory_space<hbm>>
    %dma_start3A_29 = tpu.memref_squeeze %dma_start3A_28 : memref<1x1x2x128xi32, #tpu.memory_space<hbm>> -> memref<2x128xi32, #tpu.memory_space<hbm>>
    %dma_start3A_30 = arith.constant 0 : i32
    %dma_start3A_31 = arith.constant 0 : i32
    %dma_start3A_32 = tpu.memref_slice %arg6[%dma_start3A_21, %dma_start3A_30, %dma_start3A_31] : memref<2x2x128xi32, #tpu.memory_space<vmem>> -> memref<1x2x128xi32, #tpu.memory_space<vmem>>
    %dma_start3A_33 = tpu.memref_squeeze %dma_start3A_32 : memref<1x2x128xi32, #tpu.memory_space<vmem>> -> memref<2x128xi32, #tpu.memory_space<vmem>>
    %dma_start3A_34 = arith.constant 0 : i32
    %dma_start3A_35 = arith.constant 0 : i32
    %dma_start3A_36 = tpu.memref_slice %arg2[%dma_start3A, %add3A, %dma_start3A_34, %dma_start3A_35] : memref<2x32x80x128xi32, #tpu.memory_space<hbm>> -> memref<1x1x2x128xi32, #tpu.memory_space<hbm>>
    %dma_start3A_37 = tpu.memref_squeeze %dma_start3A_36 : memref<1x1x2x128xi32, #tpu.memory_space<hbm>> -> memref<2x128xi32, #tpu.memory_space<hbm>>
    tpu.enqueue_dma source(%dma_start3A_37 : memref<2x128xi32, #tpu.memory_space<hbm>>) target(%dma_start3A_33 : memref<2x128xi32, #tpu.memory_space<vmem>>) target_semaphore(%arg11 : memref<!tpu.dma_semaphore, #tpu.memory_space<semaphore_mem>>)
    %dma_start3A_38 = arith.constant 1 : i32
    %dma_start3A_39 = arith.constant 0 : i32
    %dma_start3A_40 = arith.constant 0 : i32
    %dma_start3A_41 = arith.constant 0 : i32
    %dma_start3A_42 = tpu.memref_slice %arg7[%dma_start3A_39, %dma_start3A_40, %dma_start3A_41] : memref<2x2x128xi32, #tpu.memory_space<vmem>> -> memref<1x2x128xi32, #tpu.memory_space<vmem>>
    %dma_start3A_43 = tpu.memref_squeeze %dma_start3A_42 : memref<1x2x128xi32, #tpu.memory_space<vmem>> -> memref<2x128xi32, #tpu.memory_space<vmem>>
    %dma_start3A_44 = arith.constant 0 : i32
    %dma_start3A_45 = arith.constant 0 : i32
    %dma_start3A_46 = tpu.memref_slice %arg2[%dma_start3A_38, %add3A, %dma_start3A_44, %dma_start3A_45] : memref<2x32x80x128xi32, #tpu.memory_space<hbm>> -> memref<1x1x2x128xi32, #tpu.memory_space<hbm>>
    %dma_start3A_47 = tpu.memref_squeeze %dma_start3A_46 : memref<1x1x2x128xi32, #tpu.memory_space<hbm>> -> memref<2x128xi32, #tpu.memory_space<hbm>>
    %dma_start3A_48 = arith.constant 0 : i32
    %dma_start3A_49 = arith.constant 0 : i32
    %dma_start3A_50 = tpu.memref_slice %arg7[%dma_start3A_39, %dma_start3A_48, %dma_start3A_49] : memref<2x2x128xi32, #tpu.memory_space<vmem>> -> memref<1x2x128xi32, #tpu.memory_space<vmem>>
    %dma_start3A_51 = tpu.memref_squeeze %dma_start3A_50 : memref<1x2x128xi32, #tpu.memory_space<vmem>> -> memref<2x128xi32, #tpu.memory_space<vmem>>
    %dma_start3A_52 = arith.constant 0 : i32
    %dma_start3A_53 = arith.constant 0 : i32
    %dma_start3A_54 = tpu.memref_slice %arg2[%dma_start3A_38, %add3A, %dma_start3A_52, %dma_start3A_53] : memref<2x32x80x128xi32, #tpu.memory_space<hbm>> -> memref<1x1x2x128xi32, #tpu.memory_space<hbm>>
    %dma_start3A_55 = tpu.memref_squeeze %dma_start3A_54 : memref<1x1x2x128xi32, #tpu.memory_space<hbm>> -> memref<2x128xi32, #tpu.memory_space<hbm>>
    tpu.enqueue_dma source(%dma_start3A_55 : memref<2x128xi32, #tpu.memory_space<hbm>>) target(%dma_start3A_51 : memref<2x128xi32, #tpu.memory_space<vmem>>) target_semaphore(%arg11 : memref<!tpu.dma_semaphore, #tpu.memory_space<semaphore_mem>>)
    %dma_start3A_56 = arith.constant 0 : i32
    %dma_start3A_57 = arith.constant 1 : i32
    %dma_start3A_58 = arith.constant 0 : i32
    %dma_start3A_59 = arith.constant 0 : i32
    %dma_start3A_60 = tpu.memref_slice %arg6[%dma_start3A_57, %dma_start3A_58, %dma_start3A_59] : memref<2x2x128xi32, #tpu.memory_space<vmem>> -> memref<1x2x128xi32, #tpu.memory_space<vmem>>
    %dma_start3A_61 = tpu.memref_squeeze %dma_start3A_60 : memref<1x2x128xi32, #tpu.memory_space<vmem>> -> memref<2x128xi32, #tpu.memory_space<vmem>>
    %dma_start3A_62 = arith.constant 2 : i32
    %dma_start3A_63 = arith.constant 0 : i32
    %dma_start3A_64 = tpu.memref_slice %arg2[%dma_start3A_56, %add3A, %dma_start3A_62, %dma_start3A_63] : memref<2x32x80x128xi32, #tpu.memory_space<hbm>> -> memref<1x1x2x128xi32, #tpu.memory_space<hbm>>
    %dma_start3A_65 = tpu.memref_squeeze %dma_start3A_64 : memref<1x1x2x128xi32, #tpu.memory_space<hbm>> -> memref<2x128xi32, #tpu.memory_space<hbm>>
    %dma_start3A_66 = arith.constant 0 : i32
    %dma_start3A_67 = arith.constant 0 : i32
    %dma_start3A_68 = tpu.memref_slice %arg6[%dma_start3A_57, %dma_start3A_66, %dma_start3A_67] : memref<2x2x128xi32, #tpu.memory_space<vmem>> -> memref<1x2x128xi32, #tpu.memory_space<vmem>>
    %dma_start3A_69 = tpu.memref_squeeze %dma_start3A_68 : memref<1x2x128xi32, #tpu.memory_space<vmem>> -> memref<2x128xi32, #tpu.memory_space<vmem>>
    %dma_start3A_70 = arith.constant 2 : i32
    %dma_start3A_71 = arith.constant 0 : i32
    %dma_start3A_72 = tpu.memref_slice %arg2[%dma_start3A_56, %add3A, %dma_start3A_70, %dma_start3A_71] : memref<2x32x80x128xi32, #tpu.memory_space<hbm>> -> memref<1x1x2x128xi32, #tpu.memory_space<hbm>>
    %dma_start3A_73 = tpu.memref_squeeze %dma_start3A_72 : memref<1x1x2x128xi32, #tpu.memory_space<hbm>> -> memref<2x128xi32, #tpu.memory_space<hbm>>
    tpu.enqueue_dma source(%dma_start3A_73 : memref<2x128xi32, #tpu.memory_space<hbm>>) target(%dma_start3A_69 : memref<2x128xi32, #tpu.memory_space<vmem>>) target_semaphore(%arg12 : memref<!tpu.dma_semaphore, #tpu.memory_space<semaphore_mem>>)
    %dma_start3A_74 = arith.constant 1 : i32
    %dma_start3A_75 = arith.constant 1 : i32
    %dma_start3A_76 = arith.constant 0 : i32
    %dma_start3A_77 = arith.constant 0 : i32
    %dma_start3A_78 = tpu.memref_slice %arg7[%dma_start3A_75, %dma_start3A_76, %dma_start3A_77] : memref<2x2x128xi32, #tpu.memory_space<vmem>> -> memref<1x2x128xi32, #tpu.memory_space<vmem>>
    %dma_start3A_79 = tpu.memref_squeeze %dma_start3A_78 : memref<1x2x128xi32, #tpu.memory_space<vmem>> -> memref<2x128xi32, #tpu.memory_space<vmem>>
    %dma_start3A_80 = arith.constant 2 : i32
    %dma_start3A_81 = arith.constant 0 : i32
    %dma_start3A_82 = tpu.memref_slice %arg2[%dma_start3A_74, %add3A, %dma_start3A_80, %dma_start3A_81] : memref<2x32x80x128xi32, #tpu.memory_space<hbm>> -> memref<1x1x2x128xi32, #tpu.memory_space<hbm>>
    %dma_start3A_83 = tpu.memref_squeeze %dma_start3A_82 : memref<1x1x2x128xi32, #tpu.memory_space<hbm>> -> memref<2x128xi32, #tpu.memory_space<hbm>>
    %dma_start3A_84 = arith.constant 0 : i32
    %dma_start3A_85 = arith.constant 0 : i32
    %dma_start3A_86 = tpu.memref_slice %arg7[%dma_start3A_75, %dma_start3A_84, %dma_start3A_85] : memref<2x2x128xi32, #tpu.memory_space<vmem>> -> memref<1x2x128xi32, #tpu.memory_space<vmem>>
    %dma_start3A_87 = tpu.memref_squeeze %dma_start3A_86 : memref<1x2x128xi32, #tpu.memory_space<vmem>> -> memref<2x128xi32, #tpu.memory_space<vmem>>
    %dma_start3A_88 = arith.constant 2 : i32
    %dma_start3A_89 = arith.constant 0 : i32
    %dma_start3A_90 = tpu.memref_slice %arg2[%dma_start3A_74, %add3A, %dma_start3A_88, %dma_start3A_89] : memref<2x32x80x128xi32, #tpu.memory_space<hbm>> -> memref<1x1x2x128xi32, #tpu.memory_space<hbm>>
    %dma_start3A_91 = tpu.memref_squeeze %dma_start3A_90 : memref<1x1x2x128xi32, #tpu.memory_space<hbm>> -> memref<2x128xi32, #tpu.memory_space<hbm>>
    tpu.enqueue_dma source(%dma_start3A_91 : memref<2x128xi32, #tpu.memory_space<hbm>>) target(%dma_start3A_87 : memref<2x128xi32, #tpu.memory_space<vmem>>) target_semaphore(%arg12 : memref<!tpu.dma_semaphore, #tpu.memory_space<semaphore_mem>>)
    %dma_wait3A = arith.constant 0 : i32
    %dma_wait3A_92 = arith.constant 0 : i32
    %dma_wait3A_93 = arith.constant 0 : i32
    %dma_wait3A_94 = arith.constant 0 : i32
    %dma_wait3A_95 = tpu.memref_slice %arg6[%dma_wait3A_92, %dma_wait3A_93, %dma_wait3A_94] : memref<2x2x128xi32, #tpu.memory_space<vmem>> -> memref<1x2x128xi32, #tpu.memory_space<vmem>>
    %dma_wait3A_96 = tpu.memref_squeeze %dma_wait3A_95 : memref<1x2x128xi32, #tpu.memory_space<vmem>> -> memref<2x128xi32, #tpu.memory_space<vmem>>
    %dma_wait3A_97 = arith.constant 0 : i32
    %dma_wait3A_98 = arith.constant 0 : i32
    %dma_wait3A_99 = tpu.memref_slice %arg2[%dma_wait3A, %add3A, %dma_wait3A_97, %dma_wait3A_98] : memref<2x32x80x128xi32, #tpu.memory_space<hbm>> -> memref<1x1x2x128xi32, #tpu.memory_space<hbm>>
    %dma_wait3A_100 = tpu.memref_squeeze %dma_wait3A_99 : memref<1x1x2x128xi32, #tpu.memory_space<hbm>> -> memref<2x128xi32, #tpu.memory_space<hbm>>
    %dma_wait3A_101 = arith.constant 0 : i32
    %dma_wait3A_102 = arith.constant 0 : i32
    %dma_wait3A_103 = tpu.memref_slice %arg6[%dma_wait3A_92, %dma_wait3A_101, %dma_wait3A_102] : memref<2x2x128xi32, #tpu.memory_space<vmem>> -> memref<1x2x128xi32, #tpu.memory_space<vmem>>
    %dma_wait3A_104 = tpu.memref_squeeze %dma_wait3A_103 : memref<1x2x128xi32, #tpu.memory_space<vmem>> -> memref<2x128xi32, #tpu.memory_space<vmem>>
    %dma_wait3A_105 = arith.constant 0 : i32
    %dma_wait3A_106 = arith.constant 0 : i32
    %dma_wait3A_107 = tpu.memref_slice %arg2[%dma_wait3A, %add3A, %dma_wait3A_105, %dma_wait3A_106] : memref<2x32x80x128xi32, #tpu.memory_space<hbm>> -> memref<1x1x2x128xi32, #tpu.memory_space<hbm>>
    %dma_wait3A_108 = tpu.memref_squeeze %dma_wait3A_107 : memref<1x1x2x128xi32, #tpu.memory_space<hbm>> -> memref<2x128xi32, #tpu.memory_space<hbm>>
    tpu.wait_dma2 semaphore(%arg11 : memref<!tpu.dma_semaphore, #tpu.memory_space<semaphore_mem>>) src(%dma_wait3A_108 : memref<2x128xi32, #tpu.memory_space<hbm>>) dst(%dma_wait3A_104 : memref<2x128xi32, #tpu.memory_space<vmem>>)
    %dma_wait3A_109 = arith.constant 1 : i32
    %dma_wait3A_110 = arith.constant 0 : i32
    %dma_wait3A_111 = arith.constant 0 : i32
    %dma_wait3A_112 = arith.constant 0 : i32
    %dma_wait3A_113 = tpu.memref_slice %arg7[%dma_wait3A_110, %dma_wait3A_111, %dma_wait3A_112] : memref<2x2x128xi32, #tpu.memory_space<vmem>> -> memref<1x2x128xi32, #tpu.memory_space<vmem>>
    %dma_wait3A_114 = tpu.memref_squeeze %dma_wait3A_113 : memref<1x2x128xi32, #tpu.memory_space<vmem>> -> memref<2x128xi32, #tpu.memory_space<vmem>>
    %dma_wait3A_115 = arith.constant 0 : i32
    %dma_wait3A_116 = arith.constant 0 : i32
    %dma_wait3A_117 = tpu.memref_slice %arg2[%dma_wait3A_109, %add3A, %dma_wait3A_115, %dma_wait3A_116] : memref<2x32x80x128xi32, #tpu.memory_space<hbm>> -> memref<1x1x2x128xi32, #tpu.memory_space<hbm>>
    %dma_wait3A_118 = tpu.memref_squeeze %dma_wait3A_117 : memref<1x1x2x128xi32, #tpu.memory_space<hbm>> -> memref<2x128xi32, #tpu.memory_space<hbm>>
    %dma_wait3A_119 = arith.constant 0 : i32
    %dma_wait3A_120 = arith.constant 0 : i32
    %dma_wait3A_121 = tpu.memref_slice %arg7[%dma_wait3A_110, %dma_wait3A_119, %dma_wait3A_120] : memref<2x2x128xi32, #tpu.memory_space<vmem>> -> memref<1x2x128xi32, #tpu.memory_space<vmem>>
    %dma_wait3A_122 = tpu.memref_squeeze %dma_wait3A_121 : memref<1x2x128xi32, #tpu.memory_space<vmem>> -> memref<2x128xi32, #tpu.memory_space<vmem>>
    %dma_wait3A_123 = arith.constant 0 : i32
    %dma_wait3A_124 = arith.constant 0 : i32
    %dma_wait3A_125 = tpu.memref_slice %arg2[%dma_wait3A_109, %add3A, %dma_wait3A_123, %dma_wait3A_124] : memref<2x32x80x128xi32, #tpu.memory_space<hbm>> -> memref<1x1x2x128xi32, #tpu.memory_space<hbm>>
    %dma_wait3A_126 = tpu.memref_squeeze %dma_wait3A_125 : memref<1x1x2x128xi32, #tpu.memory_space<hbm>> -> memref<2x128xi32, #tpu.memory_space<hbm>>
    tpu.wait_dma2 semaphore(%arg11 : memref<!tpu.dma_semaphore, #tpu.memory_space<semaphore_mem>>) src(%dma_wait3A_126 : memref<2x128xi32, #tpu.memory_space<hbm>>) dst(%dma_wait3A_122 : memref<2x128xi32, #tpu.memory_space<vmem>>)
    %dma_start3A_127 = arith.constant 0 : i32
    %dma_start3A_128 = arith.constant 0 : i32
    %dma_start3A_129 = arith.constant 0 : i32
    %dma_start3A_130 = tpu.memref_slice %arg6[%dma_start3A_127, %dma_start3A_128, %dma_start3A_129] : memref<2x2x128xi32, #tpu.memory_space<vmem>> -> memref<1x1x128xi32, #tpu.memory_space<vmem>>
    %dma_start3A_131 = tpu.memref_squeeze %dma_start3A_130 : memref<1x1x128xi32, #tpu.memory_space<vmem>> -> memref<128xi32, #tpu.memory_space<vmem>>
    %dma_start3A_132 = arith.constant 0 : i32
    %dma_start3A_133 = arith.constant 0 : i32
    %dma_start3A_134 = tpu.memref_slice %arg3[%dma_start3A_132, %dma_start3A_133] : memref<10240x128xf32, #tpu.memory_space<hbm>> -> memref<10240x128xf32, #tpu.memory_space<hbm>>
    tpu.enqueue_indirect_dma source(%dma_start3A_134 : memref<10240x128xf32, #tpu.memory_space<hbm>>) target(%arg8 : memref<128x128xf32, #tpu.memory_space<vmem>>) offsets(%dma_start3A_131 : memref<128xi32, #tpu.memory_space<vmem>>) semaphore(%arg13 : memref<!tpu.dma_semaphore, #tpu.memory_space<semaphore_mem>>)
    %dma_start3A_135 = arith.constant 0 : i32
    %dma_start3A_136 = arith.constant 1 : i32
    %dma_start3A_137 = arith.constant 0 : i32
    %dma_start3A_138 = tpu.memref_slice %arg6[%dma_start3A_135, %dma_start3A_136, %dma_start3A_137] : memref<2x2x128xi32, #tpu.memory_space<vmem>> -> memref<1x1x128xi32, #tpu.memory_space<vmem>>
    %dma_start3A_139 = tpu.memref_squeeze %dma_start3A_138 : memref<1x1x128xi32, #tpu.memory_space<vmem>> -> memref<128xi32, #tpu.memory_space<vmem>>
    %dma_start3A_140 = arith.constant 0 : i32
    %dma_start3A_141 = arith.constant 0 : i32
    %dma_start3A_142 = tpu.memref_slice %arg3[%dma_start3A_140, %dma_start3A_141] : memref<10240x128xf32, #tpu.memory_space<hbm>> -> memref<10240x128xf32, #tpu.memory_space<hbm>>
    tpu.enqueue_indirect_dma source(%dma_start3A_142 : memref<10240x128xf32, #tpu.memory_space<hbm>>) target(%arg9 : memref<128x128xf32, #tpu.memory_space<vmem>>) offsets(%dma_start3A_139 : memref<128xi32, #tpu.memory_space<vmem>>) semaphore(%arg14 : memref<!tpu.dma_semaphore, #tpu.memory_space<semaphore_mem>>)
    %scan3A = arith.constant 0 : i32
    %scan3A_143 = arith.constant 0 : i32
    %scan3A_144 = arith.constant 20 : i32
    %scan3A_145 = arith.addi %scan3A_143, %scan3A_144 : i32
    %scan3A_146 = arith.constant 1 : i32
    scf.for %scan3A_185 = %scan3A_143 to %scan3A_145 step %scan3A_146  : i32 {
      %mul3A_186 = arith.constant 4 : i32
      %mul3A_187 = arith.muli %mul3A_186, %scan3A_185 : i32
      %dma_wait3A_188 = arith.constant 0 : i32
      %dma_wait3A_189 = arith.constant 0 : i32
      %dma_wait3A_190 = arith.constant 0 : i32
      %dma_wait3A_191 = tpu.memref_slice %arg6[%dma_wait3A_188, %dma_wait3A_189, %dma_wait3A_190] : memref<2x2x128xi32, #tpu.memory_space<vmem>> -> memref<1x1x128xi32, #tpu.memory_space<vmem>>
      %dma_wait3A_192 = tpu.memref_squeeze %dma_wait3A_191 : memref<1x1x128xi32, #tpu.memory_space<vmem>> -> memref<128xi32, #tpu.memory_space<vmem>>
      %dma_wait3A_193 = arith.constant 0 : i32
      %dma_wait3A_194 = arith.constant 0 : i32
      %dma_wait3A_195 = tpu.memref_slice %arg3[%dma_wait3A_193, %dma_wait3A_194] : memref<10240x128xf32, #tpu.memory_space<hbm>> -> memref<10240x128xf32, #tpu.memory_space<hbm>>
      tpu.wait_indirect_dma semaphore(%arg13 : memref<!tpu.dma_semaphore, #tpu.memory_space<semaphore_mem>>) src(%dma_wait3A_195 : memref<10240x128xf32, #tpu.memory_space<hbm>>) dst(%arg8 : memref<128x128xf32, #tpu.memory_space<vmem>>)
      %dma_start3A_196 = arith.constant 0 : i32
      %dma_start3A_197 = arith.constant 0 : i32
      %dma_start3A_198 = arith.constant 0 : i32
      %dma_start3A_199 = tpu.memref_slice %arg7[%dma_start3A_196, %dma_start3A_197, %dma_start3A_198] : memref<2x2x128xi32, #tpu.memory_space<vmem>> -> memref<1x1x128xi32, #tpu.memory_space<vmem>>
      %dma_start3A_200 = tpu.memref_squeeze %dma_start3A_199 : memref<1x1x128xi32, #tpu.memory_space<vmem>> -> memref<128xi32, #tpu.memory_space<vmem>>
      %dma_start3A_201 = arith.constant 0 : i32
      %dma_start3A_202 = arith.constant 0 : i32
      %dma_start3A_203 = tpu.memref_slice %arg10[%dma_start3A_201, %dma_start3A_202] : memref<10240x128xf32, #tpu.memory_space<vmem_shared>> -> memref<10240x128xf32, #tpu.memory_space<vmem_shared>>
      tpu.enqueue_indirect_dma source(%arg8 : memref<128x128xf32, #tpu.memory_space<vmem>>) target(%dma_start3A_203 : memref<10240x128xf32, #tpu.memory_space<vmem_shared>>) offsets(%dma_start3A_200 : memref<128xi32, #tpu.memory_space<vmem>>) semaphore(%arg15 : memref<!tpu.dma_semaphore, #tpu.memory_space<semaphore_mem>>) {add = true}
      %dma_wait3A_204 = arith.constant 0 : i32
      %dma_wait3A_205 = arith.constant 1 : i32
      %dma_wait3A_206 = arith.constant 0 : i32
      %dma_wait3A_207 = tpu.memref_slice %arg6[%dma_wait3A_204, %dma_wait3A_205, %dma_wait3A_206] : memref<2x2x128xi32, #tpu.memory_space<vmem>> -> memref<1x1x128xi32, #tpu.memory_space<vmem>>
      %dma_wait3A_208 = tpu.memref_squeeze %dma_wait3A_207 : memref<1x1x128xi32, #tpu.memory_space<vmem>> -> memref<128xi32, #tpu.memory_space<vmem>>
      %dma_wait3A_209 = arith.constant 0 : i32
      %dma_wait3A_210 = arith.constant 0 : i32
      %dma_wait3A_211 = tpu.memref_slice %arg3[%dma_wait3A_209, %dma_wait3A_210] : memref<10240x128xf32, #tpu.memory_space<hbm>> -> memref<10240x128xf32, #tpu.memory_space<hbm>>
      tpu.wait_indirect_dma semaphore(%arg14 : memref<!tpu.dma_semaphore, #tpu.memory_space<semaphore_mem>>) src(%dma_wait3A_211 : memref<10240x128xf32, #tpu.memory_space<hbm>>) dst(%arg9 : memref<128x128xf32, #tpu.memory_space<vmem>>)
      %dma_start3A_212 = arith.constant 0 : i32
      %dma_start3A_213 = arith.constant 1 : i32
      %dma_start3A_214 = arith.constant 0 : i32
      %dma_start3A_215 = tpu.memref_slice %arg7[%dma_start3A_212, %dma_start3A_213, %dma_start3A_214] : memref<2x2x128xi32, #tpu.memory_space<vmem>> -> memref<1x1x128xi32, #tpu.memory_space<vmem>>
      %dma_start3A_216 = tpu.memref_squeeze %dma_start3A_215 : memref<1x1x128xi32, #tpu.memory_space<vmem>> -> memref<128xi32, #tpu.memory_space<vmem>>
      %dma_start3A_217 = arith.constant 0 : i32
      %dma_start3A_218 = arith.constant 0 : i32
      %dma_start3A_219 = tpu.memref_slice %arg10[%dma_start3A_217, %dma_start3A_218] : memref<10240x128xf32, #tpu.memory_space<vmem_shared>> -> memref<10240x128xf32, #tpu.memory_space<vmem_shared>>
      tpu.enqueue_indirect_dma source(%arg9 : memref<128x128xf32, #tpu.memory_space<vmem>>) target(%dma_start3A_219 : memref<10240x128xf32, #tpu.memory_space<vmem_shared>>) offsets(%dma_start3A_216 : memref<128xi32, #tpu.memory_space<vmem>>) semaphore(%arg16 : memref<!tpu.dma_semaphore, #tpu.memory_space<semaphore_mem>>) {add = true}
      %add3A_220 = arith.constant 2 : i32
      %add3A_221 = arith.addi %mul3A_187, %add3A_220 : i32
      %lt3A = arith.constant 80 : i32
      %lt3A_222 = arith.cmpi slt, %add3A_221, %lt3A : i32
      %convert_element_type3A = arith.extui %lt3A_222 : i1 to i32
      %cond3A = arith.constant 0 : i32
      %cond3A_223 = arith.cmpi ne, %convert_element_type3A, %cond3A : i32
      scf.if %cond3A_223 {
        %dma_wait3A_265 = arith.constant 0 : i32
        %dma_wait3A_266 = arith.constant 1 : i32
        %dma_wait3A_267 = arith.constant 0 : i32
        %dma_wait3A_268 = arith.constant 0 : i32
        %dma_wait3A_269 = tpu.memref_slice %arg6[%dma_wait3A_266, %dma_wait3A_267, %dma_wait3A_268] : memref<2x2x128xi32, #tpu.memory_space<vmem>> -> memref<1x2x128xi32, #tpu.memory_space<vmem>>
        %dma_wait3A_270 = tpu.memref_squeeze %dma_wait3A_269 : memref<1x2x128xi32, #tpu.memory_space<vmem>> -> memref<2x128xi32, #tpu.memory_space<vmem>>
        %dma_wait3A_271 = arith.constant 0 : i32
        %dma_wait3A_272 = arith.constant 0 : i32
        %dma_wait3A_273 = tpu.memref_slice %arg2[%dma_wait3A_265, %add3A, %dma_wait3A_271, %dma_wait3A_272] : memref<2x32x80x128xi32, #tpu.memory_space<hbm>> -> memref<1x1x2x128xi32, #tpu.memory_space<hbm>>
        %dma_wait3A_274 = tpu.memref_squeeze %dma_wait3A_273 : memref<1x1x2x128xi32, #tpu.memory_space<hbm>> -> memref<2x128xi32, #tpu.memory_space<hbm>>
        %dma_wait3A_275 = arith.constant 0 : i32
        %dma_wait3A_276 = arith.constant 0 : i32
        %dma_wait3A_277 = tpu.memref_slice %arg6[%dma_wait3A_266, %dma_wait3A_275, %dma_wait3A_276] : memref<2x2x128xi32, #tpu.memory_space<vmem>> -> memref<1x2x128xi32, #tpu.memory_space<vmem>>
        %dma_wait3A_278 = tpu.memref_squeeze %dma_wait3A_277 : memref<1x2x128xi32, #tpu.memory_space<vmem>> -> memref<2x128xi32, #tpu.memory_space<vmem>>
        %dma_wait3A_279 = arith.constant 0 : i32
        %dma_wait3A_280 = arith.constant 0 : i32
        %dma_wait3A_281 = tpu.memref_slice %arg2[%dma_wait3A_265, %add3A, %dma_wait3A_279, %dma_wait3A_280] : memref<2x32x80x128xi32, #tpu.memory_space<hbm>> -> memref<1x1x2x128xi32, #tpu.memory_space<hbm>>
        %dma_wait3A_282 = tpu.memref_squeeze %dma_wait3A_281 : memref<1x1x2x128xi32, #tpu.memory_space<hbm>> -> memref<2x128xi32, #tpu.memory_space<hbm>>
        tpu.wait_dma2 semaphore(%arg12 : memref<!tpu.dma_semaphore, #tpu.memory_space<semaphore_mem>>) src(%dma_wait3A_282 : memref<2x128xi32, #tpu.memory_space<hbm>>) dst(%dma_wait3A_278 : memref<2x128xi32, #tpu.memory_space<vmem>>)
        %dma_wait3A_283 = arith.constant 1 : i32
        %dma_wait3A_284 = arith.constant 1 : i32
        %dma_wait3A_285 = arith.constant 0 : i32
        %dma_wait3A_286 = arith.constant 0 : i32
        %dma_wait3A_287 = tpu.memref_slice %arg7[%dma_wait3A_284, %dma_wait3A_285, %dma_wait3A_286] : memref<2x2x128xi32, #tpu.memory_space<vmem>> -> memref<1x2x128xi32, #tpu.memory_space<vmem>>
        %dma_wait3A_288 = tpu.memref_squeeze %dma_wait3A_287 : memref<1x2x128xi32, #tpu.memory_space<vmem>> -> memref<2x128xi32, #tpu.memory_space<vmem>>
        %dma_wait3A_289 = arith.constant 0 : i32
        %dma_wait3A_290 = arith.constant 0 : i32
        %dma_wait3A_291 = tpu.memref_slice %arg2[%dma_wait3A_283, %add3A, %dma_wait3A_289, %dma_wait3A_290] : memref<2x32x80x128xi32, #tpu.memory_space<hbm>> -> memref<1x1x2x128xi32, #tpu.memory_space<hbm>>
        %dma_wait3A_292 = tpu.memref_squeeze %dma_wait3A_291 : memref<1x1x2x128xi32, #tpu.memory_space<hbm>> -> memref<2x128xi32, #tpu.memory_space<hbm>>
        %dma_wait3A_293 = arith.constant 0 : i32
        %dma_wait3A_294 = arith.constant 0 : i32
        %dma_wait3A_295 = tpu.memref_slice %arg7[%dma_wait3A_284, %dma_wait3A_293, %dma_wait3A_294] : memref<2x2x128xi32, #tpu.memory_space<vmem>> -> memref<1x2x128xi32, #tpu.memory_space<vmem>>
        %dma_wait3A_296 = tpu.memref_squeeze %dma_wait3A_295 : memref<1x2x128xi32, #tpu.memory_space<vmem>> -> memref<2x128xi32, #tpu.memory_space<vmem>>
        %dma_wait3A_297 = arith.constant 0 : i32
        %dma_wait3A_298 = arith.constant 0 : i32
        %dma_wait3A_299 = tpu.memref_slice %arg2[%dma_wait3A_283, %add3A, %dma_wait3A_297, %dma_wait3A_298] : memref<2x32x80x128xi32, #tpu.memory_space<hbm>> -> memref<1x1x2x128xi32, #tpu.memory_space<hbm>>
        %dma_wait3A_300 = tpu.memref_squeeze %dma_wait3A_299 : memref<1x1x2x128xi32, #tpu.memory_space<hbm>> -> memref<2x128xi32, #tpu.memory_space<hbm>>
        tpu.wait_dma2 semaphore(%arg12 : memref<!tpu.dma_semaphore, #tpu.memory_space<semaphore_mem>>) src(%dma_wait3A_300 : memref<2x128xi32, #tpu.memory_space<hbm>>) dst(%dma_wait3A_296 : memref<2x128xi32, #tpu.memory_space<vmem>>)
        %dma_wait3A_301 = arith.constant 0 : i32
        %dma_wait3A_302 = arith.constant 0 : i32
        %dma_wait3A_303 = arith.constant 0 : i32
        %dma_wait3A_304 = tpu.memref_slice %arg7[%dma_wait3A_301, %dma_wait3A_302, %dma_wait3A_303] : memref<2x2x128xi32, #tpu.memory_space<vmem>> -> memref<1x1x128xi32, #tpu.memory_space<vmem>>
        %dma_wait3A_305 = tpu.memref_squeeze %dma_wait3A_304 : memref<1x1x128xi32, #tpu.memory_space<vmem>> -> memref<128xi32, #tpu.memory_space<vmem>>
        %dma_wait3A_306 = arith.constant 0 : i32
        %dma_wait3A_307 = arith.constant 0 : i32
        %dma_wait3A_308 = tpu.memref_slice %arg10[%dma_wait3A_306, %dma_wait3A_307] : memref<10240x128xf32, #tpu.memory_space<vmem_shared>> -> memref<10240x128xf32, #tpu.memory_space<vmem_shared>>
        tpu.wait_indirect_dma semaphore(%arg15 : memref<!tpu.dma_semaphore, #tpu.memory_space<semaphore_mem>>) src(%arg8 : memref<128x128xf32, #tpu.memory_space<vmem>>) dst(%dma_wait3A_308 : memref<10240x128xf32, #tpu.memory_space<vmem_shared>>)
        %dma_start3A_309 = arith.constant 1 : i32
        %dma_start3A_310 = arith.constant 0 : i32
        %dma_start3A_311 = arith.constant 0 : i32
        %dma_start3A_312 = tpu.memref_slice %arg6[%dma_start3A_309, %dma_start3A_310, %dma_start3A_311] : memref<2x2x128xi32, #tpu.memory_space<vmem>> -> memref<1x1x128xi32, #tpu.memory_space<vmem>>
        %dma_start3A_313 = tpu.memref_squeeze %dma_start3A_312 : memref<1x1x128xi32, #tpu.memory_space<vmem>> -> memref<128xi32, #tpu.memory_space<vmem>>
        %dma_start3A_314 = arith.constant 0 : i32
        %dma_start3A_315 = arith.constant 0 : i32
        %dma_start3A_316 = tpu.memref_slice %arg3[%dma_start3A_314, %dma_start3A_315] : memref<10240x128xf32, #tpu.memory_space<hbm>> -> memref<10240x128xf32, #tpu.memory_space<hbm>>
        tpu.enqueue_indirect_dma source(%dma_start3A_316 : memref<10240x128xf32, #tpu.memory_space<hbm>>) target(%arg8 : memref<128x128xf32, #tpu.memory_space<vmem>>) offsets(%dma_start3A_313 : memref<128xi32, #tpu.memory_space<vmem>>) semaphore(%arg13 : memref<!tpu.dma_semaphore, #tpu.memory_space<semaphore_mem>>)
        %dma_wait3A_317 = arith.constant 0 : i32
        %dma_wait3A_318 = arith.constant 1 : i32
        %dma_wait3A_319 = arith.constant 0 : i32
        %dma_wait3A_320 = tpu.memref_slice %arg7[%dma_wait3A_317, %dma_wait3A_318, %dma_wait3A_319] : memref<2x2x128xi32, #tpu.memory_space<vmem>> -> memref<1x1x128xi32, #tpu.memory_space<vmem>>
        %dma_wait3A_321 = tpu.memref_squeeze %dma_wait3A_320 : memref<1x1x128xi32, #tpu.memory_space<vmem>> -> memref<128xi32, #tpu.memory_space<vmem>>
        %dma_wait3A_322 = arith.constant 0 : i32
        %dma_wait3A_323 = arith.constant 0 : i32
        %dma_wait3A_324 = tpu.memref_slice %arg10[%dma_wait3A_322, %dma_wait3A_323] : memref<10240x128xf32, #tpu.memory_space<vmem_shared>> -> memref<10240x128xf32, #tpu.memory_space<vmem_shared>>
        tpu.wait_indirect_dma semaphore(%arg16 : memref<!tpu.dma_semaphore, #tpu.memory_space<semaphore_mem>>) src(%arg9 : memref<128x128xf32, #tpu.memory_space<vmem>>) dst(%dma_wait3A_324 : memref<10240x128xf32, #tpu.memory_space<vmem_shared>>)
        %dma_start3A_325 = arith.constant 1 : i32
        %dma_start3A_326 = arith.constant 1 : i32
        %dma_start3A_327 = arith.constant 0 : i32
        %dma_start3A_328 = tpu.memref_slice %arg6[%dma_start3A_325, %dma_start3A_326, %dma_start3A_327] : memref<2x2x128xi32, #tpu.memory_space<vmem>> -> memref<1x1x128xi32, #tpu.memory_space<vmem>>
        %dma_start3A_329 = tpu.memref_squeeze %dma_start3A_328 : memref<1x1x128xi32, #tpu.memory_space<vmem>> -> memref<128xi32, #tpu.memory_space<vmem>>
        %dma_start3A_330 = arith.constant 0 : i32
        %dma_start3A_331 = arith.constant 0 : i32
        %dma_start3A_332 = tpu.memref_slice %arg3[%dma_start3A_330, %dma_start3A_331] : memref<10240x128xf32, #tpu.memory_space<hbm>> -> memref<10240x128xf32, #tpu.memory_space<hbm>>
        tpu.enqueue_indirect_dma source(%dma_start3A_332 : memref<10240x128xf32, #tpu.memory_space<hbm>>) target(%arg9 : memref<128x128xf32, #tpu.memory_space<vmem>>) offsets(%dma_start3A_329 : memref<128xi32, #tpu.memory_space<vmem>>) semaphore(%arg14 : memref<!tpu.dma_semaphore, #tpu.memory_space<semaphore_mem>>)
        %add3A_333 = arith.constant 4 : i32
        %add3A_334 = arith.addi %mul3A_187, %add3A_333 : i32
        %lt3A_335 = arith.constant 80 : i32
        %lt3A_336 = arith.cmpi slt, %add3A_334, %lt3A_335 : i32
        %convert_element_type3A_337 = arith.extui %lt3A_336 : i1 to i32
        %cond3A_338 = arith.constant 0 : i32
        %cond3A_339 = arith.cmpi ne, %convert_element_type3A_337, %cond3A_338 : i32
        scf.if %cond3A_339 {
          %add3A_340 = arith.constant 4 : i32
          %add3A_341 = arith.addi %mul3A_187, %add3A_340 : i32
          %dma_start3A_342 = arith.constant 0 : i32
          %dma_start3A_343 = arith.constant 0 : i32
          %dma_start3A_344 = arith.constant 0 : i32
          %dma_start3A_345 = arith.constant 0 : i32
          %dma_start3A_346 = tpu.memref_slice %arg6[%dma_start3A_343, %dma_start3A_344, %dma_start3A_345] : memref<2x2x128xi32, #tpu.memory_space<vmem>> -> memref<1x2x128xi32, #tpu.memory_space<vmem>>
          %dma_start3A_347 = tpu.memref_squeeze %dma_start3A_346 : memref<1x2x128xi32, #tpu.memory_space<vmem>> -> memref<2x128xi32, #tpu.memory_space<vmem>>
          %dma_start3A_348 = arith.constant 0 : i32
          %dma_start3A_349 = tpu.memref_slice %arg2[%dma_start3A_342, %add3A, %add3A_341, %dma_start3A_348] : memref<2x32x80x128xi32, #tpu.memory_space<hbm>> -> memref<1x1x2x128xi32, #tpu.memory_space<hbm>>
          %dma_start3A_350 = tpu.memref_squeeze %dma_start3A_349 : memref<1x1x2x128xi32, #tpu.memory_space<hbm>> -> memref<2x128xi32, #tpu.memory_space<hbm>>
          %dma_start3A_351 = arith.constant 0 : i32
          %dma_start3A_352 = arith.constant 0 : i32
          %dma_start3A_353 = tpu.memref_slice %arg6[%dma_start3A_343, %dma_start3A_351, %dma_start3A_352] : memref<2x2x128xi32, #tpu.memory_space<vmem>> -> memref<1x2x128xi32, #tpu.memory_space<vmem>>
          %dma_start3A_354 = tpu.memref_squeeze %dma_start3A_353 : memref<1x2x128xi32, #tpu.memory_space<vmem>> -> memref<2x128xi32, #tpu.memory_space<vmem>>
          %dma_start3A_355 = arith.constant 0 : i32
          %dma_start3A_356 = tpu.memref_slice %arg2[%dma_start3A_342, %add3A, %add3A_341, %dma_start3A_355] : memref<2x32x80x128xi32, #tpu.memory_space<hbm>> -> memref<1x1x2x128xi32, #tpu.memory_space<hbm>>
          %dma_start3A_357 = tpu.memref_squeeze %dma_start3A_356 : memref<1x1x2x128xi32, #tpu.memory_space<hbm>> -> memref<2x128xi32, #tpu.memory_space<hbm>>
          tpu.enqueue_dma source(%dma_start3A_357 : memref<2x128xi32, #tpu.memory_space<hbm>>) target(%dma_start3A_354 : memref<2x128xi32, #tpu.memory_space<vmem>>) target_semaphore(%arg11 : memref<!tpu.dma_semaphore, #tpu.memory_space<semaphore_mem>>)
          %add3A_358 = arith.constant 4 : i32
          %add3A_359 = arith.addi %mul3A_187, %add3A_358 : i32
          %dma_start3A_360 = arith.constant 1 : i32
          %dma_start3A_361 = arith.constant 0 : i32
          %dma_start3A_362 = arith.constant 0 : i32
          %dma_start3A_363 = arith.constant 0 : i32
          %dma_start3A_364 = tpu.memref_slice %arg7[%dma_start3A_361, %dma_start3A_362, %dma_start3A_363] : memref<2x2x128xi32, #tpu.memory_space<vmem>> -> memref<1x2x128xi32, #tpu.memory_space<vmem>>
          %dma_start3A_365 = tpu.memref_squeeze %dma_start3A_364 : memref<1x2x128xi32, #tpu.memory_space<vmem>> -> memref<2x128xi32, #tpu.memory_space<vmem>>
          %dma_start3A_366 = arith.constant 0 : i32
          %dma_start3A_367 = tpu.memref_slice %arg2[%dma_start3A_360, %add3A, %add3A_359, %dma_start3A_366] : memref<2x32x80x128xi32, #tpu.memory_space<hbm>> -> memref<1x1x2x128xi32, #tpu.memory_space<hbm>>
          %dma_start3A_368 = tpu.memref_squeeze %dma_start3A_367 : memref<1x1x2x128xi32, #tpu.memory_space<hbm>> -> memref<2x128xi32, #tpu.memory_space<hbm>>
          %dma_start3A_369 = arith.constant 0 : i32
          %dma_start3A_370 = arith.constant 0 : i32
          %dma_start3A_371 = tpu.memref_slice %arg7[%dma_start3A_361, %dma_start3A_369, %dma_start3A_370] : memref<2x2x128xi32, #tpu.memory_space<vmem>> -> memref<1x2x128xi32, #tpu.memory_space<vmem>>
          %dma_start3A_372 = tpu.memref_squeeze %dma_start3A_371 : memref<1x2x128xi32, #tpu.memory_space<vmem>> -> memref<2x128xi32, #tpu.memory_space<vmem>>
          %dma_start3A_373 = arith.constant 0 : i32
          %dma_start3A_374 = tpu.memref_slice %arg2[%dma_start3A_360, %add3A, %add3A_359, %dma_start3A_373] : memref<2x32x80x128xi32, #tpu.memory_space<hbm>> -> memref<1x1x2x128xi32, #tpu.memory_space<hbm>>
          %dma_start3A_375 = tpu.memref_squeeze %dma_start3A_374 : memref<1x1x2x128xi32, #tpu.memory_space<hbm>> -> memref<2x128xi32, #tpu.memory_space<hbm>>
          tpu.enqueue_dma source(%dma_start3A_375 : memref<2x128xi32, #tpu.memory_space<hbm>>) target(%dma_start3A_372 : memref<2x128xi32, #tpu.memory_space<vmem>>) target_semaphore(%arg11 : memref<!tpu.dma_semaphore, #tpu.memory_space<semaphore_mem>>)
        } else {
        }
      } else {
      }
      %add3A_224 = arith.constant 2 : i32
      %add3A_225 = arith.addi %mul3A_187, %add3A_224 : i32
      %dma_wait3A_226 = arith.constant 1 : i32
      %dma_wait3A_227 = arith.constant 0 : i32
      %dma_wait3A_228 = arith.constant 0 : i32
      %dma_wait3A_229 = tpu.memref_slice %arg6[%dma_wait3A_226, %dma_wait3A_227, %dma_wait3A_228] : memref<2x2x128xi32, #tpu.memory_space<vmem>> -> memref<1x1x128xi32, #tpu.memory_space<vmem>>
      %dma_wait3A_230 = tpu.memref_squeeze %dma_wait3A_229 : memref<1x1x128xi32, #tpu.memory_space<vmem>> -> memref<128xi32, #tpu.memory_space<vmem>>
      %dma_wait3A_231 = arith.constant 0 : i32
      %dma_wait3A_232 = arith.constant 0 : i32
      %dma_wait3A_233 = tpu.memref_slice %arg3[%dma_wait3A_231, %dma_wait3A_232] : memref<10240x128xf32, #tpu.memory_space<hbm>> -> memref<10240x128xf32, #tpu.memory_space<hbm>>
      tpu.wait_indirect_dma semaphore(%arg13 : memref<!tpu.dma_semaphore, #tpu.memory_space<semaphore_mem>>) src(%dma_wait3A_233 : memref<10240x128xf32, #tpu.memory_space<hbm>>) dst(%arg8 : memref<128x128xf32, #tpu.memory_space<vmem>>)
      %dma_start3A_234 = arith.constant 1 : i32
      %dma_start3A_235 = arith.constant 0 : i32
      %dma_start3A_236 = arith.constant 0 : i32
      %dma_start3A_237 = tpu.memref_slice %arg7[%dma_start3A_234, %dma_start3A_235, %dma_start3A_236] : memref<2x2x128xi32, #tpu.memory_space<vmem>> -> memref<1x1x128xi32, #tpu.memory_space<vmem>>
      %dma_start3A_238 = tpu.memref_squeeze %dma_start3A_237 : memref<1x1x128xi32, #tpu.memory_space<vmem>> -> memref<128xi32, #tpu.memory_space<vmem>>
      %dma_start3A_239 = arith.constant 0 : i32
      %dma_start3A_240 = arith.constant 0 : i32
      %dma_start3A_241 = tpu.memref_slice %arg10[%dma_start3A_239, %dma_start3A_240] : memref<10240x128xf32, #tpu.memory_space<vmem_shared>> -> memref<10240x128xf32, #tpu.memory_space<vmem_shared>>
      tpu.enqueue_indirect_dma source(%arg8 : memref<128x128xf32, #tpu.memory_space<vmem>>) target(%dma_start3A_241 : memref<10240x128xf32, #tpu.memory_space<vmem_shared>>) offsets(%dma_start3A_238 : memref<128xi32, #tpu.memory_space<vmem>>) semaphore(%arg15 : memref<!tpu.dma_semaphore, #tpu.memory_space<semaphore_mem>>) {add = true}
      %dma_wait3A_242 = arith.constant 1 : i32
      %dma_wait3A_243 = arith.constant 1 : i32
      %dma_wait3A_244 = arith.constant 0 : i32
      %dma_wait3A_245 = tpu.memref_slice %arg6[%dma_wait3A_242, %dma_wait3A_243, %dma_wait3A_244] : memref<2x2x128xi32, #tpu.memory_space<vmem>> -> memref<1x1x128xi32, #tpu.memory_space<vmem>>
      %dma_wait3A_246 = tpu.memref_squeeze %dma_wait3A_245 : memref<1x1x128xi32, #tpu.memory_space<vmem>> -> memref<128xi32, #tpu.memory_space<vmem>>
      %dma_wait3A_247 = arith.constant 0 : i32
      %dma_wait3A_248 = arith.constant 0 : i32
      %dma_wait3A_249 = tpu.memref_slice %arg3[%dma_wait3A_247, %dma_wait3A_248] : memref<10240x128xf32, #tpu.memory_space<hbm>> -> memref<10240x128xf32, #tpu.memory_space<hbm>>
      tpu.wait_indirect_dma semaphore(%arg14 : memref<!tpu.dma_semaphore, #tpu.memory_space<semaphore_mem>>) src(%dma_wait3A_249 : memref<10240x128xf32, #tpu.memory_space<hbm>>) dst(%arg9 : memref<128x128xf32, #tpu.memory_space<vmem>>)
      %dma_start3A_250 = arith.constant 1 : i32
      %dma_start3A_251 = arith.constant 1 : i32
      %dma_start3A_252 = arith.constant 0 : i32
      %dma_start3A_253 = tpu.memref_slice %arg7[%dma_start3A_250, %dma_start3A_251, %dma_start3A_252] : memref<2x2x128xi32, #tpu.memory_space<vmem>> -> memref<1x1x128xi32, #tpu.memory_space<vmem>>
      %dma_start3A_254 = tpu.memref_squeeze %dma_start3A_253 : memref<1x1x128xi32, #tpu.memory_space<vmem>> -> memref<128xi32, #tpu.memory_space<vmem>>
      %dma_start3A_255 = arith.constant 0 : i32
      %dma_start3A_256 = arith.constant 0 : i32
      %dma_start3A_257 = tpu.memref_slice %arg10[%dma_start3A_255, %dma_start3A_256] : memref<10240x128xf32, #tpu.memory_space<vmem_shared>> -> memref<10240x128xf32, #tpu.memory_space<vmem_shared>>
      tpu.enqueue_indirect_dma source(%arg9 : memref<128x128xf32, #tpu.memory_space<vmem>>) target(%dma_start3A_257 : memref<10240x128xf32, #tpu.memory_space<vmem_shared>>) offsets(%dma_start3A_254 : memref<128xi32, #tpu.memory_space<vmem>>) semaphore(%arg16 : memref<!tpu.dma_semaphore, #tpu.memory_space<semaphore_mem>>) {add = true}
      %add3A_258 = arith.constant 2 : i32
      %add3A_259 = arith.addi %add3A_225, %add3A_258 : i32
      %lt3A_260 = arith.constant 80 : i32
      %lt3A_261 = arith.cmpi slt, %add3A_259, %lt3A_260 : i32
      %convert_element_type3A_262 = arith.extui %lt3A_261 : i1 to i32
      %cond3A_263 = arith.constant 0 : i32
      %cond3A_264 = arith.cmpi ne, %convert_element_type3A_262, %cond3A_263 : i32
      scf.if %cond3A_264 {
        %dma_wait3A_265 = arith.constant 0 : i32
        %dma_wait3A_266 = arith.constant 0 : i32
        %dma_wait3A_267 = arith.constant 0 : i32
        %dma_wait3A_268 = arith.constant 0 : i32
        %dma_wait3A_269 = tpu.memref_slice %arg6[%dma_wait3A_266, %dma_wait3A_267, %dma_wait3A_268] : memref<2x2x128xi32, #tpu.memory_space<vmem>> -> memref<1x2x128xi32, #tpu.memory_space<vmem>>
        %dma_wait3A_270 = tpu.memref_squeeze %dma_wait3A_269 : memref<1x2x128xi32, #tpu.memory_space<vmem>> -> memref<2x128xi32, #tpu.memory_space<vmem>>
        %dma_wait3A_271 = arith.constant 0 : i32
        %dma_wait3A_272 = arith.constant 0 : i32
        %dma_wait3A_273 = tpu.memref_slice %arg2[%dma_wait3A_265, %add3A, %dma_wait3A_271, %dma_wait3A_272] : memref<2x32x80x128xi32, #tpu.memory_space<hbm>> -> memref<1x1x2x128xi32, #tpu.memory_space<hbm>>
        %dma_wait3A_274 = tpu.memref_squeeze %dma_wait3A_273 : memref<1x1x2x128xi32, #tpu.memory_space<hbm>> -> memref<2x128xi32, #tpu.memory_space<hbm>>
        %dma_wait3A_275 = arith.constant 0 : i32
        %dma_wait3A_276 = arith.constant 0 : i32
        %dma_wait3A_277 = tpu.memref_slice %arg6[%dma_wait3A_266, %dma_wait3A_275, %dma_wait3A_276] : memref<2x2x128xi32, #tpu.memory_space<vmem>> -> memref<1x2x128xi32, #tpu.memory_space<vmem>>
        %dma_wait3A_278 = tpu.memref_squeeze %dma_wait3A_277 : memref<1x2x128xi32, #tpu.memory_space<vmem>> -> memref<2x128xi32, #tpu.memory_space<vmem>>
        %dma_wait3A_279 = arith.constant 0 : i32
        %dma_wait3A_280 = arith.constant 0 : i32
        %dma_wait3A_281 = tpu.memref_slice %arg2[%dma_wait3A_265, %add3A, %dma_wait3A_279, %dma_wait3A_280] : memref<2x32x80x128xi32, #tpu.memory_space<hbm>> -> memref<1x1x2x128xi32, #tpu.memory_space<hbm>>
        %dma_wait3A_282 = tpu.memref_squeeze %dma_wait3A_281 : memref<1x1x2x128xi32, #tpu.memory_space<hbm>> -> memref<2x128xi32, #tpu.memory_space<hbm>>
        tpu.wait_dma2 semaphore(%arg11 : memref<!tpu.dma_semaphore, #tpu.memory_space<semaphore_mem>>) src(%dma_wait3A_282 : memref<2x128xi32, #tpu.memory_space<hbm>>) dst(%dma_wait3A_278 : memref<2x128xi32, #tpu.memory_space<vmem>>)
        %dma_wait3A_283 = arith.constant 1 : i32
        %dma_wait3A_284 = arith.constant 0 : i32
        %dma_wait3A_285 = arith.constant 0 : i32
        %dma_wait3A_286 = arith.constant 0 : i32
        %dma_wait3A_287 = tpu.memref_slice %arg7[%dma_wait3A_284, %dma_wait3A_285, %dma_wait3A_286] : memref<2x2x128xi32, #tpu.memory_space<vmem>> -> memref<1x2x128xi32, #tpu.memory_space<vmem>>
        %dma_wait3A_288 = tpu.memref_squeeze %dma_wait3A_287 : memref<1x2x128xi32, #tpu.memory_space<vmem>> -> memref<2x128xi32, #tpu.memory_space<vmem>>
        %dma_wait3A_289 = arith.constant 0 : i32
        %dma_wait3A_290 = arith.constant 0 : i32
        %dma_wait3A_291 = tpu.memref_slice %arg2[%dma_wait3A_283, %add3A, %dma_wait3A_289, %dma_wait3A_290] : memref<2x32x80x128xi32, #tpu.memory_space<hbm>> -> memref<1x1x2x128xi32, #tpu.memory_space<hbm>>
        %dma_wait3A_292 = tpu.memref_squeeze %dma_wait3A_291 : memref<1x1x2x128xi32, #tpu.memory_space<hbm>> -> memref<2x128xi32, #tpu.memory_space<hbm>>
        %dma_wait3A_293 = arith.constant 0 : i32
        %dma_wait3A_294 = arith.constant 0 : i32
        %dma_wait3A_295 = tpu.memref_slice %arg7[%dma_wait3A_284, %dma_wait3A_293, %dma_wait3A_294] : memref<2x2x128xi32, #tpu.memory_space<vmem>> -> memref<1x2x128xi32, #tpu.memory_space<vmem>>
        %dma_wait3A_296 = tpu.memref_squeeze %dma_wait3A_295 : memref<1x2x128xi32, #tpu.memory_space<vmem>> -> memref<2x128xi32, #tpu.memory_space<vmem>>
        %dma_wait3A_297 = arith.constant 0 : i32
        %dma_wait3A_298 = arith.constant 0 : i32
        %dma_wait3A_299 = tpu.memref_slice %arg2[%dma_wait3A_283, %add3A, %dma_wait3A_297, %dma_wait3A_298] : memref<2x32x80x128xi32, #tpu.memory_space<hbm>> -> memref<1x1x2x128xi32, #tpu.memory_space<hbm>>
        %dma_wait3A_300 = tpu.memref_squeeze %dma_wait3A_299 : memref<1x1x2x128xi32, #tpu.memory_space<hbm>> -> memref<2x128xi32, #tpu.memory_space<hbm>>
        tpu.wait_dma2 semaphore(%arg11 : memref<!tpu.dma_semaphore, #tpu.memory_space<semaphore_mem>>) src(%dma_wait3A_300 : memref<2x128xi32, #tpu.memory_space<hbm>>) dst(%dma_wait3A_296 : memref<2x128xi32, #tpu.memory_space<vmem>>)
        %dma_wait3A_301 = arith.constant 1 : i32
        %dma_wait3A_302 = arith.constant 0 : i32
        %dma_wait3A_303 = arith.constant 0 : i32
        %dma_wait3A_304 = tpu.memref_slice %arg7[%dma_wait3A_301, %dma_wait3A_302, %dma_wait3A_303] : memref<2x2x128xi32, #tpu.memory_space<vmem>> -> memref<1x1x128xi32, #tpu.memory_space<vmem>>
        %dma_wait3A_305 = tpu.memref_squeeze %dma_wait3A_304 : memref<1x1x128xi32, #tpu.memory_space<vmem>> -> memref<128xi32, #tpu.memory_space<vmem>>
        %dma_wait3A_306 = arith.constant 0 : i32
        %dma_wait3A_307 = arith.constant 0 : i32
        %dma_wait3A_308 = tpu.memref_slice %arg10[%dma_wait3A_306, %dma_wait3A_307] : memref<10240x128xf32, #tpu.memory_space<vmem_shared>> -> memref<10240x128xf32, #tpu.memory_space<vmem_shared>>
        tpu.wait_indirect_dma semaphore(%arg15 : memref<!tpu.dma_semaphore, #tpu.memory_space<semaphore_mem>>) src(%arg8 : memref<128x128xf32, #tpu.memory_space<vmem>>) dst(%dma_wait3A_308 : memref<10240x128xf32, #tpu.memory_space<vmem_shared>>)
        %dma_start3A_309 = arith.constant 0 : i32
        %dma_start3A_310 = arith.constant 0 : i32
        %dma_start3A_311 = arith.constant 0 : i32
        %dma_start3A_312 = tpu.memref_slice %arg6[%dma_start3A_309, %dma_start3A_310, %dma_start3A_311] : memref<2x2x128xi32, #tpu.memory_space<vmem>> -> memref<1x1x128xi32, #tpu.memory_space<vmem>>
        %dma_start3A_313 = tpu.memref_squeeze %dma_start3A_312 : memref<1x1x128xi32, #tpu.memory_space<vmem>> -> memref<128xi32, #tpu.memory_space<vmem>>
        %dma_start3A_314 = arith.constant 0 : i32
        %dma_start3A_315 = arith.constant 0 : i32
        %dma_start3A_316 = tpu.memref_slice %arg3[%dma_start3A_314, %dma_start3A_315] : memref<10240x128xf32, #tpu.memory_space<hbm>> -> memref<10240x128xf32, #tpu.memory_space<hbm>>
        tpu.enqueue_indirect_dma source(%dma_start3A_316 : memref<10240x128xf32, #tpu.memory_space<hbm>>) target(%arg8 : memref<128x128xf32, #tpu.memory_space<vmem>>) offsets(%dma_start3A_313 : memref<128xi32, #tpu.memory_space<vmem>>) semaphore(%arg13 : memref<!tpu.dma_semaphore, #tpu.memory_space<semaphore_mem>>)
        %dma_wait3A_317 = arith.constant 1 : i32
        %dma_wait3A_318 = arith.constant 1 : i32
        %dma_wait3A_319 = arith.constant 0 : i32
        %dma_wait3A_320 = tpu.memref_slice %arg7[%dma_wait3A_317, %dma_wait3A_318, %dma_wait3A_319] : memref<2x2x128xi32, #tpu.memory_space<vmem>> -> memref<1x1x128xi32, #tpu.memory_space<vmem>>
        %dma_wait3A_321 = tpu.memref_squeeze %dma_wait3A_320 : memref<1x1x128xi32, #tpu.memory_space<vmem>> -> memref<128xi32, #tpu.memory_space<vmem>>
        %dma_wait3A_322 = arith.constant 0 : i32
        %dma_wait3A_323 = arith.constant 0 : i32
        %dma_wait3A_324 = tpu.memref_slice %arg10[%dma_wait3A_322, %dma_wait3A_323] : memref<10240x128xf32, #tpu.memory_space<vmem_shared>> -> memref<10240x128xf32, #tpu.memory_space<vmem_shared>>
        tpu.wait_indirect_dma semaphore(%arg16 : memref<!tpu.dma_semaphore, #tpu.memory_space<semaphore_mem>>) src(%arg9 : memref<128x128xf32, #tpu.memory_space<vmem>>) dst(%dma_wait3A_324 : memref<10240x128xf32, #tpu.memory_space<vmem_shared>>)
        %dma_start3A_325 = arith.constant 0 : i32
        %dma_start3A_326 = arith.constant 1 : i32
        %dma_start3A_327 = arith.constant 0 : i32
        %dma_start3A_328 = tpu.memref_slice %arg6[%dma_start3A_325, %dma_start3A_326, %dma_start3A_327] : memref<2x2x128xi32, #tpu.memory_space<vmem>> -> memref<1x1x128xi32, #tpu.memory_space<vmem>>
        %dma_start3A_329 = tpu.memref_squeeze %dma_start3A_328 : memref<1x1x128xi32, #tpu.memory_space<vmem>> -> memref<128xi32, #tpu.memory_space<vmem>>
        %dma_start3A_330 = arith.constant 0 : i32
        %dma_start3A_331 = arith.constant 0 : i32
        %dma_start3A_332 = tpu.memref_slice %arg3[%dma_start3A_330, %dma_start3A_331] : memref<10240x128xf32, #tpu.memory_space<hbm>> -> memref<10240x128xf32, #tpu.memory_space<hbm>>
        tpu.enqueue_indirect_dma source(%dma_start3A_332 : memref<10240x128xf32, #tpu.memory_space<hbm>>) target(%arg9 : memref<128x128xf32, #tpu.memory_space<vmem>>) offsets(%dma_start3A_329 : memref<128xi32, #tpu.memory_space<vmem>>) semaphore(%arg14 : memref<!tpu.dma_semaphore, #tpu.memory_space<semaphore_mem>>)
        %add3A_333 = arith.constant 4 : i32
        %add3A_334 = arith.addi %add3A_225, %add3A_333 : i32
        %lt3A_335 = arith.constant 80 : i32
        %lt3A_336 = arith.cmpi slt, %add3A_334, %lt3A_335 : i32
        %convert_element_type3A_337 = arith.extui %lt3A_336 : i1 to i32
        %cond3A_338 = arith.constant 0 : i32
        %cond3A_339 = arith.cmpi ne, %convert_element_type3A_337, %cond3A_338 : i32
        scf.if %cond3A_339 {
          %add3A_340 = arith.constant 4 : i32
          %add3A_341 = arith.addi %add3A_225, %add3A_340 : i32
          %dma_start3A_342 = arith.constant 0 : i32
          %dma_start3A_343 = arith.constant 1 : i32
          %dma_start3A_344 = arith.constant 0 : i32
          %dma_start3A_345 = arith.constant 0 : i32
          %dma_start3A_346 = tpu.memref_slice %arg6[%dma_start3A_343, %dma_start3A_344, %dma_start3A_345] : memref<2x2x128xi32, #tpu.memory_space<vmem>> -> memref<1x2x128xi32, #tpu.memory_space<vmem>>
          %dma_start3A_347 = tpu.memref_squeeze %dma_start3A_346 : memref<1x2x128xi32, #tpu.memory_space<vmem>> -> memref<2x128xi32, #tpu.memory_space<vmem>>
          %dma_start3A_348 = arith.constant 0 : i32
          %dma_start3A_349 = tpu.memref_slice %arg2[%dma_start3A_342, %add3A, %add3A_341, %dma_start3A_348] : memref<2x32x80x128xi32, #tpu.memory_space<hbm>> -> memref<1x1x2x128xi32, #tpu.memory_space<hbm>>
          %dma_start3A_350 = tpu.memref_squeeze %dma_start3A_349 : memref<1x1x2x128xi32, #tpu.memory_space<hbm>> -> memref<2x128xi32, #tpu.memory_space<hbm>>
          %dma_start3A_351 = arith.constant 0 : i32
          %dma_start3A_352 = arith.constant 0 : i32
          %dma_start3A_353 = tpu.memref_slice %arg6[%dma_start3A_343, %dma_start3A_351, %dma_start3A_352] : memref<2x2x128xi32, #tpu.memory_space<vmem>> -> memref<1x2x128xi32, #tpu.memory_space<vmem>>
          %dma_start3A_354 = tpu.memref_squeeze %dma_start3A_353 : memref<1x2x128xi32, #tpu.memory_space<vmem>> -> memref<2x128xi32, #tpu.memory_space<vmem>>
          %dma_start3A_355 = arith.constant 0 : i32
          %dma_start3A_356 = tpu.memref_slice %arg2[%dma_start3A_342, %add3A, %add3A_341, %dma_start3A_355] : memref<2x32x80x128xi32, #tpu.memory_space<hbm>> -> memref<1x1x2x128xi32, #tpu.memory_space<hbm>>
          %dma_start3A_357 = tpu.memref_squeeze %dma_start3A_356 : memref<1x1x2x128xi32, #tpu.memory_space<hbm>> -> memref<2x128xi32, #tpu.memory_space<hbm>>
          tpu.enqueue_dma source(%dma_start3A_357 : memref<2x128xi32, #tpu.memory_space<hbm>>) target(%dma_start3A_354 : memref<2x128xi32, #tpu.memory_space<vmem>>) target_semaphore(%arg12 : memref<!tpu.dma_semaphore, #tpu.memory_space<semaphore_mem>>)
          %add3A_358 = arith.constant 4 : i32
          %add3A_359 = arith.addi %add3A_225, %add3A_358 : i32
          %dma_start3A_360 = arith.constant 1 : i32
          %dma_start3A_361 = arith.constant 1 : i32
          %dma_start3A_362 = arith.constant 0 : i32
          %dma_start3A_363 = arith.constant 0 : i32
          %dma_start3A_364 = tpu.memref_slice %arg7[%dma_start3A_361, %dma_start3A_362, %dma_start3A_363] : memref<2x2x128xi32, #tpu.memory_space<vmem>> -> memref<1x2x128xi32, #tpu.memory_space<vmem>>
          %dma_start3A_365 = tpu.memref_squeeze %dma_start3A_364 : memref<1x2x128xi32, #tpu.memory_space<vmem>> -> memref<2x128xi32, #tpu.memory_space<vmem>>
          %dma_start3A_366 = arith.constant 0 : i32
          %dma_start3A_367 = tpu.memref_slice %arg2[%dma_start3A_360, %add3A, %add3A_359, %dma_start3A_366] : memref<2x32x80x128xi32, #tpu.memory_space<hbm>> -> memref<1x1x2x128xi32, #tpu.memory_space<hbm>>
          %dma_start3A_368 = tpu.memref_squeeze %dma_start3A_367 : memref<1x1x2x128xi32, #tpu.memory_space<hbm>> -> memref<2x128xi32, #tpu.memory_space<hbm>>
          %dma_start3A_369 = arith.constant 0 : i32
          %dma_start3A_370 = arith.constant 0 : i32
          %dma_start3A_371 = tpu.memref_slice %arg7[%dma_start3A_361, %dma_start3A_369, %dma_start3A_370] : memref<2x2x128xi32, #tpu.memory_space<vmem>> -> memref<1x2x128xi32, #tpu.memory_space<vmem>>
          %dma_start3A_372 = tpu.memref_squeeze %dma_start3A_371 : memref<1x2x128xi32, #tpu.memory_space<vmem>> -> memref<2x128xi32, #tpu.memory_space<vmem>>
          %dma_start3A_373 = arith.constant 0 : i32
          %dma_start3A_374 = tpu.memref_slice %arg2[%dma_start3A_360, %add3A, %add3A_359, %dma_start3A_373] : memref<2x32x80x128xi32, #tpu.memory_space<hbm>> -> memref<1x1x2x128xi32, #tpu.memory_space<hbm>>
          %dma_start3A_375 = tpu.memref_squeeze %dma_start3A_374 : memref<1x1x2x128xi32, #tpu.memory_space<hbm>> -> memref<2x128xi32, #tpu.memory_space<hbm>>
          tpu.enqueue_dma source(%dma_start3A_375 : memref<2x128xi32, #tpu.memory_space<hbm>>) target(%dma_start3A_372 : memref<2x128xi32, #tpu.memory_space<vmem>>) target_semaphore(%arg12 : memref<!tpu.dma_semaphore, #tpu.memory_space<semaphore_mem>>)
        } else {
        }
      } else {
      }
    }
    %scan3A_147 = arith.constant 20 : i32
    %dma_wait3A_148 = arith.constant 1 : i32
    %dma_wait3A_149 = arith.constant 0 : i32
    %dma_wait3A_150 = arith.constant 0 : i32
    %dma_wait3A_151 = tpu.memref_slice %arg7[%dma_wait3A_148, %dma_wait3A_149, %dma_wait3A_150] : memref<2x2x128xi32, #tpu.memory_space<vmem>> -> memref<1x1x128xi32, #tpu.memory_space<vmem>>
    %dma_wait3A_152 = tpu.memref_squeeze %dma_wait3A_151 : memref<1x1x128xi32, #tpu.memory_space<vmem>> -> memref<128xi32, #tpu.memory_space<vmem>>
    %dma_wait3A_153 = arith.constant 0 : i32
    %dma_wait3A_154 = arith.constant 0 : i32
    %dma_wait3A_155 = tpu.memref_slice %arg10[%dma_wait3A_153, %dma_wait3A_154] : memref<10240x128xf32, #tpu.memory_space<vmem_shared>> -> memref<10240x128xf32, #tpu.memory_space<vmem_shared>>
    tpu.wait_indirect_dma semaphore(%arg15 : memref<!tpu.dma_semaphore, #tpu.memory_space<semaphore_mem>>) src(%arg8 : memref<128x128xf32, #tpu.memory_space<vmem>>) dst(%dma_wait3A_155 : memref<10240x128xf32, #tpu.memory_space<vmem_shared>>)
    %dma_wait3A_156 = arith.constant 1 : i32
    %dma_wait3A_157 = arith.constant 1 : i32
    %dma_wait3A_158 = arith.constant 0 : i32
    %dma_wait3A_159 = tpu.memref_slice %arg7[%dma_wait3A_156, %dma_wait3A_157, %dma_wait3A_158] : memref<2x2x128xi32, #tpu.memory_space<vmem>> -> memref<1x1x128xi32, #tpu.memory_space<vmem>>
    %dma_wait3A_160 = tpu.memref_squeeze %dma_wait3A_159 : memref<1x1x128xi32, #tpu.memory_space<vmem>> -> memref<128xi32, #tpu.memory_space<vmem>>
    %dma_wait3A_161 = arith.constant 0 : i32
    %dma_wait3A_162 = arith.constant 0 : i32
    %dma_wait3A_163 = tpu.memref_slice %arg10[%dma_wait3A_161, %dma_wait3A_162] : memref<10240x128xf32, #tpu.memory_space<vmem_shared>> -> memref<10240x128xf32, #tpu.memory_space<vmem_shared>>
    tpu.wait_indirect_dma semaphore(%arg16 : memref<!tpu.dma_semaphore, #tpu.memory_space<semaphore_mem>>) src(%arg9 : memref<128x128xf32, #tpu.memory_space<vmem>>) dst(%dma_wait3A_163 : memref<10240x128xf32, #tpu.memory_space<vmem_shared>>)
    %barrier3A_164 = arith.constant 0 : index
    tpu.barrier barrier_id(%barrier3A_164)
    %mul3A_165 = arith.constant 640 : i32
    %mul3A_166 = arith.muli %arg1, %mul3A_165 : i32
    %add3A_167 = arith.constant 0 : i32
    %add3A_168 = arith.addi %mul3A_166, %add3A_167 : i32
    "tpu.region"() ({
      %run_scoped3A = tpu.sem_alloc : memref<!tpu.dma_semaphore, #tpu.memory_space<semaphore_mem>>
      %dma_start3A_185 = arith.constant 0 : i32
      %dma_start3A_186 = tpu.memref_slice %arg5[%arg0, %add3A_168, %dma_start3A_185] : memref<2x10240x128xf32, #tpu.memory_space<hbm>> -> memref<1x128x128xf32, #tpu.memory_space<hbm>>
      %dma_start3A_187 = tpu.memref_squeeze %dma_start3A_186 : memref<1x128x128xf32, #tpu.memory_space<hbm>> -> memref<128x128xf32, #tpu.memory_space<hbm>>
      %dma_start3A_188 = arith.constant 0 : i32
      %dma_start3A_189 = tpu.memref_slice %arg10[%add3A_168, %dma_start3A_188] : memref<10240x128xf32, #tpu.memory_space<vmem_shared>> -> memref<128x128xf32, #tpu.memory_space<vmem_shared>>
      tpu.enqueue_dma source(%dma_start3A_189 : memref<128x128xf32, #tpu.memory_space<vmem_shared>>) target(%dma_start3A_187 : memref<128x128xf32, #tpu.memory_space<hbm>>) target_semaphore(%run_scoped3A : memref<!tpu.dma_semaphore, #tpu.memory_space<semaphore_mem>>)
      %dma_wait3A_190 = arith.constant 0 : i32
      %dma_wait3A_191 = tpu.memref_slice %arg5[%arg0, %add3A_168, %dma_wait3A_190] : memref<2x10240x128xf32, #tpu.memory_space<hbm>> -> memref<1x128x128xf32, #tpu.memory_space<hbm>>
      %dma_wait3A_192 = tpu.memref_squeeze %dma_wait3A_191 : memref<1x128x128xf32, #tpu.memory_space<hbm>> -> memref<128x128xf32, #tpu.memory_space<hbm>>
      %dma_wait3A_193 = arith.constant 0 : i32
      %dma_wait3A_194 = tpu.memref_slice %arg10[%add3A_168, %dma_wait3A_193] : memref<10240x128xf32, #tpu.memory_space<vmem_shared>> -> memref<128x128xf32, #tpu.memory_space<vmem_shared>>
      tpu.wait_dma2 semaphore(%run_scoped3A : memref<!tpu.dma_semaphore, #tpu.memory_space<semaphore_mem>>) src(%dma_wait3A_194 : memref<128x128xf32, #tpu.memory_space<vmem_shared>>) dst(%dma_wait3A_192 : memref<128x128xf32, #tpu.memory_space<hbm>>)
      tpu.yield
    }) : () -> ()
    %mul3A_169 = arith.constant 640 : i32
    %mul3A_170 = arith.muli %arg1, %mul3A_169 : i32
    %add3A_171 = arith.constant 128 : i32
    %add3A_172 = arith.addi %mul3A_170, %add3A_171 : i32
    "tpu.region"() ({
      %run_scoped3A = tpu.sem_alloc : memref<!tpu.dma_semaphore, #tpu.memory_space<semaphore_mem>>
      %dma_start3A_185 = arith.constant 0 : i32
      %dma_start3A_186 = tpu.memref_slice %arg5[%arg0, %add3A_172, %dma_start3A_185] : memref<2x10240x128xf32, #tpu.memory_space<hbm>> -> memref<1x128x128xf32, #tpu.memory_space<hbm>>
      %dma_start3A_187 = tpu.memref_squeeze %dma_start3A_186 : memref<1x128x128xf32, #tpu.memory_space<hbm>> -> memref<128x128xf32, #tpu.memory_space<hbm>>
      %dma_start3A_188 = arith.constant 0 : i32
      %dma_start3A_189 = tpu.memref_slice %arg10[%add3A_172, %dma_start3A_188] : memref<10240x128xf32, #tpu.memory_space<vmem_shared>> -> memref<128x128xf32, #tpu.memory_space<vmem_shared>>
      tpu.enqueue_dma source(%dma_start3A_189 : memref<128x128xf32, #tpu.memory_space<vmem_shared>>) target(%dma_start3A_187 : memref<128x128xf32, #tpu.memory_space<hbm>>) target_semaphore(%run_scoped3A : memref<!tpu.dma_semaphore, #tpu.memory_space<semaphore_mem>>)
      %dma_wait3A_190 = arith.constant 0 : i32
      %dma_wait3A_191 = tpu.memref_slice %arg5[%arg0, %add3A_172, %dma_wait3A_190] : memref<2x10240x128xf32, #tpu.memory_space<hbm>> -> memref<1x128x128xf32, #tpu.memory_space<hbm>>
      %dma_wait3A_192 = tpu.memref_squeeze %dma_wait3A_191 : memref<1x128x128xf32, #tpu.memory_space<hbm>> -> memref<128x128xf32, #tpu.memory_space<hbm>>
      %dma_wait3A_193 = arith.constant 0 : i32
      %dma_wait3A_194 = tpu.memref_slice %arg10[%add3A_172, %dma_wait3A_193] : memref<10240x128xf32, #tpu.memory_space<vmem_shared>> -> memref<128x128xf32, #tpu.memory_space<vmem_shared>>
      tpu.wait_dma2 semaphore(%run_scoped3A : memref<!tpu.dma_semaphore, #tpu.memory_space<semaphore_mem>>) src(%dma_wait3A_194 : memref<128x128xf32, #tpu.memory_space<vmem_shared>>) dst(%dma_wait3A_192 : memref<128x128xf32, #tpu.memory_space<hbm>>)
      tpu.yield
    }) : () -> ()
    %mul3A_173 = arith.constant 640 : i32
    %mul3A_174 = arith.muli %arg1, %mul3A_173 : i32
    %add3A_175 = arith.constant 256 : i32
    %add3A_176 = arith.addi %mul3A_174, %add3A_175 : i32
    "tpu.region"() ({
      %run_scoped3A = tpu.sem_alloc : memref<!tpu.dma_semaphore, #tpu.memory_space<semaphore_mem>>
      %dma_start3A_185 = arith.constant 0 : i32
      %dma_start3A_186 = tpu.memref_slice %arg5[%arg0, %add3A_176, %dma_start3A_185] : memref<2x10240x128xf32, #tpu.memory_space<hbm>> -> memref<1x128x128xf32, #tpu.memory_space<hbm>>
      %dma_start3A_187 = tpu.memref_squeeze %dma_start3A_186 : memref<1x128x128xf32, #tpu.memory_space<hbm>> -> memref<128x128xf32, #tpu.memory_space<hbm>>
      %dma_start3A_188 = arith.constant 0 : i32
      %dma_start3A_189 = tpu.memref_slice %arg10[%add3A_176, %dma_start3A_188] : memref<10240x128xf32, #tpu.memory_space<vmem_shared>> -> memref<128x128xf32, #tpu.memory_space<vmem_shared>>
      tpu.enqueue_dma source(%dma_start3A_189 : memref<128x128xf32, #tpu.memory_space<vmem_shared>>) target(%dma_start3A_187 : memref<128x128xf32, #tpu.memory_space<hbm>>) target_semaphore(%run_scoped3A : memref<!tpu.dma_semaphore, #tpu.memory_space<semaphore_mem>>)
      %dma_wait3A_190 = arith.constant 0 : i32
      %dma_wait3A_191 = tpu.memref_slice %arg5[%arg0, %add3A_176, %dma_wait3A_190] : memref<2x10240x128xf32, #tpu.memory_space<hbm>> -> memref<1x128x128xf32, #tpu.memory_space<hbm>>
      %dma_wait3A_192 = tpu.memref_squeeze %dma_wait3A_191 : memref<1x128x128xf32, #tpu.memory_space<hbm>> -> memref<128x128xf32, #tpu.memory_space<hbm>>
      %dma_wait3A_193 = arith.constant 0 : i32
      %dma_wait3A_194 = tpu.memref_slice %arg10[%add3A_176, %dma_wait3A_193] : memref<10240x128xf32, #tpu.memory_space<vmem_shared>> -> memref<128x128xf32, #tpu.memory_space<vmem_shared>>
      tpu.wait_dma2 semaphore(%run_scoped3A : memref<!tpu.dma_semaphore, #tpu.memory_space<semaphore_mem>>) src(%dma_wait3A_194 : memref<128x128xf32, #tpu.memory_space<vmem_shared>>) dst(%dma_wait3A_192 : memref<128x128xf32, #tpu.memory_space<hbm>>)
      tpu.yield
    }) : () -> ()
    %mul3A_177 = arith.constant 640 : i32
    %mul3A_178 = arith.muli %arg1, %mul3A_177 : i32
    %add3A_179 = arith.constant 384 : i32
    %add3A_180 = arith.addi %mul3A_178, %add3A_179 : i32
    "tpu.region"() ({
      %run_scoped3A = tpu.sem_alloc : memref<!tpu.dma_semaphore, #tpu.memory_space<semaphore_mem>>
      %dma_start3A_185 = arith.constant 0 : i32
      %dma_start3A_186 = tpu.memref_slice %arg5[%arg0, %add3A_180, %dma_start3A_185] : memref<2x10240x128xf32, #tpu.memory_space<hbm>> -> memref<1x128x128xf32, #tpu.memory_space<hbm>>
      %dma_start3A_187 = tpu.memref_squeeze %dma_start3A_186 : memref<1x128x128xf32, #tpu.memory_space<hbm>> -> memref<128x128xf32, #tpu.memory_space<hbm>>
      %dma_start3A_188 = arith.constant 0 : i32
      %dma_start3A_189 = tpu.memref_slice %arg10[%add3A_180, %dma_start3A_188] : memref<10240x128xf32, #tpu.memory_space<vmem_shared>> -> memref<128x128xf32, #tpu.memory_space<vmem_shared>>
      tpu.enqueue_dma source(%dma_start3A_189 : memref<128x128xf32, #tpu.memory_space<vmem_shared>>) target(%dma_start3A_187 : memref<128x128xf32, #tpu.memory_space<hbm>>) target_semaphore(%run_scoped3A : memref<!tpu.dma_semaphore, #tpu.memory_space<semaphore_mem>>)
      %dma_wait3A_190 = arith.constant 0 : i32
      %dma_wait3A_191 = tpu.memref_slice %arg5[%arg0, %add3A_180, %dma_wait3A_190] : memref<2x10240x128xf32, #tpu.memory_space<hbm>> -> memref<1x128x128xf32, #tpu.memory_space<hbm>>
      %dma_wait3A_192 = tpu.memref_squeeze %dma_wait3A_191 : memref<1x128x128xf32, #tpu.memory_space<hbm>> -> memref<128x128xf32, #tpu.memory_space<hbm>>
      %dma_wait3A_193 = arith.constant 0 : i32
      %dma_wait3A_194 = tpu.memref_slice %arg10[%add3A_180, %dma_wait3A_193] : memref<10240x128xf32, #tpu.memory_space<vmem_shared>> -> memref<128x128xf32, #tpu.memory_space<vmem_shared>>
      tpu.wait_dma2 semaphore(%run_scoped3A : memref<!tpu.dma_semaphore, #tpu.memory_space<semaphore_mem>>) src(%dma_wait3A_194 : memref<128x128xf32, #tpu.memory_space<vmem_shared>>) dst(%dma_wait3A_192 : memref<128x128xf32, #tpu.memory_space<hbm>>)
      tpu.yield
    }) : () -> ()
    %mul3A_181 = arith.constant 640 : i32
    %mul3A_182 = arith.muli %arg1, %mul3A_181 : i32
    %add3A_183 = arith.constant 512 : i32
    %add3A_184 = arith.addi %mul3A_182, %add3A_183 : i32
    "tpu.region"() ({
      %run_scoped3A = tpu.sem_alloc : memref<!tpu.dma_semaphore, #tpu.memory_space<semaphore_mem>>
      %dma_start3A_185 = arith.constant 0 : i32
      %dma_start3A_186 = tpu.memref_slice %arg5[%arg0, %add3A_184, %dma_start3A_185] : memref<2x10240x128xf32, #tpu.memory_space<hbm>> -> memref<1x128x128xf32, #tpu.memory_space<hbm>>
      %dma_start3A_187 = tpu.memref_squeeze %dma_start3A_186 : memref<1x128x128xf32, #tpu.memory_space<hbm>> -> memref<128x128xf32, #tpu.memory_space<hbm>>
      %dma_start3A_188 = arith.constant 0 : i32
      %dma_start3A_189 = tpu.memref_slice %arg10[%add3A_184, %dma_start3A_188] : memref<10240x128xf32, #tpu.memory_space<vmem_shared>> -> memref<128x128xf32, #tpu.memory_space<vmem_shared>>
      tpu.enqueue_dma source(%dma_start3A_189 : memref<128x128xf32, #tpu.memory_space<vmem_shared>>) target(%dma_start3A_187 : memref<128x128xf32, #tpu.memory_space<hbm>>) target_semaphore(%run_scoped3A : memref<!tpu.dma_semaphore, #tpu.memory_space<semaphore_mem>>)
      %dma_wait3A_190 = arith.constant 0 : i32
      %dma_wait3A_191 = tpu.memref_slice %arg5[%arg0, %add3A_184, %dma_wait3A_190] : memref<2x10240x128xf32, #tpu.memory_space<hbm>> -> memref<1x128x128xf32, #tpu.memory_space<hbm>>
      %dma_wait3A_192 = tpu.memref_squeeze %dma_wait3A_191 : memref<1x128x128xf32, #tpu.memory_space<hbm>> -> memref<128x128xf32, #tpu.memory_space<hbm>>
      %dma_wait3A_193 = arith.constant 0 : i32
      %dma_wait3A_194 = tpu.memref_slice %arg10[%add3A_184, %dma_wait3A_193] : memref<10240x128xf32, #tpu.memory_space<vmem_shared>> -> memref<128x128xf32, #tpu.memory_space<vmem_shared>>
      tpu.wait_dma2 semaphore(%run_scoped3A : memref<!tpu.dma_semaphore, #tpu.memory_space<semaphore_mem>>) src(%dma_wait3A_194 : memref<128x128xf32, #tpu.memory_space<vmem_shared>>) dst(%dma_wait3A_192 : memref<128x128xf32, #tpu.memory_space<hbm>>)
      tpu.yield
    }) : () -> ()
    return
  }
}

#map = affine_map<(d0, d1) -> (0, 0, 0, 0)>
#map1 = affine_map<(d0, d1) -> (0)>
#map2 = affine_map<(d0, d1) -> (0, 0)>
module attributes {stable_mosaic.version = 14 : i64} {
  func.func @_deg_body(%arg0: i32, %arg1: i32, %arg2: memref<2x32x80x128xi32, #tpu.memory_space<hbm>>, %arg3: memref<1280xf32, #tpu.memory_space<hbm>>, %arg4: memref<2x20480xf32, #tpu.memory_space<hbm>>, %arg5: memref<80x128xi32, #tpu.memory_space<vmem>>, %arg6: memref<80x128xi32, #tpu.memory_space<vmem>>, %arg7: memref<128xf32, #tpu.memory_space<vmem>>, %arg8: memref<1280xf32, #tpu.memory_space<vmem>>, %arg9: memref<20480xf32, #tpu.memory_space<vmem_shared>>, %arg10: memref<!tpu.dma_semaphore, #tpu.memory_space<semaphore_mem>>) attributes {dimension_semantics = [#tpu.dimension_semantics<core_parallel>, #tpu.dimension_semantics<subcore_parallel>], iteration_bounds = array<i64: 2, 16>, scalar_prefetch = 0 : i64, scratch_operands = 6 : i64, tpu.core_type = #tpu.core_type<sc_vector_subcore>, window_params = [{transform_indices = #map}, {transform_indices = #map1}, {transform_indices = #map2}]} {
    %mul3A = arith.constant 2 : i32
    %mul3A_0 = arith.muli %arg1, %mul3A : i32
    %add3A = arith.addi %mul3A_0, %arg0 : i32
    %broadcast_in_dim3A = arith.constant 1.000000e+00 : f32
    %broadcast_in_dim3A_1 = vector.broadcast %broadcast_in_dim3A : f32 to vector<16xf32>
    %swap3A = arith.constant 0 : index
    %swap3A_2 = tpu.vector_load %arg7[%swap3A] {strides = array<i32>} : memref<128xf32, #tpu.memory_space<vmem>>, vector<16xf32>,
    %swap3A_3 = vector.shape_cast %swap3A_2 : vector<16xf32> to vector<16xf32>
    %swap3A_4 = vector.shape_cast %broadcast_in_dim3A_1 : vector<16xf32> to vector<16xf32>
    tpu.vector_store %arg7[%swap3A], %swap3A_4 {strides = array<i32>} : memref<128xf32, #tpu.memory_space<vmem>>, vector<16xf32>,
    %broadcast_in_dim3A_5 = arith.constant 1.000000e+00 : f32
    %broadcast_in_dim3A_6 = vector.broadcast %broadcast_in_dim3A_5 : f32 to vector<16xf32>
    %swap3A_7 = arith.constant 16 : index
    %swap3A_8 = tpu.vector_load %arg7[%swap3A_7] {strides = array<i32>} : memref<128xf32, #tpu.memory_space<vmem>>, vector<16xf32>,
    %swap3A_9 = vector.shape_cast %swap3A_8 : vector<16xf32> to vector<16xf32>
    %swap3A_10 = vector.shape_cast %broadcast_in_dim3A_6 : vector<16xf32> to vector<16xf32>
    tpu.vector_store %arg7[%swap3A_7], %swap3A_10 {strides = array<i32>} : memref<128xf32, #tpu.memory_space<vmem>>, vector<16xf32>,
    %broadcast_in_dim3A_11 = arith.constant 1.000000e+00 : f32
    %broadcast_in_dim3A_12 = vector.broadcast %broadcast_in_dim3A_11 : f32 to vector<16xf32>
    %swap3A_13 = arith.constant 32 : index
    %swap3A_14 = tpu.vector_load %arg7[%swap3A_13] {strides = array<i32>} : memref<128xf32, #tpu.memory_space<vmem>>, vector<16xf32>,
    %swap3A_15 = vector.shape_cast %swap3A_14 : vector<16xf32> to vector<16xf32>
    %swap3A_16 = vector.shape_cast %broadcast_in_dim3A_12 : vector<16xf32> to vector<16xf32>
    tpu.vector_store %arg7[%swap3A_13], %swap3A_16 {strides = array<i32>} : memref<128xf32, #tpu.memory_space<vmem>>, vector<16xf32>,
    %broadcast_in_dim3A_17 = arith.constant 1.000000e+00 : f32
    %broadcast_in_dim3A_18 = vector.broadcast %broadcast_in_dim3A_17 : f32 to vector<16xf32>
    %swap3A_19 = arith.constant 48 : index
    %swap3A_20 = tpu.vector_load %arg7[%swap3A_19] {strides = array<i32>} : memref<128xf32, #tpu.memory_space<vmem>>, vector<16xf32>,
    %swap3A_21 = vector.shape_cast %swap3A_20 : vector<16xf32> to vector<16xf32>
    %swap3A_22 = vector.shape_cast %broadcast_in_dim3A_18 : vector<16xf32> to vector<16xf32>
    tpu.vector_store %arg7[%swap3A_19], %swap3A_22 {strides = array<i32>} : memref<128xf32, #tpu.memory_space<vmem>>, vector<16xf32>,
    %broadcast_in_dim3A_23 = arith.constant 1.000000e+00 : f32
    %broadcast_in_dim3A_24 = vector.broadcast %broadcast_in_dim3A_23 : f32 to vector<16xf32>
    %swap3A_25 = arith.constant 64 : index
    %swap3A_26 = tpu.vector_load %arg7[%swap3A_25] {strides = array<i32>} : memref<128xf32, #tpu.memory_space<vmem>>, vector<16xf32>,
    %swap3A_27 = vector.shape_cast %swap3A_26 : vector<16xf32> to vector<16xf32>
    %swap3A_28 = vector.shape_cast %broadcast_in_dim3A_24 : vector<16xf32> to vector<16xf32>
    tpu.vector_store %arg7[%swap3A_25], %swap3A_28 {strides = array<i32>} : memref<128xf32, #tpu.memory_space<vmem>>, vector<16xf32>,
    %broadcast_in_dim3A_29 = arith.constant 1.000000e+00 : f32
    %broadcast_in_dim3A_30 = vector.broadcast %broadcast_in_dim3A_29 : f32 to vector<16xf32>
    %swap3A_31 = arith.constant 80 : index
    %swap3A_32 = tpu.vector_load %arg7[%swap3A_31] {strides = array<i32>} : memref<128xf32, #tpu.memory_space<vmem>>, vector<16xf32>,
    %swap3A_33 = vector.shape_cast %swap3A_32 : vector<16xf32> to vector<16xf32>
    %swap3A_34 = vector.shape_cast %broadcast_in_dim3A_30 : vector<16xf32> to vector<16xf32>
    tpu.vector_store %arg7[%swap3A_31], %swap3A_34 {strides = array<i32>} : memref<128xf32, #tpu.memory_space<vmem>>, vector<16xf32>,
    %broadcast_in_dim3A_35 = arith.constant 1.000000e+00 : f32
    %broadcast_in_dim3A_36 = vector.broadcast %broadcast_in_dim3A_35 : f32 to vector<16xf32>
    %swap3A_37 = arith.constant 96 : index
    %swap3A_38 = tpu.vector_load %arg7[%swap3A_37] {strides = array<i32>} : memref<128xf32, #tpu.memory_space<vmem>>, vector<16xf32>,
    %swap3A_39 = vector.shape_cast %swap3A_38 : vector<16xf32> to vector<16xf32>
    %swap3A_40 = vector.shape_cast %broadcast_in_dim3A_36 : vector<16xf32> to vector<16xf32>
    tpu.vector_store %arg7[%swap3A_37], %swap3A_40 {strides = array<i32>} : memref<128xf32, #tpu.memory_space<vmem>>, vector<16xf32>,
    %broadcast_in_dim3A_41 = arith.constant 1.000000e+00 : f32
    %broadcast_in_dim3A_42 = vector.broadcast %broadcast_in_dim3A_41 : f32 to vector<16xf32>
    %swap3A_43 = arith.constant 112 : index
    %swap3A_44 = tpu.vector_load %arg7[%swap3A_43] {strides = array<i32>} : memref<128xf32, #tpu.memory_space<vmem>>, vector<16xf32>,
    %swap3A_45 = vector.shape_cast %swap3A_44 : vector<16xf32> to vector<16xf32>
    %swap3A_46 = vector.shape_cast %broadcast_in_dim3A_42 : vector<16xf32> to vector<16xf32>
    tpu.vector_store %arg7[%swap3A_43], %swap3A_46 {strides = array<i32>} : memref<128xf32, #tpu.memory_space<vmem>>, vector<16xf32>,
    %mul3A_47 = arith.constant 2 : i32
    %mul3A_48 = arith.muli %arg1, %mul3A_47 : i32
    %mul3A_49 = arith.constant 640 : i32
    %mul3A_50 = arith.muli %mul3A_48, %mul3A_49 : i32
    "tpu.region"() ({
      %run_scoped3A_58 = tpu.sem_alloc : memref<!tpu.dma_semaphore, #tpu.memory_space<semaphore_mem>>
      tpu.enqueue_dma source(%arg3 : memref<1280xf32, #tpu.memory_space<hbm>>) target(%arg8 : memref<1280xf32, #tpu.memory_space<vmem>>) target_semaphore(%run_scoped3A_58 : memref<!tpu.dma_semaphore, #tpu.memory_space<semaphore_mem>>)
      tpu.wait_dma2 semaphore(%run_scoped3A_58 : memref<!tpu.dma_semaphore, #tpu.memory_space<semaphore_mem>>) src(%arg3 : memref<1280xf32, #tpu.memory_space<hbm>>) dst(%arg8 : memref<1280xf32, #tpu.memory_space<vmem>>)
      tpu.yield
    }) : () -> ()
    "tpu.region"() ({
      %run_scoped3A_58 = tpu.sem_alloc : memref<!tpu.dma_semaphore, #tpu.memory_space<semaphore_mem>>
      %dma_start3A = tpu.memref_slice %arg9[%mul3A_50] : memref<20480xf32, #tpu.memory_space<vmem_shared>> -> memref<1280xf32, #tpu.memory_space<vmem_shared>>
      %dma_start3A_59 = tpu.memref_slice %arg9[%mul3A_50] : memref<20480xf32, #tpu.memory_space<vmem_shared>> -> memref<1280xf32, #tpu.memory_space<vmem_shared>>
      tpu.enqueue_dma source(%arg8 : memref<1280xf32, #tpu.memory_space<vmem>>) target(%dma_start3A_59 : memref<1280xf32, #tpu.memory_space<vmem_shared>>) target_semaphore(%run_scoped3A_58 : memref<!tpu.dma_semaphore, #tpu.memory_space<semaphore_mem>>)
      %dma_wait3A = tpu.memref_slice %arg9[%mul3A_50] : memref<20480xf32, #tpu.memory_space<vmem_shared>> -> memref<1280xf32, #tpu.memory_space<vmem_shared>>
      %dma_wait3A_60 = tpu.memref_slice %arg9[%mul3A_50] : memref<20480xf32, #tpu.memory_space<vmem_shared>> -> memref<1280xf32, #tpu.memory_space<vmem_shared>>
      tpu.wait_dma2 semaphore(%run_scoped3A_58 : memref<!tpu.dma_semaphore, #tpu.memory_space<semaphore_mem>>) src(%arg8 : memref<1280xf32, #tpu.memory_space<vmem>>) dst(%dma_wait3A_60 : memref<1280xf32, #tpu.memory_space<vmem_shared>>)
      tpu.yield
    }) : () -> ()
    %run_scoped3A = arith.constant 0 : i32
    "tpu.region"() ({
      %run_scoped3A_58 = tpu.sem_alloc : memref<!tpu.dma_semaphore, #tpu.memory_space<semaphore_mem>>
      %dma_start3A = arith.constant 0 : i32
      %dma_start3A_59 = arith.constant 0 : i32
      %dma_start3A_60 = tpu.memref_slice %arg2[%run_scoped3A, %add3A, %dma_start3A, %dma_start3A_59] : memref<2x32x80x128xi32, #tpu.memory_space<hbm>> -> memref<1x1x80x128xi32, #tpu.memory_space<hbm>>
      %dma_start3A_61 = tpu.memref_squeeze %dma_start3A_60 : memref<1x1x80x128xi32, #tpu.memory_space<hbm>> -> memref<80x128xi32, #tpu.memory_space<hbm>>
      %dma_start3A_62 = arith.constant 0 : i32
      %dma_start3A_63 = arith.constant 0 : i32
      %dma_start3A_64 = tpu.memref_slice %arg2[%run_scoped3A, %add3A, %dma_start3A_62, %dma_start3A_63] : memref<2x32x80x128xi32, #tpu.memory_space<hbm>> -> memref<1x1x80x128xi32, #tpu.memory_space<hbm>>
      %dma_start3A_65 = tpu.memref_squeeze %dma_start3A_64 : memref<1x1x80x128xi32, #tpu.memory_space<hbm>> -> memref<80x128xi32, #tpu.memory_space<hbm>>
      tpu.enqueue_dma source(%dma_start3A_65 : memref<80x128xi32, #tpu.memory_space<hbm>>) target(%arg5 : memref<80x128xi32, #tpu.memory_space<vmem>>) target_semaphore(%run_scoped3A_58 : memref<!tpu.dma_semaphore, #tpu.memory_space<semaphore_mem>>)
      %dma_wait3A = arith.constant 0 : i32
      %dma_wait3A_66 = arith.constant 0 : i32
      %dma_wait3A_67 = tpu.memref_slice %arg2[%run_scoped3A, %add3A, %dma_wait3A, %dma_wait3A_66] : memref<2x32x80x128xi32, #tpu.memory_space<hbm>> -> memref<1x1x80x128xi32, #tpu.memory_space<hbm>>
      %dma_wait3A_68 = tpu.memref_squeeze %dma_wait3A_67 : memref<1x1x80x128xi32, #tpu.memory_space<hbm>> -> memref<80x128xi32, #tpu.memory_space<hbm>>
      %dma_wait3A_69 = arith.constant 0 : i32
      %dma_wait3A_70 = arith.constant 0 : i32
      %dma_wait3A_71 = tpu.memref_slice %arg2[%run_scoped3A, %add3A, %dma_wait3A_69, %dma_wait3A_70] : memref<2x32x80x128xi32, #tpu.memory_space<hbm>> -> memref<1x1x80x128xi32, #tpu.memory_space<hbm>>
      %dma_wait3A_72 = tpu.memref_squeeze %dma_wait3A_71 : memref<1x1x80x128xi32, #tpu.memory_space<hbm>> -> memref<80x128xi32, #tpu.memory_space<hbm>>
      tpu.wait_dma2 semaphore(%run_scoped3A_58 : memref<!tpu.dma_semaphore, #tpu.memory_space<semaphore_mem>>) src(%dma_wait3A_72 : memref<80x128xi32, #tpu.memory_space<hbm>>) dst(%arg5 : memref<80x128xi32, #tpu.memory_space<vmem>>)
      tpu.yield
    }) : () -> ()
    %run_scoped3A_51 = arith.constant 1 : i32
    "tpu.region"() ({
      %run_scoped3A_58 = tpu.sem_alloc : memref<!tpu.dma_semaphore, #tpu.memory_space<semaphore_mem>>
      %dma_start3A = arith.constant 0 : i32
      %dma_start3A_59 = arith.constant 0 : i32
      %dma_start3A_60 = tpu.memref_slice %arg2[%run_scoped3A_51, %add3A, %dma_start3A, %dma_start3A_59] : memref<2x32x80x128xi32, #tpu.memory_space<hbm>> -> memref<1x1x80x128xi32, #tpu.memory_space<hbm>>
      %dma_start3A_61 = tpu.memref_squeeze %dma_start3A_60 : memref<1x1x80x128xi32, #tpu.memory_space<hbm>> -> memref<80x128xi32, #tpu.memory_space<hbm>>
      %dma_start3A_62 = arith.constant 0 : i32
      %dma_start3A_63 = arith.constant 0 : i32
      %dma_start3A_64 = tpu.memref_slice %arg2[%run_scoped3A_51, %add3A, %dma_start3A_62, %dma_start3A_63] : memref<2x32x80x128xi32, #tpu.memory_space<hbm>> -> memref<1x1x80x128xi32, #tpu.memory_space<hbm>>
      %dma_start3A_65 = tpu.memref_squeeze %dma_start3A_64 : memref<1x1x80x128xi32, #tpu.memory_space<hbm>> -> memref<80x128xi32, #tpu.memory_space<hbm>>
      tpu.enqueue_dma source(%dma_start3A_65 : memref<80x128xi32, #tpu.memory_space<hbm>>) target(%arg6 : memref<80x128xi32, #tpu.memory_space<vmem>>) target_semaphore(%run_scoped3A_58 : memref<!tpu.dma_semaphore, #tpu.memory_space<semaphore_mem>>)
      %dma_wait3A = arith.constant 0 : i32
      %dma_wait3A_66 = arith.constant 0 : i32
      %dma_wait3A_67 = tpu.memref_slice %arg2[%run_scoped3A_51, %add3A, %dma_wait3A, %dma_wait3A_66] : memref<2x32x80x128xi32, #tpu.memory_space<hbm>> -> memref<1x1x80x128xi32, #tpu.memory_space<hbm>>
      %dma_wait3A_68 = tpu.memref_squeeze %dma_wait3A_67 : memref<1x1x80x128xi32, #tpu.memory_space<hbm>> -> memref<80x128xi32, #tpu.memory_space<hbm>>
      %dma_wait3A_69 = arith.constant 0 : i32
      %dma_wait3A_70 = arith.constant 0 : i32
      %dma_wait3A_71 = tpu.memref_slice %arg2[%run_scoped3A_51, %add3A, %dma_wait3A_69, %dma_wait3A_70] : memref<2x32x80x128xi32, #tpu.memory_space<hbm>> -> memref<1x1x80x128xi32, #tpu.memory_space<hbm>>
      %dma_wait3A_72 = tpu.memref_squeeze %dma_wait3A_71 : memref<1x1x80x128xi32, #tpu.memory_space<hbm>> -> memref<80x128xi32, #tpu.memory_space<hbm>>
      tpu.wait_dma2 semaphore(%run_scoped3A_58 : memref<!tpu.dma_semaphore, #tpu.memory_space<semaphore_mem>>) src(%dma_wait3A_72 : memref<80x128xi32, #tpu.memory_space<hbm>>) dst(%arg6 : memref<80x128xi32, #tpu.memory_space<vmem>>)
      tpu.yield
    }) : () -> ()
    %barrier3A = arith.constant 0 : index
    tpu.barrier barrier_id(%barrier3A)
    %scan3A = arith.constant 0 : i32
    %scan3A_52 = arith.constant 0 : i32
    %scan3A_53 = arith.constant 80 : i32
    %scan3A_54 = arith.addi %scan3A_52, %scan3A_53 : i32
    %scan3A_55 = arith.constant 1 : i32
    scf.for %scan3A_58 = %scan3A_52 to %scan3A_54 step %scan3A_55  : i32 {
      "tpu.region"() ({
        %run_scoped3A_59 = tpu.sem_alloc : memref<!tpu.dma_semaphore, #tpu.memory_space<semaphore_mem>>
        %dma_start3A = arith.constant 0 : i32
        %dma_start3A_60 = tpu.memref_slice %arg5[%scan3A_58, %dma_start3A] : memref<80x128xi32, #tpu.memory_space<vmem>> -> memref<1x128xi32, #tpu.memory_space<vmem>>
        %dma_start3A_61 = tpu.memref_squeeze %dma_start3A_60 : memref<1x128xi32, #tpu.memory_space<vmem>> -> memref<128xi32, #tpu.memory_space<vmem>>
        %dma_start3A_62 = arith.constant 0 : i32
        %dma_start3A_63 = tpu.memref_slice %arg9[%dma_start3A_62] : memref<20480xf32, #tpu.memory_space<vmem_shared>> -> memref<20480xf32, #tpu.memory_space<vmem_shared>>
        tpu.enqueue_indirect_dma source(%arg7 : memref<128xf32, #tpu.memory_space<vmem>>) target(%dma_start3A_63 : memref<20480xf32, #tpu.memory_space<vmem_shared>>) offsets(%dma_start3A_61 : memref<128xi32, #tpu.memory_space<vmem>>) semaphore(%run_scoped3A_59 : memref<!tpu.dma_semaphore, #tpu.memory_space<semaphore_mem>>) {add = true}
        %dma_wait3A = arith.constant 0 : i32
        %dma_wait3A_64 = tpu.memref_slice %arg5[%scan3A_58, %dma_wait3A] : memref<80x128xi32, #tpu.memory_space<vmem>> -> memref<1x128xi32, #tpu.memory_space<vmem>>
        %dma_wait3A_65 = tpu.memref_squeeze %dma_wait3A_64 : memref<1x128xi32, #tpu.memory_space<vmem>> -> memref<128xi32, #tpu.memory_space<vmem>>
        %dma_wait3A_66 = arith.constant 0 : i32
        %dma_wait3A_67 = tpu.memref_slice %arg9[%dma_wait3A_66] : memref<20480xf32, #tpu.memory_space<vmem_shared>> -> memref<20480xf32, #tpu.memory_space<vmem_shared>>
        tpu.wait_indirect_dma semaphore(%run_scoped3A_59 : memref<!tpu.dma_semaphore, #tpu.memory_space<semaphore_mem>>) src(%arg7 : memref<128xf32, #tpu.memory_space<vmem>>) dst(%dma_wait3A_67 : memref<20480xf32, #tpu.memory_space<vmem_shared>>)
        tpu.yield
      }) : () -> ()
      "tpu.region"() ({
        %run_scoped3A_59 = tpu.sem_alloc : memref<!tpu.dma_semaphore, #tpu.memory_space<semaphore_mem>>
        %dma_start3A = arith.constant 0 : i32
        %dma_start3A_60 = tpu.memref_slice %arg6[%scan3A_58, %dma_start3A] : memref<80x128xi32, #tpu.memory_space<vmem>> -> memref<1x128xi32, #tpu.memory_space<vmem>>
        %dma_start3A_61 = tpu.memref_squeeze %dma_start3A_60 : memref<1x128xi32, #tpu.memory_space<vmem>> -> memref<128xi32, #tpu.memory_space<vmem>>
        %dma_start3A_62 = arith.constant 0 : i32
        %dma_start3A_63 = tpu.memref_slice %arg9[%dma_start3A_62] : memref<20480xf32, #tpu.memory_space<vmem_shared>> -> memref<20480xf32, #tpu.memory_space<vmem_shared>>
        tpu.enqueue_indirect_dma source(%arg7 : memref<128xf32, #tpu.memory_space<vmem>>) target(%dma_start3A_63 : memref<20480xf32, #tpu.memory_space<vmem_shared>>) offsets(%dma_start3A_61 : memref<128xi32, #tpu.memory_space<vmem>>) semaphore(%run_scoped3A_59 : memref<!tpu.dma_semaphore, #tpu.memory_space<semaphore_mem>>) {add = true}
        %dma_wait3A = arith.constant 0 : i32
        %dma_wait3A_64 = tpu.memref_slice %arg6[%scan3A_58, %dma_wait3A] : memref<80x128xi32, #tpu.memory_space<vmem>> -> memref<1x128xi32, #tpu.memory_space<vmem>>
        %dma_wait3A_65 = tpu.memref_squeeze %dma_wait3A_64 : memref<1x128xi32, #tpu.memory_space<vmem>> -> memref<128xi32, #tpu.memory_space<vmem>>
        %dma_wait3A_66 = arith.constant 0 : i32
        %dma_wait3A_67 = tpu.memref_slice %arg9[%dma_wait3A_66] : memref<20480xf32, #tpu.memory_space<vmem_shared>> -> memref<20480xf32, #tpu.memory_space<vmem_shared>>
        tpu.wait_indirect_dma semaphore(%run_scoped3A_59 : memref<!tpu.dma_semaphore, #tpu.memory_space<semaphore_mem>>) src(%arg7 : memref<128xf32, #tpu.memory_space<vmem>>) dst(%dma_wait3A_67 : memref<20480xf32, #tpu.memory_space<vmem_shared>>)
        tpu.yield
      }) : () -> ()
    }
    %scan3A_56 = arith.constant 80 : i32
    %barrier3A_57 = arith.constant 0 : index
    tpu.barrier barrier_id(%barrier3A_57)
    "tpu.region"() ({
      %run_scoped3A_58 = tpu.sem_alloc : memref<!tpu.dma_semaphore, #tpu.memory_space<semaphore_mem>>
      %dma_start3A = tpu.memref_slice %arg4[%arg0, %mul3A_50] : memref<2x20480xf32, #tpu.memory_space<hbm>> -> memref<1x1280xf32, #tpu.memory_space<hbm>>
      %dma_start3A_59 = tpu.memref_squeeze %dma_start3A : memref<1x1280xf32, #tpu.memory_space<hbm>> -> memref<1280xf32, #tpu.memory_space<hbm>>
      %dma_start3A_60 = tpu.memref_slice %arg9[%mul3A_50] : memref<20480xf32, #tpu.memory_space<vmem_shared>> -> memref<1280xf32, #tpu.memory_space<vmem_shared>>
      tpu.enqueue_dma source(%dma_start3A_60 : memref<1280xf32, #tpu.memory_space<vmem_shared>>) target(%dma_start3A_59 : memref<1280xf32, #tpu.memory_space<hbm>>) target_semaphore(%run_scoped3A_58 : memref<!tpu.dma_semaphore, #tpu.memory_space<semaphore_mem>>)
      %dma_wait3A = tpu.memref_slice %arg4[%arg0, %mul3A_50] : memref<2x20480xf32, #tpu.memory_space<hbm>> -> memref<1x1280xf32, #tpu.memory_space<hbm>>
      %dma_wait3A_61 = tpu.memref_squeeze %dma_wait3A : memref<1x1280xf32, #tpu.memory_space<hbm>> -> memref<1280xf32, #tpu.memory_space<hbm>>
      %dma_wait3A_62 = tpu.memref_slice %arg9[%mul3A_50] : memref<20480xf32, #tpu.memory_space<vmem_shared>> -> memref<1280xf32, #tpu.memory_space<vmem_shared>>
      tpu.wait_dma2 semaphore(%run_scoped3A_58 : memref<!tpu.dma_semaphore, #tpu.memory_space<semaphore_mem>>) src(%dma_wait3A_62 : memref<1280xf32, #tpu.memory_space<vmem_shared>>) dst(%dma_wait3A_61 : memref<1280xf32, #tpu.memory_space<hbm>>)
      tpu.yield
    }) : () -> ()
    return
  }
}

module attributes {stable_mosaic.version = 14 : i64} {
  func.func @_norm_body(%arg0: i32, %arg1: memref<2x1024x2xf32, #tpu.memory_space<vmem>>, %arg2: memref<1024x128xf32, #tpu.memory_space<vmem>>, %arg3: memref<1024x2xf32, #tpu.memory_space<vmem>>, %arg4: memref<1024x128xf32, #tpu.memory_space<vmem>>) attributes {dimension_semantics = [#tpu.dimension_semantics<arbitrary>], iteration_bounds = array<i64: 10>, scalar_prefetch = 0 : i64, scratch_operands = 0 : i64, tpu.core_type = #tpu.core_type<tc>, window_params = [{transform_indices = @transform_0, window_bounds = array<i64: 2, 1024, 2>}, {transform_indices = @transform_1, window_bounds = array<i64: 1024, 128>}, {transform_indices = @transform_2, window_bounds = array<i64: 1024, 2>}, {transform_indices = @transform_3, window_bounds = array<i64: 1024, 128>}]} {
    %get3A = arith.constant 0 : index
    %get3A_0 = arith.constant 0 : index
    %get3A_1 = arith.constant 0 : index
    %get3A_2 = vector.load %arg1[%get3A, %get3A_0, %get3A_1] : memref<2x1024x2xf32, #tpu.memory_space<vmem>>, vector<1x1024x1xf32>
    %get3A_3 = vector.shape_cast %get3A_2 : vector<1x1024x1xf32> to vector<1024x1xf32>
    %get3A_4 = arith.constant 1 : index
    %get3A_5 = arith.constant 0 : index
    %get3A_6 = arith.constant 0 : index
    %get3A_7 = vector.load %arg1[%get3A_4, %get3A_5, %get3A_6] : memref<2x1024x2xf32, #tpu.memory_space<vmem>>, vector<1x1024x1xf32>
    %get3A_8 = vector.shape_cast %get3A_7 : vector<1x1024x1xf32> to vector<1024x1xf32>
    %add3A = arith.addf %get3A_3, %get3A_8 : vector<1024x1xf32>
    %get3A_9 = arith.constant 0 : index
    %get3A_10 = arith.constant 0 : index
    %get3A_11 = arith.constant 1 : index
    %get3A_12 = vector.load %arg1[%get3A_9, %get3A_10, %get3A_11] : memref<2x1024x2xf32, #tpu.memory_space<vmem>>, vector<1x1024x1xf32>
    %get3A_13 = vector.shape_cast %get3A_12 : vector<1x1024x1xf32> to vector<1024x1xf32>
    %get3A_14 = arith.constant 1 : index
    %get3A_15 = arith.constant 0 : index
    %get3A_16 = arith.constant 1 : index
    %get3A_17 = vector.load %arg1[%get3A_14, %get3A_15, %get3A_16] : memref<2x1024x2xf32, #tpu.memory_space<vmem>>, vector<1x1024x1xf32>
    %get3A_18 = vector.shape_cast %get3A_17 : vector<1x1024x1xf32> to vector<1024x1xf32>
    %add3A_19 = arith.addf %get3A_13, %get3A_18 : vector<1024x1xf32>
    %max3A = arith.constant 1.000000e+00 : f32
    %max3A_20 = vector.broadcast %max3A : f32 to vector<1024x1xf32>
    %max3A_21 = arith.maximumf %add3A, %max3A_20 : vector<1024x1xf32>
    %sqrt3A = math.sqrt %max3A_21 : vector<1024x1xf32>
    %div3A = arith.constant 1.000000e+00 : f32
    %div3A_22 = vector.broadcast %div3A : f32 to vector<1024x1xf32>
    %div3A_23 = arith.divf %div3A_22, %sqrt3A : vector<1024x1xf32>
    %max3A_24 = arith.constant 1.000000e+00 : f32
    %max3A_25 = vector.broadcast %max3A_24 : f32 to vector<1024x1xf32>
    %max3A_26 = arith.maximumf %add3A_19, %max3A_25 : vector<1024x1xf32>
    %sqrt3A_27 = math.sqrt %max3A_26 : vector<1024x1xf32>
    %div3A_28 = arith.constant 1.000000e+00 : f32
    %div3A_29 = vector.broadcast %div3A_28 : f32 to vector<1024x1xf32>
    %div3A_30 = arith.divf %div3A_29, %sqrt3A_27 : vector<1024x1xf32>
    %concatenate3A = tpu.concatenate %div3A_23, %div3A_30 in 1 : vector<1024x1xf32>, vector<1024x1xf32> -> vector<1024x2xf32>
    %swap3A = arith.constant 0 : index
    %swap3A_31 = arith.constant 0 : index
    %swap3A_32 = vector.load %arg3[%swap3A, %swap3A_31] : memref<1024x2xf32, #tpu.memory_space<vmem>>, vector<1024x2xf32>
    tpu.vector_store %arg3[%swap3A, %swap3A_31], %concatenate3A {strides = array<i32>} : memref<1024x2xf32, #tpu.memory_space<vmem>>, vector<1024x2xf32>,
    %get3A_33 = arith.constant 0 : index
    %get3A_34 = arith.constant 0 : index
    %get3A_35 = vector.load %arg2[%get3A_33, %get3A_34] : memref<1024x128xf32, #tpu.memory_space<vmem>>, vector<1024x128xf32>
    %mul3A = vector.broadcast %div3A_23 : vector<1024x1xf32> to vector<1024x128xf32>
    %mul3A_36 = arith.mulf %get3A_35, %mul3A : vector<1024x128xf32>
    %swap3A_37 = arith.constant 0 : index
    %swap3A_38 = arith.constant 0 : index
    %swap3A_39 = vector.load %arg4[%swap3A_37, %swap3A_38] : memref<1024x128xf32, #tpu.memory_space<vmem>>, vector<1024x128xf32>
    tpu.vector_store %arg4[%swap3A_37, %swap3A_38], %mul3A_36 {strides = array<i32>} : memref<1024x128xf32, #tpu.memory_space<vmem>>, vector<1024x128xf32>,
    return
  }
  func.func @transform_0(%arg0: i32) -> (i32, i32, i32) {
    %c0_i32 = arith.constant 0 : i32
    %c0_i32_0 = arith.constant 0 : i32
    %c0_i32_1 = arith.constant 0 : i32
    return %c0_i32, %arg0, %c0_i32_0 : i32, i32, i32
  }
  func.func @transform_1(%arg0: i32) -> (i32, i32) {
    %c0_i32 = arith.constant 0 : i32
    %c0_i32_0 = arith.constant 0 : i32
    return %arg0, %c0_i32 : i32, i32
  }
  func.func @transform_2(%arg0: i32) -> (i32, i32) {
    %c0_i32 = arith.constant 0 : i32
    %c0_i32_0 = arith.constant 0 : i32
    return %arg0, %c0_i32 : i32, i32
  }
  func.func @transform_3(%arg0: i32) -> (i32, i32) {
    %c0_i32 = arith.constant 0 : i32
    %c0_i32_0 = arith.constant 0 : i32
    return %arg0, %c0_i32 : i32, i32
  }
}

module attributes {stable_mosaic.version = 14 : i64} {
  func.func @_upd1_body(%arg0: i32, %arg1: memref<2x1024x128xf32, #tpu.memory_space<vmem>>, %arg2: memref<1024x2xf32, #tpu.memory_space<vmem>>, %arg3: memref<1024x128xf32, #tpu.memory_space<vmem>>, %arg4: memref<1024x128xf32, #tpu.memory_space<vmem>>) attributes {dimension_semantics = [#tpu.dimension_semantics<arbitrary>], iteration_bounds = array<i64: 10>, scalar_prefetch = 0 : i64, scratch_operands = 0 : i64, tpu.core_type = #tpu.core_type<tc>, window_params = [{transform_indices = @transform_0, window_bounds = array<i64: 2, 1024, 128>}, {transform_indices = @transform_1, window_bounds = array<i64: 1024, 2>}, {transform_indices = @transform_2, window_bounds = array<i64: 1024, 128>}, {transform_indices = @transform_3, window_bounds = array<i64: 1024, 128>}]} {
    %get3A = arith.constant 0 : index
    %get3A_0 = arith.constant 0 : index
    %get3A_1 = arith.constant 0 : index
    %get3A_2 = vector.load %arg1[%get3A, %get3A_0, %get3A_1] : memref<2x1024x128xf32, #tpu.memory_space<vmem>>, vector<1x1024x128xf32>
    %get3A_3 = vector.shape_cast %get3A_2 : vector<1x1024x128xf32> to vector<1024x128xf32>
    %get3A_4 = arith.constant 1 : index
    %get3A_5 = arith.constant 0 : index
    %get3A_6 = arith.constant 0 : index
    %get3A_7 = vector.load %arg1[%get3A_4, %get3A_5, %get3A_6] : memref<2x1024x128xf32, #tpu.memory_space<vmem>>, vector<1x1024x128xf32>
    %get3A_8 = vector.shape_cast %get3A_7 : vector<1x1024x128xf32> to vector<1024x128xf32>
    %add3A = arith.addf %get3A_3, %get3A_8 : vector<1024x128xf32>
    %get3A_9 = arith.constant 0 : index
    %get3A_10 = arith.constant 0 : index
    %get3A_11 = vector.load %arg2[%get3A_9, %get3A_10] : memref<1024x2xf32, #tpu.memory_space<vmem>>, vector<1024x2xf32>
    %slice3A = vector.extract_strided_slice %get3A_11 {offsets = [0, 1], sizes = [1024, 1], strides = [1, 1]} : vector<1024x2xf32> to vector<1024x1xf32>
    %mul3A = vector.broadcast %slice3A : vector<1024x1xf32> to vector<1024x128xf32>
    %mul3A_12 = arith.mulf %add3A, %mul3A : vector<1024x128xf32>
    %mul3A_13 = arith.constant 5.000000e-01 : f32
    %mul3A_14 = vector.broadcast %mul3A_13 : f32 to vector<1024x128xf32>
    %mul3A_15 = arith.mulf %mul3A_14, %mul3A_12 : vector<1024x128xf32>
    %get3A_16 = arith.constant 0 : index
    %get3A_17 = arith.constant 0 : index
    %get3A_18 = vector.load %arg3[%get3A_16, %get3A_17] : memref<1024x128xf32, #tpu.memory_space<vmem>>, vector<1024x128xf32>
    %mul3A_19 = arith.constant 5.000000e-01 : f32
    %mul3A_20 = vector.broadcast %mul3A_19 : f32 to vector<1024x128xf32>
    %mul3A_21 = arith.mulf %mul3A_20, %get3A_18 : vector<1024x128xf32>
    %add3A_22 = arith.addf %mul3A_15, %mul3A_21 : vector<1024x128xf32>
    %slice3A_23 = vector.extract_strided_slice %get3A_11 {offsets = [0, 0], sizes = [1024, 1], strides = [1, 1]} : vector<1024x2xf32> to vector<1024x1xf32>
    %mul3A_24 = vector.broadcast %slice3A_23 : vector<1024x1xf32> to vector<1024x128xf32>
    %mul3A_25 = arith.mulf %add3A_22, %mul3A_24 : vector<1024x128xf32>
    %swap3A = arith.constant 0 : index
    %swap3A_26 = arith.constant 0 : index
    %swap3A_27 = vector.load %arg4[%swap3A, %swap3A_26] : memref<1024x128xf32, #tpu.memory_space<vmem>>, vector<1024x128xf32>
    tpu.vector_store %arg4[%swap3A, %swap3A_26], %mul3A_25 {strides = array<i32>} : memref<1024x128xf32, #tpu.memory_space<vmem>>, vector<1024x128xf32>,
    return
  }
  func.func @transform_0(%arg0: i32) -> (i32, i32, i32) {
    %c0_i32 = arith.constant 0 : i32
    %c0_i32_0 = arith.constant 0 : i32
    %c0_i32_1 = arith.constant 0 : i32
    return %c0_i32, %arg0, %c0_i32_0 : i32, i32, i32
  }
  func.func @transform_1(%arg0: i32) -> (i32, i32) {
    %c0_i32 = arith.constant 0 : i32
    %c0_i32_0 = arith.constant 0 : i32
    return %arg0, %c0_i32 : i32, i32
  }
  func.func @transform_2(%arg0: i32) -> (i32, i32) {
    %c0_i32 = arith.constant 0 : i32
    %c0_i32_0 = arith.constant 0 : i32
    return %arg0, %c0_i32 : i32, i32
  }
  func.func @transform_3(%arg0: i32) -> (i32, i32) {
    %c0_i32 = arith.constant 0 : i32
    %c0_i32_0 = arith.constant 0 : i32
    return %arg0, %c0_i32 : i32, i32
  }
}

module attributes {stable_mosaic.version = 14 : i64} {
  func.func @_upd2_final_body(%arg0: i32, %arg1: memref<2x1024x128xf32, #tpu.memory_space<vmem>>, %arg2: memref<1024x2xf32, #tpu.memory_space<vmem>>, %arg3: memref<1024x128xf32, #tpu.memory_space<vmem>>, %arg4: memref<1024x1xi32, #tpu.memory_space<vmem>>, %arg5: memref<1024x1xi32, #tpu.memory_space<vmem>>, %arg6: memref<128x128xf32, #tpu.memory_space<vmem>>, %arg7: memref<1x128xf32, #tpu.memory_space<vmem>>, %arg8: memref<128x32xf32, #tpu.memory_space<vmem>>, %arg9: memref<1x32xf32, #tpu.memory_space<vmem>>, %arg10: memref<1x1024x32xf32, #tpu.memory_space<vmem>>, %arg11: memref<10240x128xf32, #tpu.memory_space<vmem>>, %arg12: memref<128x384xf32, #tpu.memory_space<vmem>>) attributes {dimension_semantics = [#tpu.dimension_semantics<arbitrary>], iteration_bounds = array<i64: 20>, scalar_prefetch = 0 : i64, scratch_operands = 2 : i64, tpu.core_type = #tpu.core_type<tc>, window_params = [{transform_indices = @transform_0, window_bounds = array<i64: 2, 1024, 128>}, {transform_indices = @transform_1, window_bounds = array<i64: 1024, 2>}, {transform_indices = @transform_2, window_bounds = array<i64: 1024, 128>}, {transform_indices = @transform_3, window_bounds = array<i64: 1024, 1>}, {transform_indices = @transform_4, window_bounds = array<i64: 1024, 1>}, {pipeline_mode = #tpu.pipeline_mode<synchronous>, transform_indices = @transform_5, window_bounds = array<i64: 128, 128>}, {pipeline_mode = #tpu.pipeline_mode<synchronous>, transform_indices = @transform_6, window_bounds = array<i64: 1, 128>}, {pipeline_mode = #tpu.pipeline_mode<synchronous>, transform_indices = @transform_7, window_bounds = array<i64: 128, 32>}, {pipeline_mode = #tpu.pipeline_mode<synchronous>, transform_indices = @transform_8, window_bounds = array<i64: 1, 32>}, {transform_indices = @transform_9, window_bounds = array<i64: 1, 1024, 32>}]} {
    %get3A = arith.constant 0 : index
    %get3A_0 = arith.constant 0 : index
    %get3A_1 = vector.load %arg4[%get3A, %get3A_0] : memref<1024x1xi32, #tpu.memory_space<vmem>>, vector<1024x1xi32>
    %mul3A = arith.constant 16 : i32
    %mul3A_2 = vector.broadcast %mul3A : i32 to vector<1024x1xi32>
    %mul3A_3 = arith.muli %get3A_1, %mul3A_2 : vector<1024x1xi32>
    %get3A_4 = arith.constant 0 : index
    %get3A_5 = arith.constant 0 : index
    %get3A_6 = vector.load %arg5[%get3A_4, %get3A_5] : memref<1024x1xi32, #tpu.memory_space<vmem>>, vector<1024x1xi32>
    %add3A = arith.addi %mul3A_3, %get3A_6 : vector<1024x1xi32>
    %iota3A = tpu.iota {dimensions = array<i32: 1>} : vector<1024x128xi32>
    %eq3A = vector.broadcast %add3A : vector<1024x1xi32> to vector<1024x128xi32>
    %eq3A_7 = arith.cmpi eq, %iota3A, %eq3A : vector<1024x128xi32>
    %convert_element_type3A = arith.extui %eq3A_7 : vector<1024x128xi1> to vector<1024x128xi32>
    %convert_element_type3A_8 = arith.sitofp %convert_element_type3A : vector<1024x128xi32> to vector<1024x128xf32>
    %lt3A = arith.constant 10 : i32
    %lt3A_9 = arith.cmpi slt, %arg0, %lt3A : i32
    %convert_element_type3A_10 = arith.extui %lt3A_9 : i1 to i32
    %cond3A = arith.constant 0 : i32
    %cond3A_11 = arith.cmpi ne, %convert_element_type3A_10, %cond3A : i32
    scf.if %cond3A_11 {
      %get3A_21 = arith.constant 0 : index
      %get3A_22 = arith.constant 0 : index
      %get3A_23 = arith.constant 0 : index
      %get3A_24 = vector.load %arg1[%get3A_21, %get3A_22, %get3A_23] : memref<2x1024x128xf32, #tpu.memory_space<vmem>>, vector<1x1024x128xf32>
      %get3A_25 = vector.shape_cast %get3A_24 : vector<1x1024x128xf32> to vector<1024x128xf32>
      %get3A_26 = arith.constant 1 : index
      %get3A_27 = arith.constant 0 : index
      %get3A_28 = arith.constant 0 : index
      %get3A_29 = vector.load %arg1[%get3A_26, %get3A_27, %get3A_28] : memref<2x1024x128xf32, #tpu.memory_space<vmem>>, vector<1x1024x128xf32>
      %get3A_30 = vector.shape_cast %get3A_29 : vector<1x1024x128xf32> to vector<1024x128xf32>
      %add3A_31 = arith.addf %get3A_25, %get3A_30 : vector<1024x128xf32>
      %get3A_32 = arith.constant 0 : index
      %get3A_33 = arith.constant 0 : index
      %get3A_34 = vector.load %arg2[%get3A_32, %get3A_33] : memref<1024x2xf32, #tpu.memory_space<vmem>>, vector<1024x2xf32>
      %slice3A = vector.extract_strided_slice %get3A_34 {offsets = [0, 1], sizes = [1024, 1], strides = [1, 1]} : vector<1024x2xf32> to vector<1024x1xf32>
      %mul3A_35 = vector.broadcast %slice3A : vector<1024x1xf32> to vector<1024x128xf32>
      %mul3A_36 = arith.mulf %add3A_31, %mul3A_35 : vector<1024x128xf32>
      %mul3A_37 = arith.constant 5.000000e-01 : f32
      %mul3A_38 = vector.broadcast %mul3A_37 : f32 to vector<1024x128xf32>
      %mul3A_39 = arith.mulf %mul3A_38, %mul3A_36 : vector<1024x128xf32>
      %get3A_40 = arith.constant 0 : index
      %get3A_41 = arith.constant 0 : index
      %get3A_42 = vector.load %arg3[%get3A_40, %get3A_41] : memref<1024x128xf32, #tpu.memory_space<vmem>>, vector<1024x128xf32>
      %mul3A_43 = arith.constant 5.000000e-01 : f32
      %mul3A_44 = vector.broadcast %mul3A_43 : f32 to vector<1024x128xf32>
      %mul3A_45 = arith.mulf %mul3A_44, %get3A_42 : vector<1024x128xf32>
      %add3A_46 = arith.addf %mul3A_39, %mul3A_45 : vector<1024x128xf32>
      %mul3A_47 = arith.constant 1024 : i32
      %mul3A_48 = arith.muli %arg0, %mul3A_47 : i32
      %swap3A = arith.index_cast %mul3A_48 : i32 to index
      %swap3A_49 = arith.constant 0 : index
      %swap3A_50 = vector.load %arg11[%swap3A, %swap3A_49] : memref<10240x128xf32, #tpu.memory_space<vmem>>, vector<1024x128xf32>
      tpu.vector_store %arg11[%swap3A, %swap3A_49], %add3A_46 {strides = array<i32>} : memref<10240x128xf32, #tpu.memory_space<vmem>>, vector<1024x128xf32>,
      %eq3A_51 = arith.constant 0 : i32
      %eq3A_52 = vector.broadcast %eq3A_51 : i32 to vector<1024x128xi32>
      %eq3A_53 = arith.cmpi eq, %iota3A, %eq3A_52 : vector<1024x128xi32>
      %convert_element_type3A_54 = arith.extui %eq3A_53 : vector<1024x128xi1> to vector<1024x128xi32>
      %convert_element_type3A_55 = arith.sitofp %convert_element_type3A_54 : vector<1024x128xi32> to vector<1024x128xf32>
      %iota3A_56 = tpu.iota {dimensions = array<i32: 0>} : vector<1024x1xi32>
      %mul3A_57 = arith.constant 1024 : i32
      %mul3A_58 = arith.muli %arg0, %mul3A_57 : i32
      %add3A_59 = vector.broadcast %mul3A_58 : i32 to vector<1024x1xi32>
      %add3A_60 = arith.addi %iota3A_56, %add3A_59 : vector<1024x1xi32>
      %lt3A_61 = arith.constant 10000 : i32
      %lt3A_62 = vector.broadcast %lt3A_61 : i32 to vector<1024x1xi32>
      %lt3A_63 = arith.cmpi slt, %add3A_60, %lt3A_62 : vector<1024x1xi32>
      %jit3A = arith.constant 0.000000e+00 : f32
      %broadcast_in_dim3A = vector.shape_cast %lt3A_63 : vector<1024x1xi1> to vector<1024x1xi1>
      %broadcast_in_dim3A_64 = vector.broadcast %broadcast_in_dim3A : vector<1024x1xi1> to vector<1024x128xi1>
      %broadcast_in_dim3A_65 = vector.broadcast %jit3A : f32 to vector<1024x128xf32>
      %select_n3A = arith.select %broadcast_in_dim3A_64, %add3A_46, %broadcast_in_dim3A_65 : vector<1024x128xi1>, vector<1024x128xf32>
      %mul3A_66 = arith.mulf %select_n3A, %select_n3A : vector<1024x128xf32>
      %concatenate3A = tpu.concatenate %select_n3A, %mul3A_66, %convert_element_type3A_55 in 1 : vector<1024x128xf32>, vector<1024x128xf32>, vector<1024x128xf32> -> vector<1024x384xf32>
      %eq3A_67 = arith.constant 0 : i32
      %eq3A_68 = arith.cmpi eq, %arg0, %eq3A_67 : i32
      %convert_element_type3A_69 = arith.extui %eq3A_68 : i1 to i32
      %cond3A_70 = arith.constant 0 : i32
      %cond3A_71 = arith.cmpi ne, %convert_element_type3A_69, %cond3A_70 : i32
      scf.if %cond3A_71 {
        %broadcast_in_dim3A_80 = arith.constant 0.000000e+00 : f32
        %broadcast_in_dim3A_81 = vector.broadcast %broadcast_in_dim3A_80 : f32 to vector<128x384xf32>
        %swap3A_82 = arith.constant 0 : index
        %swap3A_83 = arith.constant 0 : index
        %swap3A_84 = vector.load %arg12[%swap3A_82, %swap3A_83] : memref<128x384xf32, #tpu.memory_space<vmem>>, vector<128x384xf32>
        tpu.vector_store %arg12[%swap3A_82, %swap3A_83], %broadcast_in_dim3A_81 {strides = array<i32>} : memref<128x384xf32, #tpu.memory_space<vmem>>, vector<128x384xf32>,
      } else {
      }
      %get3A_72 = arith.constant 0 : index
      %get3A_73 = arith.constant 0 : index
      %get3A_74 = vector.load %arg12[%get3A_72, %get3A_73] : memref<128x384xf32, #tpu.memory_space<vmem>>, vector<128x384xf32>
      %dot_general3A = arith.constant dense<0.000000e+00> : vector<128x384xf32>
      %dot_general3A_75 = tpu.matmul %convert_element_type3A_8, %concatenate3A, %dot_general3A {dimension_numbers = #tpu.dot_dimension_numbers<[0], [0], [1], [1], [0, 1, 1, 1], [], []>, transpose_lhs_hint = false} : vector<1024x128xf32>, vector<1024x384xf32>, vector<128x384xf32> -> vector<128x384xf32>
      %add3A_76 = arith.addf %get3A_74, %dot_general3A_75 : vector<128x384xf32>
      %swap3A_77 = arith.constant 0 : index
      %swap3A_78 = arith.constant 0 : index
      %swap3A_79 = vector.load %arg12[%swap3A_77, %swap3A_78] : memref<128x384xf32, #tpu.memory_space<vmem>>, vector<128x384xf32>
      tpu.vector_store %arg12[%swap3A_77, %swap3A_78], %add3A_76 {strides = array<i32>} : memref<128x384xf32, #tpu.memory_space<vmem>>, vector<128x384xf32>,
    } else {
    }
    %lt3A_12 = arith.constant 10 : i32
    %lt3A_13 = arith.cmpi slt, %arg0, %lt3A_12 : i32
    %convert_element_type3A_14 = arith.extui %lt3A_13 : i1 to i32
    %cond3A_15 = arith.constant 0 : i32
    %cond3A_16 = arith.cmpi ne, %convert_element_type3A_14, %cond3A_15 : i32
    scf.if %cond3A_16 {
      %broadcast_in_dim3A = arith.constant 0.000000e+00 : f32
      %broadcast_in_dim3A_21 = vector.broadcast %broadcast_in_dim3A : f32 to vector<1x1024x32xf32>
      %swap3A = arith.constant 0 : index
      %swap3A_22 = arith.constant 0 : index
      %swap3A_23 = arith.constant 0 : index
      %swap3A_24 = vector.load %arg10[%swap3A, %swap3A_22, %swap3A_23] : memref<1x1024x32xf32, #tpu.memory_space<vmem>>, vector<1x1024x32xf32>
      tpu.vector_store %arg10[%swap3A, %swap3A_22, %swap3A_23], %broadcast_in_dim3A_21 {strides = array<i32>} : memref<1x1024x32xf32, #tpu.memory_space<vmem>>, vector<1x1024x32xf32>,
    } else {
    }
    %ge3A = arith.constant 10 : i32
    %ge3A_17 = arith.cmpi sge, %arg0, %ge3A : i32
    %convert_element_type3A_18 = arith.extui %ge3A_17 : i1 to i32
    %cond3A_19 = arith.constant 0 : i32
    %cond3A_20 = arith.cmpi ne, %convert_element_type3A_18, %cond3A_19 : i32
    scf.if %cond3A_20 {
      %get3A_21 = arith.constant 0 : index
      %get3A_22 = arith.constant 0 : index
      %get3A_23 = vector.load %arg12[%get3A_21, %get3A_22] : memref<128x384xf32, #tpu.memory_space<vmem>>, vector<128x384xf32>
      %slice3A = vector.extract_strided_slice %get3A_23 {offsets = [0, 256], sizes = [128, 1], strides = [1, 1]} : vector<128x384xf32> to vector<128x1xf32>
      %max3A = arith.constant 1.000000e+00 : f32
      %max3A_24 = vector.broadcast %max3A : f32 to vector<128x1xf32>
      %max3A_25 = arith.maximumf %slice3A, %max3A_24 : vector<128x1xf32>
      %slice3A_26 = vector.extract_strided_slice %get3A_23 {offsets = [0, 0], sizes = [128, 128], strides = [1, 1]} : vector<128x384xf32> to vector<128x128xf32>
      %div3A = vector.broadcast %max3A_25 : vector<128x1xf32> to vector<128x128xf32>
      %div3A_27 = arith.divf %slice3A_26, %div3A : vector<128x128xf32>
      %slice3A_28 = vector.extract_strided_slice %get3A_23 {offsets = [0, 128], sizes = [128, 128], strides = [1, 1]} : vector<128x384xf32> to vector<128x128xf32>
      %div3A_29 = vector.broadcast %max3A_25 : vector<128x1xf32> to vector<128x128xf32>
      %div3A_30 = arith.divf %slice3A_28, %div3A_29 : vector<128x128xf32>
      %mul3A_31 = arith.mulf %div3A_27, %div3A_27 : vector<128x128xf32>
      %sub3A = arith.subf %div3A_30, %mul3A_31 : vector<128x128xf32>
      %max3A_32 = arith.constant 0.000000e+00 : f32
      %max3A_33 = vector.broadcast %max3A_32 : f32 to vector<128x128xf32>
      %max3A_34 = arith.maximumf %sub3A, %max3A_33 : vector<128x128xf32>
      %add3A_35 = arith.constant 9.99999974E-6 : f32
      %add3A_36 = vector.broadcast %add3A_35 : f32 to vector<128x128xf32>
      %add3A_37 = arith.addf %max3A_34, %add3A_36 : vector<128x128xf32>
      %sqrt3A = math.sqrt %add3A_37 : vector<128x128xf32>
      %div3A_38 = arith.constant 1.000000e+00 : f32
      %div3A_39 = vector.broadcast %div3A_38 : f32 to vector<128x128xf32>
      %div3A_40 = arith.divf %div3A_39, %sqrt3A : vector<128x128xf32>
      %dot_general3A = arith.constant dense<0.000000e+00> : vector<1024x128xf32>
      %dot_general3A_41 = tpu.matmul %convert_element_type3A_8, %div3A_27, %dot_general3A {dimension_numbers = #tpu.dot_dimension_numbers<[1], [0], [0], [1], [0, 0, 1, 1], [], []>, transpose_lhs_hint = false} : vector<1024x128xf32>, vector<128x128xf32>, vector<1024x128xf32> -> vector<1024x128xf32>
      %dot_general3A_42 = arith.constant dense<0.000000e+00> : vector<1024x128xf32>
      %dot_general3A_43 = tpu.matmul %convert_element_type3A_8, %div3A_40, %dot_general3A_42 {dimension_numbers = #tpu.dot_dimension_numbers<[1], [0], [0], [1], [0, 0, 1, 1], [], []>, transpose_lhs_hint = false} : vector<1024x128xf32>, vector<128x128xf32>, vector<1024x128xf32> -> vector<1024x128xf32>
      %sub3A_44 = arith.constant 10 : i32
      %sub3A_45 = arith.subi %arg0, %sub3A_44 : i32
      %mul3A_46 = arith.constant 1024 : i32
      %mul3A_47 = arith.muli %sub3A_45, %mul3A_46 : i32
      %get3A_48 = arith.index_cast %mul3A_47 : i32 to index
      %get3A_49 = arith.constant 0 : index
      %get3A_50 = vector.load %arg11[%get3A_48, %get3A_49] : memref<10240x128xf32, #tpu.memory_space<vmem>>, vector<1024x128xf32>
      %sub3A_51 = arith.subf %get3A_50, %dot_general3A_41 : vector<1024x128xf32>
      %mul3A_52 = arith.mulf %sub3A_51, %dot_general3A_43 : vector<1024x128xf32>
      %get3A_53 = arith.constant 0 : index
      %get3A_54 = arith.constant 0 : index
      %get3A_55 = vector.load %arg6[%get3A_53, %get3A_54] : memref<128x128xf32, #tpu.memory_space<vmem>>, vector<128x128xf32>
      %dot_general3A_56 = arith.constant dense<0.000000e+00> : vector<1024x128xf32>
      %dot_general3A_57 = tpu.matmul %mul3A_52, %get3A_55, %dot_general3A_56 {dimension_numbers = #tpu.dot_dimension_numbers<[1], [0], [0], [1], [0, 0, 1, 1], [], []>, transpose_lhs_hint = false} : vector<1024x128xf32>, vector<128x128xf32>, vector<1024x128xf32> -> vector<1024x128xf32>
      %get3A_58 = arith.constant 0 : index
      %get3A_59 = arith.constant 0 : index
      %get3A_60 = vector.load %arg7[%get3A_58, %get3A_59] : memref<1x128xf32, #tpu.memory_space<vmem>>, vector<1x128xf32>
      %add3A_61 = vector.broadcast %get3A_60 : vector<1x128xf32> to vector<1024x128xf32>
      %add3A_62 = arith.addf %dot_general3A_57, %add3A_61 : vector<1024x128xf32>
      %max3A_63 = arith.constant 0.000000e+00 : f32
      %max3A_64 = vector.broadcast %max3A_63 : f32 to vector<1024x128xf32>
      %max3A_65 = arith.maximumf %add3A_62, %max3A_64 : vector<1024x128xf32>
      %get3A_66 = arith.constant 0 : index
      %get3A_67 = arith.constant 0 : index
      %get3A_68 = vector.load %arg8[%get3A_66, %get3A_67] : memref<128x32xf32, #tpu.memory_space<vmem>>, vector<128x32xf32>
      %dot_general3A_69 = arith.constant dense<0.000000e+00> : vector<1024x32xf32>
      %dot_general3A_70 = tpu.matmul %max3A_65, %get3A_68, %dot_general3A_69 {dimension_numbers = #tpu.dot_dimension_numbers<[1], [0], [0], [1], [0, 0, 1, 1], [], []>, transpose_lhs_hint = false} : vector<1024x128xf32>, vector<128x32xf32>, vector<1024x32xf32> -> vector<1024x32xf32>
      %get3A_71 = arith.constant 0 : index
      %get3A_72 = arith.constant 0 : index
      %get3A_73 = vector.load %arg9[%get3A_71, %get3A_72] : memref<1x32xf32, #tpu.memory_space<vmem>>, vector<1x32xf32>
      %add3A_74 = vector.broadcast %get3A_73 : vector<1x32xf32> to vector<1024x32xf32>
      %add3A_75 = arith.addf %dot_general3A_70, %add3A_74 : vector<1024x32xf32>
      %logistic3A = arith.negf %add3A_75 : vector<1024x32xf32>
      %logistic3A_76 = math.exp %logistic3A : vector<1024x32xf32>
      %logistic3A_77 = arith.constant 1.000000e+00 : f32
      %logistic3A_78 = vector.broadcast %logistic3A_77 : f32 to vector<1024x32xf32>
      %logistic3A_79 = arith.addf %logistic3A_78, %logistic3A_76 : vector<1024x32xf32>
      %logistic3A_80 = arith.divf %logistic3A_78, %logistic3A_79 : vector<1024x32xf32>
      %swap3A = arith.constant 0 : index
      %swap3A_81 = arith.constant 0 : index
      %swap3A_82 = arith.constant 0 : index
      %swap3A_83 = vector.load %arg10[%swap3A, %swap3A_81, %swap3A_82] : memref<1x1024x32xf32, #tpu.memory_space<vmem>>, vector<1x1024x32xf32>
      %swap3A_84 = vector.shape_cast %swap3A_83 : vector<1x1024x32xf32> to vector<1024x32xf32>
      %swap3A_85 = vector.shape_cast %logistic3A_80 : vector<1024x32xf32> to vector<1x1024x32xf32>
      tpu.vector_store %arg10[%swap3A, %swap3A_81, %swap3A_82], %swap3A_85 {strides = array<i32>} : memref<1x1024x32xf32, #tpu.memory_space<vmem>>, vector<1x1024x32xf32>,
    } else {
    }
    return
  }
  func.func @transform_0(%arg0: i32) -> (i32, i32, i32) {
    %rem3A = arith.constant 10 : i32
    %rem3A_0 = arith.remsi %arg0, %rem3A : i32
    %c0_i32 = arith.constant 0 : i32
    %c0_i32_1 = arith.constant 0 : i32
    %c0_i32_2 = arith.constant 0 : i32
    return %c0_i32, %rem3A_0, %c0_i32_1 : i32, i32, i32
  }
  func.func @transform_1(%arg0: i32) -> (i32, i32) {
    %rem3A = arith.constant 10 : i32
    %rem3A_0 = arith.remsi %arg0, %rem3A : i32
    %c0_i32 = arith.constant 0 : i32
    %c0_i32_1 = arith.constant 0 : i32
    return %rem3A_0, %c0_i32 : i32, i32
  }
  func.func @transform_2(%arg0: i32) -> (i32, i32) {
    %rem3A = arith.constant 10 : i32
    %rem3A_0 = arith.remsi %arg0, %rem3A : i32
    %c0_i32 = arith.constant 0 : i32
    %c0_i32_1 = arith.constant 0 : i32
    return %rem3A_0, %c0_i32 : i32, i32
  }
  func.func @transform_3(%arg0: i32) -> (i32, i32) {
    %rem3A = arith.constant 10 : i32
    %rem3A_0 = arith.remsi %arg0, %rem3A : i32
    %c0_i32 = arith.constant 0 : i32
    %c0_i32_1 = arith.constant 0 : i32
    return %rem3A_0, %c0_i32 : i32, i32
  }
  func.func @transform_4(%arg0: i32) -> (i32, i32) {
    %rem3A = arith.constant 10 : i32
    %rem3A_0 = arith.remsi %arg0, %rem3A : i32
    %c0_i32 = arith.constant 0 : i32
    %c0_i32_1 = arith.constant 0 : i32
    return %rem3A_0, %c0_i32 : i32, i32
  }
  func.func @transform_5(%arg0: i32) -> (i32, i32) {
    %c0_i32 = arith.constant 0 : i32
    %c0_i32_0 = arith.constant 0 : i32
    %c0_i32_1 = arith.constant 0 : i32
    return %c0_i32, %c0_i32_0 : i32, i32
  }
  func.func @transform_6(%arg0: i32) -> (i32, i32) {
    %c0_i32 = arith.constant 0 : i32
    %c0_i32_0 = arith.constant 0 : i32
    %c0_i32_1 = arith.constant 0 : i32
    return %c0_i32, %c0_i32_0 : i32, i32
  }
  func.func @transform_7(%arg0: i32) -> (i32, i32) {
    %c0_i32 = arith.constant 0 : i32
    %c0_i32_0 = arith.constant 0 : i32
    %c0_i32_1 = arith.constant 0 : i32
    return %c0_i32, %c0_i32_0 : i32, i32
  }
  func.func @transform_8(%arg0: i32) -> (i32, i32) {
    %c0_i32 = arith.constant 0 : i32
    %c0_i32_0 = arith.constant 0 : i32
    %c0_i32_1 = arith.constant 0 : i32
    return %c0_i32, %c0_i32_0 : i32, i32
  }
  func.func @transform_9(%arg0: i32) -> (i32, i32, i32) {
    %jit3A = arith.constant 10 : i32
    %div3A = arith.divsi %arg0, %jit3A : i32
    %sign3A = arith.constant 0 : i32
    %sign3A_0 = arith.cmpi sgt, %arg0, %sign3A : i32
    %sign3A_1 = arith.extui %sign3A_0 : i1 to i32
    %sign3A_2 = arith.constant 0 : i32
    %sign3A_3 = arith.cmpi slt, %arg0, %sign3A_2 : i32
    %sign3A_4 = arith.extui %sign3A_3 : i1 to i32
    %sign3A_5 = arith.subi %sign3A_1, %sign3A_4 : i32
    %sign3A_6 = arith.constant 0 : i32
    %sign3A_7 = arith.cmpi sgt, %jit3A, %sign3A_6 : i32
    %sign3A_8 = arith.extui %sign3A_7 : i1 to i32
    %sign3A_9 = arith.constant 0 : i32
    %sign3A_10 = arith.cmpi slt, %jit3A, %sign3A_9 : i32
    %sign3A_11 = arith.extui %sign3A_10 : i1 to i32
    %sign3A_12 = arith.subi %sign3A_8, %sign3A_11 : i32
    %ne3A = arith.cmpi ne, %sign3A_5, %sign3A_12 : i32
    %rem3A = arith.remsi %arg0, %jit3A : i32
    %ne3A_13 = arith.constant 0 : i32
    %ne3A_14 = arith.cmpi ne, %rem3A, %ne3A_13 : i32
    %and3A = arith.andi %ne3A, %ne3A_14 : i1
    %sub3A = arith.constant 1 : i32
    %sub3A_15 = arith.subi %div3A, %sub3A : i32
    %select_n3A = arith.select %and3A, %sub3A_15, %div3A : i32
    %rem3A_16 = arith.constant 10 : i32
    %rem3A_17 = arith.remsi %arg0, %rem3A_16 : i32
    %c0_i32 = arith.constant 0 : i32
    %c0_i32_18 = arith.constant 0 : i32
    return %select_n3A, %rem3A_17, %c0_i32 : i32, i32, i32
  }
}

</mosaic_0001>

<sc_bundles>
// kernel: kernel.11.cloned.1.call-start
scs
__scs_entry_jumppad:
0x0: {  	(pc) =	sbr.rel $0x88, $3  }
0x1: {  	(tag) =	ssettag $0x0;
	lr =	simm.s32 $0x1  }
0x2: {  	[smem:$0x3F99] =	sst lr;
	_ =	strace $0xD0000000  }
0x3: {  	_ = 	snop  }
0x4: {  	_ = 	snop  }
0x5: {  	_ = 	snop  }
0x6: {  	_ = 	snop  }
0x7: {  	_ = 	snop  }
__scs_overlays_trampoline_lowered:
0x8: {  	[smem:$0x3FA8] =	sst s0  }
0x9: {  	[smem:$0x3FA9] =	sst s1  }
0xa: {  	[smem:$0x3FAA] =	sst s2  }
0xb: {  	[smem:$0x3FAB] =	sst s3  }
0xc: {  	[smem:$0x3FAC] =	sst s4  }
0xd: {  	[smem:$0x3FAD] =	sst s5  }
0xe: {  	[smem:$0x3FAE] =	sst s6  }
0xf: {  	[smem:$0x3FAF] =	sst s7  }
0x10: {  	[smem:$0x3FB0] =	sst s8  }
0x11: {  	[smem:$0x3FB1] =	sst s9;
	s0 =	simm.s32 @!p0 $0x0  }
0x12: {  	s1 =	sld [smem:$0x3F97];
	s0 =	simm.s32 @p0 $0x1  }
0x13: {  	[smem:$0x3FB2] =	sst s0;
	s0 =	simm.s32 @!p1 $0x0  }
0x14: {  	s2 =	sld [smem:$0x3F96];
	s0 =	simm.s32 @p1 $0x1  }
0x15: {  	[smem:$0x3FB3] =	sst s0;
	s0 =	simm.s32 @!p2 $0x0  }
0x16: {  	s3 =	sld [smem:$0x3FDB];
	s0 =	simm.s32 @p2 $0x1  }
0x17: {  	s4 =	simm.s32 $0x1BF5;
	[smem:$0x3FB5] =	sst s0  }
0x18: {  	s0 =	sld [smem:$0x3F98];
	_ =	swait.ge [sflag:s4], $0x0  }
0x19: {  	s7 =	sld [smem:$0x3F99]  }
0x1a: {  	s8 =	sadd.s32 $0xFFFFE003, lr  }
0x1b: {  	s9 =	sadd.s32 $0xFFFFFEF7, lr;
	s5 =	simm.s32 $0xFFFFFFFF;
	p2 =	slt.u32 s8, $0xFFFFF086  }
0x1c: {  	p1 =	slt.u32 s9, $0xF7A;
	s5 =	simm.s32 @!p2 $0x0  }
0x1d: {  	s5 =	simm.s32 @p1 $0x1;
	p0 =	seq.s32 s7, s2  }
0x1e: {  	s7 =	smul.u32 @!p0 $0xF7A, s2;
	p2 =	seq.s32 @!p0 s5, $0x0  }
0x1f: {  	s9 =	smul.u32 $0xF7A, s1;
	s8 =	simm.s32 @!p0 $0x1BF5;
	p2 =	por !p2, p0  }
0x20: {  	[sflag:s8] =	ssyncset.s32 @!p0 $0xFFFFF086;
	s6 =	sadd.s32 @!p0 s3, s7;
	s7 =	simm.s32 @!p0 $0x108  }
0x21: {  	s3 =	sadd.s32 s3, s9;
	s6 =	sadd.s32 @!p0 $0x88, s6;
	s7 =	simm.s32 @p2 $0x1082  }
0x22: {  	[simem:s7], [sflag:s8] =	dma.local @!p0 [hbm:s6], $0xF7A  }
0x23: {  	s9 =	sor.u32 $0xD0000000, s2;
	s6 =	simm.s32 $0x108;
	_ =	swait.ge @!p0 [sflag:s8], $0x0  }
0x24: {  	s3 =	sadd.s32 $0x88, s3;
	s6 =	simm.s32 @!p1 $0x1082;
	[sflag:s4] =	ssyncset.s32 $0xFFFFF086  }
0x25: {  	[simem:s6], [sflag:s4] =	dma.local [hbm:s3], $0xF7A  }
0x26: {  	[smem:$0x3F99] =	sst s1;
	(tag) =	ssettag s2;
	_ =	strace s9  }
0x27: {  	s1 =	sld [smem:$0x3FA9]  }
0x28: {  	s2 =	sld [smem:$0x3FAA]  }
0x29: {  	s4 =	sld [smem:$0x3FAC]  }
0x2a: {  	p0 =	seq.s32 s5, $0x0;
	s5 =	sld [smem:$0x3FAD]  }
0x2b: {  	s6 =	sld [smem:$0x3FAE]  }
0x2c: {  	s7 =	sld [smem:$0x3FAF]  }
0x2d: {  	s3 =	simm.s32 $0x108;
	s8 =	sld [smem:$0x3FB0]  }
0x2e: {  	s3 =	simm.s32 @!p0 $0x1082;
	s9 =	sld [smem:$0x3FB1]  }
0x2f: {  	lr =	sadd.s32 s0, s3;
	s0 =	sld [smem:$0x3FA8]  }
0x30: {  	s3 =	sld [smem:$0x3FAB]  }
0x31: {  	[smem:$0x3FB4] =	sst s10  }
0x32: {  	s10 =	sld [smem:$0x3FB2];
	_ =	sdelay $0x3  }
0x33: {  	p0 =	seq.s32 s10, $0x1;
	s10 =	sld [smem:$0x3FB4];
	_ =	sdelay $0x3  }
0x34: {  	[smem:$0x3FB4] =	sst s10  }
0x35: {  	s10 =	sld [smem:$0x3FB3];
	_ =	sdelay $0x3  }
0x36: {  	p1 =	seq.s32 s10, $0x1;
	s10 =	sld [smem:$0x3FB4];
	_ =	sdelay $0x3  }
0x37: {  	[smem:$0x3FB4] =	sst s10  }
0x38: {  	s10 =	sld [smem:$0x3FB5]  }
0x39: {  	_ = 	snop;
	(pc) =	sbr.ind lr, $3  }
0x3a: {  	_ = 	snop  }
0x3b: {  	_ = 	snop  }
0x3c: {  	p2 =	seq.s32 s10, $0x1;
	s10 =	sld [smem:$0x3FB4]  }
0x3d: {  	_ =	shalt  }
0x3e: {  	_ =	shalt  }
0x3f: {  	_ =	shalt  }
0x40: {  	_ =	shalt  }
0x41: {  	_ =	shalt  }
0x42: {  	_ =	shalt  }
0x43: {  	_ =	shalt  }
0x44: {  	_ =	shalt  }
0x45: {  	_ =	shalt  }
0x46: {  	_ =	shalt  }
0x47: {  	_ =	shalt  }
0x48: {  	_ =	shalt  }
0x49: {  	_ =	shalt  }
0x4a: {  	_ =	shalt  }
0x4b: {  	_ =	shalt  }
0x4c: {  	_ =	shalt  }
0x4d: {  	_ =	shalt  }
0x4e: {  	_ =	shalt  }
0x4f: {  	_ =	shalt  }
0x50: {  	_ =	shalt  }
0x51: {  	_ =	shalt  }
0x52: {  	_ =	shalt  }
0x53: {  	_ =	shalt  }
0x54: {  	_ =	shalt  }
0x55: {  	_ =	shalt  }
0x56: {  	_ =	shalt  }
0x57: {  	_ =	shalt  }
0x58: {  	_ =	shalt  }
0x59: {  	_ =	shalt  }
0x5a: {  	_ =	shalt  }
0x5b: {  	_ =	shalt  }
0x5c: {  	_ =	shalt  }
0x5d: {  	_ =	shalt  }
0x5e: {  	_ =	shalt  }
0x5f: {  	_ =	shalt  }
0x60: {  	_ =	shalt  }
0x61: {  	_ =	shalt  }
0x62: {  	_ =	shalt  }
0x63: {  	_ =	shalt  }
0x64: {  	_ =	shalt  }
0x65: {  	_ =	shalt  }
0x66: {  	_ =	shalt  }
0x67: {  	_ =	shalt  }
0x68: {  	_ =	shalt  }
0x69: {  	_ =	shalt  }
0x6a: {  	_ =	shalt  }
0x6b: {  	_ =	shalt  }
0x6c: {  	_ =	shalt  }
0x6d: {  	_ =	shalt  }
0x6e: {  	_ =	shalt  }
0x6f: {  	_ =	shalt  }
0x70: {  	_ =	shalt  }
0x71: {  	_ =	shalt  }
0x72: {  	_ =	shalt  }
0x73: {  	_ =	shalt  }
0x74: {  	_ =	shalt  }
0x75: {  	_ =	shalt  }
0x76: {  	_ =	shalt  }
0x77: {  	_ =	shalt  }
0x78: {  	_ =	shalt  }
0x79: {  	_ =	shalt  }
0x7a: {  	_ =	shalt  }
0x7b: {  	_ =	shalt  }
0x7c: {  	_ =	shalt  }
0x7d: {  	_ =	shalt  }
0x7e: {  	_ =	shalt  }
0x7f: {  	_ =	shalt  }
0x80: {  	_ =	shalt  }
0x81: {  	_ =	shalt  }
0x82: {  	_ =	shalt  }
0x83: {  	_ =	shalt  }
0x84: {  	_ =	shalt  }
0x85: {  	_ =	shalt  }
0x86: {  	_ =	shalt  }
0x87: {  	_ =	shalt  }
.Lfunc_end0:
.L_simem_size_0:
called_computation.1_lowered:
.L_overlay_start_0:
0x88: {  	s2 =	sld [smem:$0x3FD9]  }
0x89: {  	s3 =	sld [smem:$0x3FFE];
	_ =	sdelay $0x1  }
0x8a: {  	s1 =	srdreg.scid  }
0x8b: {  	s0 =	sand.u32 $0x1, s1  }
0x8c: {  	s17 =	sshll.u32 s0, $0xA;
	s2 =	sadd.s32 s3, s2  }
0x8d: {  	s2 =	sadd.s32 s2, s17  }
0x8e: {  	[smem:$0x3FC0] =	sst s2  }
0x8f: {  	_ = 	snop  }
0x90: {  	s2 =	sld [smem:$0x3FD0];
	(tm) =	ssettm $0x1  }
0x91: {  	s18 =	sld [smem:$0x3FFB];
	_ =	sdelay $0x3  }
0x92: {  	_ =	strace s18  }
0x93: {  	s3 =	sld [smem:$0x3FFC];
	_ =	sdelay $0x3  }
0x94: {  	_ =	strace s3  }
0x95: {  	s3 =	sld [smem:$0x3FFD];
	_ =	sdelay $0x3  }
0x96: {  	_ =	strace s3  }
0x97: {  	_ =	strace $0x8FFFFFFF  }
0x98: {  	s19 =	sld [smem:$0x3FDB];
	_ =	sdelay $0x1  }
0x99: {  	s4 =	simm.s32 $_scs_section_size  }
0x9a: {  	s5 =	simm.s32 $_size__tile_overlayer_lowered;
	s6 =	simm.s32 $_tile_overlayer_lowered  }
0x9b: {  	s22 =	simm.s32 $0x1BFF;
	s21 =	sshll.u32 s6, $0x1;
	s3 =	sadd.s32 s4, s19  }
0x9c: {  	s7 =	simm.s32 $0x0;
	s20 =	sshll.u32 s5, $0x1;
	s5 =	sadd.s32 s21, s3  }
0x9d: {  	[timem:s7], [sflag:s22] =	dma.local [hbm:s5], s20  }
0x9e: {  	_ =	swait.ge [sflag:s22], s20  }
0x9f: {  	s4 =	ssub.s32 $0x0, s20;
	[sflag:s22] =	ssyncset.done $0x0  }
0xa0: {  	[sflag:s22] =	ssyncadd.s32 s4;
	_ =	sdelay $0x1  }
0xa1: {  	s23 =	simm.s32 $0x1B8B  }
0xa2: {  	_ =	swait.ge [sflag:s23], $0x1  }
0xa3: {  	[sflag:s23] =	ssyncset.done $0x0  }
0xa4: {  	s25 =	simm.s32 $0x1B8E;
	s24 =	sld [smem:$0x3FFE];
	[sflag:s23] =	ssyncadd.s32 $0xFFFFFFFF  }
0xa5: {  	s26 =	simm.s32 $execute0_lowered;
	[smem:$0x3FD2] =	sst s25  }
0xa6: {  	s5 =	sshll.u32 s26, $0x1;
	_ =	strace $0x80000049;
	[dreg:$0x1] =	wrdreg $0xFFFFFFFF  }
0xa7: {  	s28 =	simm.s32 $_size_execute0_lowered;
	s3 =	sadd.s32 s3, s5;
	[dreg:$0x0] =	wrdreg $0x0  }
0xa8: {  	s5 =	sshll.u32 s28, $0x1;
	[dreg:$0x2] =	wrdreg s3  }
0xa9: {  	[dreg:$0x3] =	wrdreg s5  }
0xaa: {  	[dreg:$0x4] =	wrdreg $0xC0  }
0xab: {  	_ =	task [dreg:s7], $0x5FFFF  }
0xac: {  	[dreg:$0x1] =	wrdreg $0xFFFFFFFF  }
0xad: {  	[dreg:$0x0] =	wrdreg $0x60  }
0xae: {  	[dreg:$0x2] =	wrdreg s24  }
0xaf: {  	[dreg:$0x3] =	wrdreg s2  }
0xb0: {  	[dreg:$0x4] =	wrdreg $0x84000  }
0xb1: {  	[dreg:$0x5] =	wrdreg $0x9  }
0xb2: {  	_ =	task.clear_ibuf [dreg:s7], $0x6FFFF;
	_ =	strace $0x90000049  }
0xb3: {  	s29 =	simm.s32 $0x9;
	_ =	strace $0x8000004B  }
0xb4: {  	_ =	swait.ge [sflag:s29], $0x1  }
0xb5: {  	[sflag:s29] =	ssyncadd.s32 $0xFFFFFFFF  }
0xb6: {  	_ =	strace $0x9000004B  }
0xb7: {  	_ =	sfence  }
0xb8: {  	s30 =	sld [smem:$0x0];
	_ =	sdelay $0x2  }
0xb9: {  	s31 =	sshll.u32 s1, $0xD;
	s1 =	sshrl.u32 s1, $0x2  }
0xba: {  	s3 =	sand.u32 $0x4000, s31;
	s1 =	sadd.s32 s1, s30  }
0xbb: {  	s0 =	sor.u32 s3, s0;
	s1 =	sshll.u32 s1, $0x11  }
0xbc: {  	s0 =	sor.u32 s1, s0  }
0xbd: {  	s0 =	sadd.s32 $0x8F2B, s0  }
0xbe: {  	[sflag:s0] =	ssyncadd.remote.s32 $0x1  }
0xbf: {  	_ =	sfence.sel $0xFFFF  }
0xc0: {  	[dreg:$0x0] =	wrdreg $0xFFFFFFFF;
	(pc) =	sbr.abs _section_cstart, $3  }
0xc1: {  	[dreg:$0x1] =	wrdreg $0xFFFFFFFF  }
0xc2: {  	_ =	task.clear_ibuf [dreg:s7], $0x2FFFF;
	_ =	strace $0x9FFFFFFF  }
0xc3: {  	(tm) =	ssettm $0x7FFFFFFF  }
tec
execute0_lowered:
.L_overlay_start_1:
0x0: {  	(tag) =	ssettag $0x1  }
0x1: {  	s0 =	rddreg [dreg:$0x0]  }
0x2: {  	s2 =	rddreg [dreg:$0x2];
	s4 =	simm.s32 $0x0;
	s1 =	srdreg.scid  }
0x3: {  	s9 =	stileid.u32;
	s28 =	simm.s32 $0x100;
	s29 =	simm.s32 $0x1  }
0x4: {  	s30 =	simm.s32 $0x80;
	s31 =	simm.s32 $0x4400;
	[smem:$0x7FF] =	sst s4  }
0x5: {  	s1 =	sand.u32 $0x1, s1;
	s7 =	smul.u32 $0x50000, s9;
	s5 =	sadd.s32 $0x2800, s0  }
0x6: {  	s14 =	smul.u32 $0x14000, s9;
	s6 =	sadd.s32 $0x16800, s0;
	s0 =	sadd.s32 $0x3E800, s0  }
0x7: {  	s22 =	sshll.u32 s9, $0x1;
	_ =	strace $0x8000004A;
	s3 =	ssub.s32 $0x2, s1  }
0x8: {  	s9 =	sor.u32 s1, s22;
	s1 =	smul.u32 $0x140000, s1;
	s8 =	sshrl.u32 s3, $0x1  }
0x9: {  	s7 =	sshrl.u32 s7, $0x2;
	s15 =	sadd.s32 $0x4000, s14;
	s16 =	sadd.s32 $0x8000, s14  }
0xa: {  	s17 =	sadd.s32 $0xC000, s14;
	s9 =	smul.u32 $0x2800, s9;
	s18 =	sadd.s32 $0x10000, s14  }
0xb: {  	s3 =	ssub.s32 s3, s8;
	s21 =	sadd.s32 s7, s2;
	s22 =	sadd.s32 s15, s2  }
0xc: {  	s10 =	sadd.s32 s16, s2;
	s11 =	sadd.s32 s17, s2;
	s13 =	sadd.s32 s18, s2  }
0xd: {  	s14 =	sadd.s32 s14, s1;
	s15 =	sadd.s32 s1, s15;
	s20 =	sadd.s32 s1, s16  }
0xe: {  	s16 =	simm.s32 $0x5;
	s19 =	sshrl.u32 s9, $0x3;
	s12 =	sadd.s32 $0x50000, s9  }
0xf: {  	s14 =	sshrl.u32 s14, $0x3;
	s15 =	sshrl.u32 s15, $0x3;
	[dreg:$0x4] =	wrdreg s21  }
0x10: {  	s23 =	sadd.s32 s5, s19;
	s24 =	sshrl.u32 s12, $0x3;
	s14 =	sadd.s32 s0, s14  }
0x11: {  	s19 =	sadd.s32 s0, s15;
	s25 =	sadd.s32 s5, s24;
	[dreg:$0x5] =	wrdreg s23  }
0x12: {  	s26 =	sadd.s32 $0x20, s23;
	s7 =	sadd.s32 $0xA020, s23;
	[dreg:$0x9] =	wrdreg s14  }
0x13: {  	[dreg:$0xa] =	wrdreg s19;
	s23 =	sadd.s32 s1, s17;
	s1 =	sadd.s32 s1, s18  }
0x14: {  	s14 =	sshrl.u32 s20, $0x3;
	s17 =	simm.s32 $0x6;
	[dreg:$0x6] =	wrdreg s25  }
0x15: {  	s18 =	simm.s32 $0x180;
	s19 =	simm.s32 $0x300;
	[dreg:$0x7] =	wrdreg s26  }
0x16: {  	s20 =	simm.s32 $0x0;
	[dreg:$0x8] =	wrdreg s7;
	s15 =	sshrl.u32 s23, $0x3  }
0x17: {  	s1 =	sshrl.u32 s1, $0x3;
	s24 =	sadd.s32 s0, s14;
	s26 =	smax.u32 s3, $0x1  }
.Ltmp0:
0x18: {  	s3 =	simm.s32 $0x280;
	s14 =	simm.s32 $0x380;
	(pc) =	sbr.rel .LBB2_1-.Ltmp0, $4  }
0x19: {  	[dreg:$0xb] =	wrdreg s24;
	s25 =	sadd.s32 s0, s15;
	s0 =	sadd.s32 s0, s1  }
0x1a: {  	[dreg:$0xe] =	wrdreg s26;
	s24 =	simm.s32 $0x400;
	s26 =	simm.s32 $0x200  }
0x1b: {  	s1 =	simm.s32 $0x4;
	s15 =	simm.s32 $0x2;
	[dreg:$0xc] =	wrdreg s25  }
0x1c: {  	[dreg:$0xd] =	wrdreg s0;
	s25 =	simm.s32 $0x7;
	s0 =	simm.s32 $0x3  }
.LBB2_4:
0x1d: {  	_ =	swait.ge [sflag:s0], $0x4000  }
0x1e: {  	[sflag:s0] =	ssyncset.done $0x0  }
0x1f: {  	[sflag:s0] =	ssyncadd.s32 $0xFFFFC000  }
0x20: {  	[spmem:s2] =	stream.indirect.scatter.add.f32 [tilespmem:s24], [sflag:$0x5], $0x80, s19, s30, $0xb8;
	[tilespmem:$0x1C400] =	vst v63  }
0x21: {  	_ =	swait.ge [sflag:s1], $0x4000  }
0x22: {  	[sflag:s1] =	ssyncset.done $0x0  }
0x23: {  	[sflag:s1] =	ssyncadd.s32 $0xFFFFC000  }
0x24: {  	[spmem:s2] =	stream.indirect.scatter.add.f32 [tilespmem:s31], [sflag:$0x6], $0x80, s14, s30, $0xb8;
	[tilespmem:$0x1C400] =	vst v63  }
0x25: {  	_ =	swait.ge [sflag:s16], $0x4000  }
0x26: {  	[sflag:s16] =	ssyncset.done $0x0  }
0x27: {  	[sflag:s16] =	ssyncadd.s32 $0xFFFFC000  }
0x28: {  	_ =	swait.ge [sflag:s17], $0x4000  }
0x29: {  	[sflag:s17] =	ssyncset.done $0x0  }
0x2a: {  	[sflag:s17] =	ssyncadd.s32 $0xFFFFC000  }
0x2b: {  	s7 =	stileid.u32;
	[bflag:$0x0] =	sbarrier.arrive $0xFFFF  }
0x2c: {  	s7 =	sshll.u32 s7, $0x6;
	s8 =	rddreg [dreg:$0x4]  }
0x2d: {  	s7 =	sor.u32 $0x1C07, s7;
	s23 =	rddreg [dreg:$0x9];
	s21 =	sshrl.u32 s8, $0x3  }
0x2e: {  	[hbm:s23], [sflag:s7] =	dma.local [spmem:s21], $0x800  }
0x2f: {  	_ =	swait.ge [sflag:s25], $0x800  }
0x30: {  	[sflag:s25] =	ssyncset.done $0x0  }
0x31: {  	s21 =	sshrl.u32 s22, $0x3;
	s23 =	rddreg [dreg:$0xa];
	[sflag:s25] =	ssyncadd.s32 $0xFFFFF800  }
0x32: {  	[hbm:s23], [sflag:s7] =	dma.local [spmem:s21], $0x800  }
0x33: {  	_ =	swait.ge [sflag:s25], $0x800  }
0x34: {  	[sflag:s25] =	ssyncset.done $0x0  }
0x35: {  	s21 =	sshrl.u32 s10, $0x3;
	s23 =	rddreg [dreg:$0xb];
	[sflag:s25] =	ssyncadd.s32 $0xFFFFF800  }
0x36: {  	[hbm:s23], [sflag:s7] =	dma.local [spmem:s21], $0x800  }
0x37: {  	_ =	swait.ge [sflag:s25], $0x800  }
0x38: {  	[sflag:s25] =	ssyncset.done $0x0  }
0x39: {  	s21 =	sshrl.u32 s11, $0x3;
	s23 =	rddreg [dreg:$0xc];
	[sflag:s25] =	ssyncadd.s32 $0xFFFFF800  }
0x3a: {  	[hbm:s23], [sflag:s7] =	dma.local [spmem:s21], $0x800  }
0x3b: {  	_ =	swait.ge [sflag:s25], $0x800  }
0x3c: {  	[sflag:s25] =	ssyncset.done $0x0  }
0x3d: {  	s21 =	sshrl.u32 s13, $0x3;
	s23 =	rddreg [dreg:$0xd];
	[sflag:s25] =	ssyncadd.s32 $0xFFFFF800  }
0x3e: {  	[hbm:s23], [sflag:s7] =	dma.local [spmem:s21], $0x800  }
0x3f: {  	_ =	swait.ge [sflag:s25], $0x800  }
0x40: {  	s20 =	sadd.s32 $0x1, s20;
	s23 =	rddreg [dreg:$0xe]  }
0x41: {  	p0 =	sne.s32 s20, s23  }
.Ltmp1:
0x42: {  	_ = 	snop;
	(pc) =	sbr.rel @!p0 .LBB2_5-.Ltmp1, $3  }
0x43: {  	_ =	sdelay $0x1  }
0x44: {  	[sflag:s25] =	ssyncset.done $0x0  }
0x45: {  	s21 =	smov.u32 s8;
	[sflag:s25] =	ssyncadd.s32 $0xFFFFF800  }
.LBB2_1:
0x46: {  	s7 =	rddreg [dreg:$0x1]  }
0x47: {  	[tilespmem:s24], [sflag:$0x7] =	stream.linear.gather [hbm4b:s7+s4], $0x4000, $0x38;
	[tilespmem:$0x1C400] =	vst v63  }
0x48: {  	_ =	swait.ge [sflag:s25], $0x4000  }
0x49: {  	[sflag:s25] =	ssyncset.done $0x0  }
0x4a: {  	[sflag:s25] =	ssyncadd.s32 $0xFFFFC000  }
0x4b: {  	[spmem:s21] =	stream.linear.scatter [tilespmem:s24], [sflag:$0x7], $0x4000, $0x38;
	[tilespmem:$0x1C400] =	vst v63  }
0x4c: {  	_ =	swait.ge [sflag:s25], $0x4000  }
0x4d: {  	[sflag:s25] =	ssyncset.done $0x0  }
0x4e: {  	[sflag:s25] =	ssyncadd.s32 $0xFFFFC000  }
0x4f: {  	[spmem:s22] =	stream.linear.scatter [tilespmem:s24], [sflag:$0x7], $0x4000, $0x38;
	[tilespmem:$0x1C400] =	vst v63  }
0x50: {  	_ =	swait.ge [sflag:s25], $0x4000  }
0x51: {  	[sflag:s25] =	ssyncset.done $0x0  }
0x52: {  	[sflag:s25] =	ssyncadd.s32 $0xFFFFC000  }
0x53: {  	[spmem:s10] =	stream.linear.scatter [tilespmem:s24], [sflag:$0x7], $0x4000, $0x38;
	[tilespmem:$0x1C400] =	vst v63  }
0x54: {  	_ =	swait.ge [sflag:s25], $0x4000  }
0x55: {  	[sflag:s25] =	ssyncset.done $0x0  }
0x56: {  	[sflag:s25] =	ssyncadd.s32 $0xFFFFC000  }
0x57: {  	[spmem:s11] =	stream.linear.scatter [tilespmem:s24], [sflag:$0x7], $0x4000, $0x38;
	[tilespmem:$0x1C400] =	vst v63  }
0x58: {  	_ =	swait.ge [sflag:s25], $0x4000  }
0x59: {  	[sflag:s25] =	ssyncset.done $0x0  }
0x5a: {  	[sflag:s25] =	ssyncadd.s32 $0xFFFFC000  }
0x5b: {  	[spmem:s13] =	stream.linear.scatter [tilespmem:s24], [sflag:$0x7], $0x4000, $0x38;
	[tilespmem:$0x1C400] =	vst v63  }
0x5c: {  	_ =	swait.ge [sflag:s25], $0x4000  }
0x5d: {  	[sflag:s25] =	ssyncset.done $0x0  }
0x5e: {  	[sflag:s25] =	ssyncadd.s32 $0xFFFFC000  }
0x5f: {  	[bflag:$0x0] =	sbarrier.arrive $0xFFFF  }
0x60: {  	s23 =	rddreg [dreg:$0x5]  }
0x61: {  	[tilespmem:s4], [sflag:$0x1] =	stream.linear.gather [hbm4b:s23+s4], $0x100, $0x38;
	[tilespmem:$0x1C400] =	vst v63  }
0x62: {  	s8 =	rddreg [dreg:$0x6]  }
0x63: {  	[tilespmem:s26], [sflag:$0x1] =	stream.linear.gather [hbm4b:s8+s4], $0x100, $0x38;
	[tilespmem:$0x1C400] =	vst v63  }
0x64: {  	s21 =	rddreg [dreg:$0x7]  }
0x65: {  	[tilespmem:s28], [sflag:$0x2] =	stream.linear.gather [hbm4b:s21+s4], $0x100, $0x38;
	[tilespmem:$0x1C400] =	vst v63  }
0x66: {  	s23 =	rddreg [dreg:$0x8]  }
0x67: {  	[tilespmem:s19], [sflag:$0x2] =	stream.linear.gather [hbm4b:s23+s4], $0x100, $0x38;
	[tilespmem:$0x1C400] =	vst v63  }
0x68: {  	_ =	swait.ge [sflag:s29], $0x100  }
0x69: {  	[sflag:s29] =	ssyncset.done $0x0  }
0x6a: {  	[sflag:s29] =	ssyncadd.s32 $0xFFFFFF00  }
0x6b: {  	_ =	swait.ge [sflag:s29], $0x100  }
0x6c: {  	[sflag:s29] =	ssyncset.done $0x0  }
0x6d: {  	[sflag:s29] =	ssyncadd.s32 $0xFFFFFF00  }
0x6e: {  	[tilespmem:s24], [sflag:$0x3] =	stream.indirect.gather [hbm4b:s6+s30], $0x80, s4, s30, $0xb8;
	[tilespmem:$0x1C400] =	vst v63  }
0x6f: {  	s21 =	simm.s32 $0x300  }
0x70: {  	[tilespmem:s31], [sflag:$0x4] =	stream.indirect.gather [hbm4b:s6+s30], $0x80, s30, s30, $0xb8;
	[tilespmem:$0x1C400] =	vst v63  }
.LBB2_2:
0x71: {  	_ =	swait.ge [sflag:s0], $0x4000  }
0x72: {  	[sflag:s0] =	ssyncset.done $0x0  }
0x73: {  	[sflag:s0] =	ssyncadd.s32 $0xFFFFC000  }
0x74: {  	[spmem:s2] =	stream.indirect.scatter.add.f32 [tilespmem:s24], [sflag:$0x5], $0x80, s26, s30, $0xb8;
	[tilespmem:$0x1C400] =	vst v63  }
0x75: {  	_ =	swait.ge [sflag:s1], $0x4000  }
0x76: {  	[sflag:s1] =	ssyncset.done $0x0  }
0x77: {  	[sflag:s1] =	ssyncadd.s32 $0xFFFFC000  }
0x78: {  	[spmem:s2] =	stream.indirect.scatter.add.f32 [tilespmem:s31], [sflag:$0x6], $0x80, s3, s30, $0xb8;
	[tilespmem:$0x1C400] =	vst v63  }
0x79: {  	_ =	swait.ge [sflag:s15], $0x100  }
0x7a: {  	[sflag:s15] =	ssyncset.done $0x0  }
0x7b: {  	[sflag:s15] =	ssyncadd.s32 $0xFFFFFF00  }
0x7c: {  	_ =	swait.ge [sflag:s15], $0x100  }
0x7d: {  	[sflag:s15] =	ssyncset.done $0x0  }
0x7e: {  	[sflag:s15] =	ssyncadd.s32 $0xFFFFFF00  }
0x7f: {  	_ =	swait.ge [sflag:s16], $0x4000  }
0x80: {  	[sflag:s16] =	ssyncset.done $0x0  }
0x81: {  	p0 =	seq.s32 s21, $0x2900;
	[sflag:s16] =	ssyncadd.s32 $0xFFFFC000  }
0x82: {  	[tilespmem:s24], [sflag:$0x3] =	stream.indirect.gather [hbm4b:s6+s30], $0x80, s28, s30, $0xb8;
	[tilespmem:$0x1C400] =	vst v63  }
.Ltmp2:
0x83: {  	_ = 	snop;
	(pc) =	sbr.rel @p0 .LBB2_4-.Ltmp2, $4  }
0x84: {  	_ =	swait.ge [sflag:s17], $0x4000  }
0x85: {  	[sflag:s17] =	ssyncset.done $0x0  }
0x86: {  	[sflag:s17] =	ssyncadd.s32 $0xFFFFC000  }
0x87: {  	[tilespmem:s31], [sflag:$0x4] =	stream.indirect.gather [hbm4b:s6+s30], $0x80, s18, s30, $0xb8;
	[tilespmem:$0x1C400] =	vst v63  }
0x88: {  	s8 =	smov.u32 s13;
	s13 =	smov.u32 s11  }
0x89: {  	s11 =	smov.u32 s10;
	s10 =	smov.u32 s22;
	s22 =	sadd.s32 $0xFFFFFF00, s21  }
0x8a: {  	s23 =	sand.u32 $0x7C00, s22  }
0x8b: {  	s22 =	sand.u32 $0x200, s22;
	s7 =	sadd.s32 s9, s23  }
0x8c: {  	s7 =	sor.u32 s22, s7  }
0x8d: {  	s7 =	sshrl.u32 s7, $0x3  }
0x8e: {  	s23 =	sadd.s32 s12, s23;
	s7 =	sadd.s32 s5, s7  }
0x8f: {  	[tilespmem:s4], [sflag:$0x1] =	stream.linear.gather [hbm4b:s7+s4], $0x100, $0x38;
	[tilespmem:$0x1C400] =	vst v63  }
0x90: {  	s7 =	sor.u32 s22, s23  }
0x91: {  	s7 =	sshrl.u32 s7, $0x3  }
0x92: {  	s7 =	sadd.s32 s5, s7  }
0x93: {  	[tilespmem:s26], [sflag:$0x1] =	stream.linear.gather [hbm4b:s7+s4], $0x100, $0x38;
	[tilespmem:$0x1C400] =	vst v63  }
0x94: {  	_ =	swait.ge [sflag:s0], $0x4000  }
0x95: {  	[sflag:s0] =	ssyncset.done $0x0  }
0x96: {  	[sflag:s0] =	ssyncadd.s32 $0xFFFFC000  }
0x97: {  	[spmem:s2] =	stream.indirect.scatter.add.f32 [tilespmem:s24], [sflag:$0x5], $0x80, s19, s30, $0xb8;
	[tilespmem:$0x1C400] =	vst v63  }
0x98: {  	_ =	swait.ge [sflag:s1], $0x4000  }
0x99: {  	[sflag:s1] =	ssyncset.done $0x0  }
0x9a: {  	[sflag:s1] =	ssyncadd.s32 $0xFFFFC000  }
0x9b: {  	[spmem:s2] =	stream.indirect.scatter.add.f32 [tilespmem:s31], [sflag:$0x6], $0x80, s14, s30, $0xb8;
	[tilespmem:$0x1C400] =	vst v63  }
0x9c: {  	_ =	swait.ge [sflag:s29], $0x100  }
0x9d: {  	[sflag:s29] =	ssyncset.done $0x0  }
0x9e: {  	[sflag:s29] =	ssyncadd.s32 $0xFFFFFF00  }
0x9f: {  	_ =	swait.ge [sflag:s29], $0x100  }
0xa0: {  	[sflag:s29] =	ssyncset.done $0x0  }
0xa1: {  	[sflag:s29] =	ssyncadd.s32 $0xFFFFFF00  }
0xa2: {  	_ =	swait.ge [sflag:s16], $0x4000  }
0xa3: {  	[sflag:s16] =	ssyncset.done $0x0  }
0xa4: {  	s7 =	sand.u32 $0x7C00, s21;
	[sflag:s16] =	ssyncadd.s32 $0xFFFFC000  }
0xa5: {  	[tilespmem:s24], [sflag:$0x3] =	stream.indirect.gather [hbm4b:s6+s30], $0x80, s4, s30, $0xb8;
	[tilespmem:$0x1C400] =	vst v63  }
0xa6: {  	s23 =	sand.u32 $0x300, s21;
	s22 =	sadd.s32 s9, s7;
	_ =	swait.ge [sflag:s17], $0x4000  }
0xa7: {  	s7 =	sadd.s32 s12, s7;
	s22 =	sor.u32 s23, s22;
	[sflag:s17] =	ssyncset.done $0x0  }
0xa8: {  	s7 =	sor.u32 s23, s7;
	s22 =	sshrl.u32 s22, $0x3;
	[sflag:s17] =	ssyncadd.s32 $0xFFFFC000  }
0xa9: {  	[tilespmem:s31], [sflag:$0x4] =	stream.indirect.gather [hbm4b:s6+s30], $0x80, s30, s30, $0xb8;
	[tilespmem:$0x1C400] =	vst v63  }
.Ltmp3:
0xaa: {  	s7 =	sshrl.u32 s7, $0x3;
	s22 =	sadd.s32 s5, s22;
	(pc) =	sbr.rel .LBB2_2-.Ltmp3, $4  }
0xab: {  	[tilespmem:s28], [sflag:$0x2] =	stream.linear.gather [hbm4b:s22+s4], $0x100, $0x38;
	[tilespmem:$0x1C400] =	vst v63  }
0xac: {  	s21 =	sadd.s32 $0x200, s21;
	s7 =	sadd.s32 s5, s7;
	s22 =	smov.u32 s10  }
0xad: {  	s10 =	smov.u32 s11;
	s11 =	smov.u32 s13;
	s13 =	smov.u32 s8  }
0xae: {  	[tilespmem:s19], [sflag:$0x2] =	stream.linear.gather [hbm4b:s7+s4], $0x100, $0x38;
	[tilespmem:$0x1C400] =	vst v63  }
.LBB2_5:
0xaf: {  	_ =	sfence.sel $0x180000  }
0xb0: {  	[bflag:$0x0] =	sbarrier.arrive $0xFFFF  }
0xb1: {  	_ =	strace $0x9000004A  }
0xb2: {  	s0 =	stileid.u32;
	[bflag:$0x2] =	sbarrier.arrive $0xFFFF  }
0xb3: {  	p0 =	sne.s32 s0, $0x0;
	s0 =	rddreg [dreg:$0x3]  }
0xb4: {  	s0 =	sadd.s32 @!p0 $0x100000, s0  }
0xb5: {  	[sflag:s0] =	ssyncadd.tile.s32 @!p0 $0x1;
	_ =	shalt  }
.Lfunc_end2:
_tile_overlayer_lowered:
.L_overlay_start_2:
0xb6: {  	(tag) =	ssettag $0x2  }
0xb7: {  	s0 =	rddreg [dreg:$0x0];
	s2 =	stileid.u32  }
0xb8: {  	s1 =	rddreg [dreg:$0x1];
	p0 =	sne.s32 s2, $0x0  }
0xb9: {  	s3 =	rddreg [dreg:$0x2];
	[bflag:$0x3] =	sbarrier.arrive $0xFFFF;
	s2 =	simm.s32 @!p0 $0x1C07  }
0xba: {  	[timem:s3], [sflag:s2] =	dma.local @!p0 [hbm:s0], s1  }
0xbb: {  	s0 =	simm.s32 @!p0 $0x7  }
0xbc: {  	_ =	swait.ge @!p0 [sflag:s0], s1  }
0xbd: {  	s1 =	ssub.s32 @!p0 $0x0, s1;
	[sflag:s0] =	ssyncset.done @!p0 $0x0  }
0xbe: {  	[sflag:s0] =	ssyncadd.s32 @!p0 s1  }
0xbf: {  	[bflag:$0x3] =	sbarrier.arrive $0xFFFF  }
0xc0: {  	_ =	shalt  }

// kernel: kernel.14.cloned.1.call-start
scs
__scs_entry_jumppad:
0x0: {  	(pc) =	sbr.rel $0x88, $3  }
0x1: {  	(tag) =	ssettag $0x0;
	lr =	simm.s32 $0x1  }
0x2: {  	[smem:$0x3F99] =	sst lr;
	_ =	strace $0xD0000000  }
0x3: {  	_ = 	snop  }
0x4: {  	_ = 	snop  }
0x5: {  	_ = 	snop  }
0x6: {  	_ = 	snop  }
0x7: {  	_ = 	snop  }
__scs_overlays_trampoline_lowered:
0x8: {  	[smem:$0x3FA8] =	sst s0  }
0x9: {  	[smem:$0x3FA9] =	sst s1  }
0xa: {  	[smem:$0x3FAA] =	sst s2  }
0xb: {  	[smem:$0x3FAB] =	sst s3  }
0xc: {  	[smem:$0x3FAC] =	sst s4  }
0xd: {  	[smem:$0x3FAD] =	sst s5  }
0xe: {  	[smem:$0x3FAE] =	sst s6  }
0xf: {  	[smem:$0x3FAF] =	sst s7  }
0x10: {  	[smem:$0x3FB0] =	sst s8  }
0x11: {  	[smem:$0x3FB1] =	sst s9;
	s0 =	simm.s32 @!p0 $0x0  }
0x12: {  	s1 =	sld [smem:$0x3F97];
	s0 =	simm.s32 @p0 $0x1  }
0x13: {  	[smem:$0x3FB2] =	sst s0;
	s0 =	simm.s32 @!p1 $0x0  }
0x14: {  	s2 =	sld [smem:$0x3F96];
	s0 =	simm.s32 @p1 $0x1  }
0x15: {  	[smem:$0x3FB3] =	sst s0;
	s0 =	simm.s32 @!p2 $0x0  }
0x16: {  	s3 =	sld [smem:$0x3FDB];
	s0 =	simm.s32 @p2 $0x1  }
0x17: {  	s4 =	simm.s32 $0x1BF5;
	[smem:$0x3FB5] =	sst s0  }
0x18: {  	s0 =	sld [smem:$0x3F98];
	_ =	swait.ge [sflag:s4], $0x0  }
0x19: {  	s7 =	sld [smem:$0x3F99]  }
0x1a: {  	s8 =	sadd.s32 $0xFFFFE003, lr  }
0x1b: {  	s9 =	sadd.s32 $0xFFFFFEF7, lr;
	s5 =	simm.s32 $0xFFFFFFFF;
	p2 =	slt.u32 s8, $0xFFFFF086  }
0x1c: {  	p1 =	slt.u32 s9, $0xF7A;
	s5 =	simm.s32 @!p2 $0x0  }
0x1d: {  	s5 =	simm.s32 @p1 $0x1;
	p0 =	seq.s32 s7, s2  }
0x1e: {  	s7 =	smul.u32 @!p0 $0xF7A, s2;
	p2 =	seq.s32 @!p0 s5, $0x0  }
0x1f: {  	s9 =	smul.u32 $0xF7A, s1;
	s8 =	simm.s32 @!p0 $0x1BF5;
	p2 =	por !p2, p0  }
0x20: {  	[sflag:s8] =	ssyncset.s32 @!p0 $0xFFFFF086;
	s6 =	sadd.s32 @!p0 s3, s7;
	s7 =	simm.s32 @!p0 $0x108  }
0x21: {  	s3 =	sadd.s32 s3, s9;
	s6 =	sadd.s32 @!p0 $0x88, s6;
	s7 =	simm.s32 @p2 $0x1082  }
0x22: {  	[simem:s7], [sflag:s8] =	dma.local @!p0 [hbm:s6], $0xF7A  }
0x23: {  	s9 =	sor.u32 $0xD0000000, s2;
	s6 =	simm.s32 $0x108;
	_ =	swait.ge @!p0 [sflag:s8], $0x0  }
0x24: {  	s3 =	sadd.s32 $0x88, s3;
	s6 =	simm.s32 @!p1 $0x1082;
	[sflag:s4] =	ssyncset.s32 $0xFFFFF086  }
0x25: {  	[simem:s6], [sflag:s4] =	dma.local [hbm:s3], $0xF7A  }
0x26: {  	[smem:$0x3F99] =	sst s1;
	(tag) =	ssettag s2;
	_ =	strace s9  }
0x27: {  	s1 =	sld [smem:$0x3FA9]  }
0x28: {  	s2 =	sld [smem:$0x3FAA]  }
0x29: {  	s4 =	sld [smem:$0x3FAC]  }
0x2a: {  	p0 =	seq.s32 s5, $0x0;
	s5 =	sld [smem:$0x3FAD]  }
0x2b: {  	s6 =	sld [smem:$0x3FAE]  }
0x2c: {  	s7 =	sld [smem:$0x3FAF]  }
0x2d: {  	s3 =	simm.s32 $0x108;
	s8 =	sld [smem:$0x3FB0]  }
0x2e: {  	s3 =	simm.s32 @!p0 $0x1082;
	s9 =	sld [smem:$0x3FB1]  }
0x2f: {  	lr =	sadd.s32 s0, s3;
	s0 =	sld [smem:$0x3FA8]  }
0x30: {  	s3 =	sld [smem:$0x3FAB]  }
0x31: {  	[smem:$0x3FB4] =	sst s10  }
0x32: {  	s10 =	sld [smem:$0x3FB2];
	_ =	sdelay $0x3  }
0x33: {  	p0 =	seq.s32 s10, $0x1;
	s10 =	sld [smem:$0x3FB4];
	_ =	sdelay $0x3  }
0x34: {  	[smem:$0x3FB4] =	sst s10  }
0x35: {  	s10 =	sld [smem:$0x3FB3];
	_ =	sdelay $0x3  }
0x36: {  	p1 =	seq.s32 s10, $0x1;
	s10 =	sld [smem:$0x3FB4];
	_ =	sdelay $0x3  }
0x37: {  	[smem:$0x3FB4] =	sst s10  }
0x38: {  	s10 =	sld [smem:$0x3FB5]  }
0x39: {  	_ = 	snop;
	(pc) =	sbr.ind lr, $3  }
0x3a: {  	_ = 	snop  }
0x3b: {  	_ = 	snop  }
0x3c: {  	p2 =	seq.s32 s10, $0x1;
	s10 =	sld [smem:$0x3FB4]  }
0x3d: {  	_ =	shalt  }
0x3e: {  	_ =	shalt  }
0x3f: {  	_ =	shalt  }
0x40: {  	_ =	shalt  }
0x41: {  	_ =	shalt  }
0x42: {  	_ =	shalt  }
0x43: {  	_ =	shalt  }
0x44: {  	_ =	shalt  }
0x45: {  	_ =	shalt  }
0x46: {  	_ =	shalt  }
0x47: {  	_ =	shalt  }
0x48: {  	_ =	shalt  }
0x49: {  	_ =	shalt  }
0x4a: {  	_ =	shalt  }
0x4b: {  	_ =	shalt  }
0x4c: {  	_ =	shalt  }
0x4d: {  	_ =	shalt  }
0x4e: {  	_ =	shalt  }
0x4f: {  	_ =	shalt  }
0x50: {  	_ =	shalt  }
0x51: {  	_ =	shalt  }
0x52: {  	_ =	shalt  }
0x53: {  	_ =	shalt  }
0x54: {  	_ =	shalt  }
0x55: {  	_ =	shalt  }
0x56: {  	_ =	shalt  }
0x57: {  	_ =	shalt  }
0x58: {  	_ =	shalt  }
0x59: {  	_ =	shalt  }
0x5a: {  	_ =	shalt  }
0x5b: {  	_ =	shalt  }
0x5c: {  	_ =	shalt  }
0x5d: {  	_ =	shalt  }
0x5e: {  	_ =	shalt  }
0x5f: {  	_ =	shalt  }
0x60: {  	_ =	shalt  }
0x61: {  	_ =	shalt  }
0x62: {  	_ =	shalt  }
0x63: {  	_ =	shalt  }
0x64: {  	_ =	shalt  }
0x65: {  	_ =	shalt  }
0x66: {  	_ =	shalt  }
0x67: {  	_ =	shalt  }
0x68: {  	_ =	shalt  }
0x69: {  	_ =	shalt  }
0x6a: {  	_ =	shalt  }
0x6b: {  	_ =	shalt  }
0x6c: {  	_ =	shalt  }
0x6d: {  	_ =	shalt  }
0x6e: {  	_ =	shalt  }
0x6f: {  	_ =	shalt  }
0x70: {  	_ =	shalt  }
0x71: {  	_ =	shalt  }
0x72: {  	_ =	shalt  }
0x73: {  	_ =	shalt  }
0x74: {  	_ =	shalt  }
0x75: {  	_ =	shalt  }
0x76: {  	_ =	shalt  }
0x77: {  	_ =	shalt  }
0x78: {  	_ =	shalt  }
0x79: {  	_ =	shalt  }
0x7a: {  	_ =	shalt  }
0x7b: {  	_ =	shalt  }
0x7c: {  	_ =	shalt  }
0x7d: {  	_ =	shalt  }
0x7e: {  	_ =	shalt  }
0x7f: {  	_ =	shalt  }
0x80: {  	_ =	shalt  }
0x81: {  	_ =	shalt  }
0x82: {  	_ =	shalt  }
0x83: {  	_ =	shalt  }
0x84: {  	_ =	shalt  }
0x85: {  	_ =	shalt  }
0x86: {  	_ =	shalt  }
0x87: {  	_ =	shalt  }
.Lfunc_end0:
.L_simem_size_0:
called_computation.2_lowered:
.L_overlay_start_0:
0x88: {  	s2 =	sld [smem:$0x3FD9]  }
0x89: {  	s3 =	sld [smem:$0x3FFE];
	_ =	sdelay $0x1  }
0x8a: {  	s1 =	srdreg.scid  }
0x8b: {  	s0 =	sand.u32 $0x1, s1  }
0x8c: {  	s17 =	sshll.u32 s0, $0xA;
	s2 =	sadd.s32 s3, s2  }
0x8d: {  	s2 =	sadd.s32 s2, s17  }
0x8e: {  	[smem:$0x3FC0] =	sst s2  }
0x8f: {  	_ = 	snop  }
0x90: {  	s2 =	sld [smem:$0x3FD0];
	(tm) =	ssettm $0x1  }
0x91: {  	s18 =	sld [smem:$0x3FFB];
	_ =	sdelay $0x3  }
0x92: {  	_ =	strace s18  }
0x93: {  	s3 =	sld [smem:$0x3FFC];
	_ =	sdelay $0x3  }
0x94: {  	_ =	strace s3  }
0x95: {  	s3 =	sld [smem:$0x3FFD];
	_ =	sdelay $0x3  }
0x96: {  	_ =	strace s3  }
0x97: {  	_ =	strace $0x8FFFFFFF  }
0x98: {  	s19 =	sld [smem:$0x3FDB];
	_ =	sdelay $0x1  }
0x99: {  	s4 =	simm.s32 $_scs_section_size  }
0x9a: {  	s5 =	simm.s32 $_size__tile_overlayer_lowered;
	s6 =	simm.s32 $_tile_overlayer_lowered  }
0x9b: {  	s22 =	simm.s32 $0x1BFF;
	s21 =	sshll.u32 s6, $0x1;
	s3 =	sadd.s32 s4, s19  }
0x9c: {  	s7 =	simm.s32 $0x0;
	s20 =	sshll.u32 s5, $0x1;
	s5 =	sadd.s32 s21, s3  }
0x9d: {  	[timem:s7], [sflag:s22] =	dma.local [hbm:s5], s20  }
0x9e: {  	_ =	swait.ge [sflag:s22], s20  }
0x9f: {  	s4 =	ssub.s32 $0x0, s20;
	[sflag:s22] =	ssyncset.done $0x0  }
0xa0: {  	[sflag:s22] =	ssyncadd.s32 s4;
	_ =	sdelay $0x1  }
0xa1: {  	s23 =	simm.s32 $0x1B8B  }
0xa2: {  	_ =	swait.ge [sflag:s23], $0x1  }
0xa3: {  	[sflag:s23] =	ssyncset.done $0x0  }
0xa4: {  	s25 =	simm.s32 $0x1B8E;
	s24 =	sld [smem:$0x3FFE];
	[sflag:s23] =	ssyncadd.s32 $0xFFFFFFFF  }
0xa5: {  	s26 =	simm.s32 $execute0_lowered;
	[smem:$0x3FD2] =	sst s25  }
0xa6: {  	s5 =	sshll.u32 s26, $0x1;
	_ =	strace $0x8000004C;
	[dreg:$0x1] =	wrdreg $0xFFFFFFFF  }
0xa7: {  	s28 =	simm.s32 $_size_execute0_lowered;
	s3 =	sadd.s32 s3, s5;
	[dreg:$0x0] =	wrdreg $0x0  }
0xa8: {  	s5 =	sshll.u32 s28, $0x1;
	[dreg:$0x2] =	wrdreg s3  }
0xa9: {  	[dreg:$0x3] =	wrdreg s5  }
0xaa: {  	[dreg:$0x4] =	wrdreg $0xC0  }
0xab: {  	_ =	task [dreg:s7], $0x5FFFF  }
0xac: {  	[dreg:$0x1] =	wrdreg $0xFFFFFFFF  }
0xad: {  	[dreg:$0x0] =	wrdreg $0x60  }
0xae: {  	[dreg:$0x2] =	wrdreg s24  }
0xaf: {  	[dreg:$0x3] =	wrdreg s2  }
0xb0: {  	[dreg:$0x4] =	wrdreg $0x84000  }
0xb1: {  	[dreg:$0x5] =	wrdreg $0x9  }
0xb2: {  	_ =	task.clear_ibuf [dreg:s7], $0x6FFFF;
	_ =	strace $0x9000004C  }
0xb3: {  	s29 =	simm.s32 $0x9;
	_ =	strace $0x8000004E  }
0xb4: {  	_ =	swait.ge [sflag:s29], $0x1  }
0xb5: {  	[sflag:s29] =	ssyncadd.s32 $0xFFFFFFFF  }
0xb6: {  	_ =	strace $0x9000004E  }
0xb7: {  	_ =	sfence  }
0xb8: {  	s30 =	sld [smem:$0x0];
	_ =	sdelay $0x2  }
0xb9: {  	s31 =	sshll.u32 s1, $0xD;
	s1 =	sshrl.u32 s1, $0x2  }
0xba: {  	s3 =	sand.u32 $0x4000, s31;
	s1 =	sadd.s32 s1, s30  }
0xbb: {  	s0 =	sor.u32 s3, s0;
	s1 =	sshll.u32 s1, $0x11  }
0xbc: {  	s0 =	sor.u32 s1, s0  }
0xbd: {  	s0 =	sadd.s32 $0x8F2B, s0  }
0xbe: {  	[sflag:s0] =	ssyncadd.remote.s32 $0x1  }
0xbf: {  	_ =	sfence.sel $0xFFFF  }
0xc0: {  	[dreg:$0x0] =	wrdreg $0xFFFFFFFF;
	(pc) =	sbr.abs _section_cstart, $3  }
0xc1: {  	[dreg:$0x1] =	wrdreg $0xFFFFFFFF  }
0xc2: {  	_ =	task.clear_ibuf [dreg:s7], $0x2FFFF;
	_ =	strace $0x9FFFFFFF  }
0xc3: {  	(tm) =	ssettm $0x7FFFFFFF  }
tec
execute0_lowered:
.L_overlay_start_1:
0x0: {  	(tag) =	ssettag $0x1  }
0x1: {  	s0 =	rddreg [dreg:$0x0]  }
0x2: {  	s2 =	rddreg [dreg:$0x2];
	s4 =	simm.s32 $0x0;
	s1 =	srdreg.scid  }
0x3: {  	s9 =	stileid.u32;
	s28 =	simm.s32 $0x100;
	s29 =	simm.s32 $0x1  }
0x4: {  	s30 =	simm.s32 $0x80;
	s31 =	simm.s32 $0x4400;
	[smem:$0x7FF] =	sst s4  }
0x5: {  	s1 =	sand.u32 $0x1, s1;
	s7 =	smul.u32 $0x50000, s9;
	s5 =	sadd.s32 $0x2800, s0  }
0x6: {  	s14 =	smul.u32 $0x14000, s9;
	s6 =	sadd.s32 $0x16800, s0;
	s0 =	sadd.s32 $0x3E800, s0  }
0x7: {  	s22 =	sshll.u32 s9, $0x1;
	_ =	strace $0x8000004D;
	s3 =	ssub.s32 $0x2, s1  }
0x8: {  	s9 =	sor.u32 s1, s22;
	s1 =	smul.u32 $0x140000, s1;
	s8 =	sshrl.u32 s3, $0x1  }
0x9: {  	s7 =	sshrl.u32 s7, $0x2;
	s15 =	sadd.s32 $0x4000, s14;
	s16 =	sadd.s32 $0x8000, s14  }
0xa: {  	s17 =	sadd.s32 $0xC000, s14;
	s9 =	smul.u32 $0x2800, s9;
	s18 =	sadd.s32 $0x10000, s14  }
0xb: {  	s3 =	ssub.s32 s3, s8;
	s21 =	sadd.s32 s7, s2;
	s22 =	sadd.s32 s15, s2  }
0xc: {  	s10 =	sadd.s32 s16, s2;
	s11 =	sadd.s32 s17, s2;
	s13 =	sadd.s32 s18, s2  }
0xd: {  	s14 =	sadd.s32 s14, s1;
	s15 =	sadd.s32 s1, s15;
	s20 =	sadd.s32 s1, s16  }
0xe: {  	s16 =	simm.s32 $0x5;
	s19 =	sshrl.u32 s9, $0x3;
	s12 =	sadd.s32 $0x50000, s9  }
0xf: {  	s14 =	sshrl.u32 s14, $0x3;
	s15 =	sshrl.u32 s15, $0x3;
	[dreg:$0x4] =	wrdreg s21  }
0x10: {  	s23 =	sadd.s32 s5, s19;
	s24 =	sshrl.u32 s12, $0x3;
	s14 =	sadd.s32 s0, s14  }
0x11: {  	s19 =	sadd.s32 s0, s15;
	s25 =	sadd.s32 s5, s24;
	[dreg:$0x5] =	wrdreg s23  }
0x12: {  	s26 =	sadd.s32 $0x20, s23;
	s7 =	sadd.s32 $0xA020, s23;
	[dreg:$0x9] =	wrdreg s14  }
0x13: {  	[dreg:$0xa] =	wrdreg s19;
	s23 =	sadd.s32 s1, s17;
	s1 =	sadd.s32 s1, s18  }
0x14: {  	s14 =	sshrl.u32 s20, $0x3;
	s17 =	simm.s32 $0x6;
	[dreg:$0x6] =	wrdreg s25  }
0x15: {  	s18 =	simm.s32 $0x180;
	s19 =	simm.s32 $0x300;
	[dreg:$0x7] =	wrdreg s26  }
0x16: {  	s20 =	simm.s32 $0x0;
	[dreg:$0x8] =	wrdreg s7;
	s15 =	sshrl.u32 s23, $0x3  }
0x17: {  	s1 =	sshrl.u32 s1, $0x3;
	s24 =	sadd.s32 s0, s14;
	s26 =	smax.u32 s3, $0x1  }
.Ltmp0:
0x18: {  	s3 =	simm.s32 $0x280;
	s14 =	simm.s32 $0x380;
	(pc) =	sbr.rel .LBB2_1-.Ltmp0, $4  }
0x19: {  	[dreg:$0xb] =	wrdreg s24;
	s25 =	sadd.s32 s0, s15;
	s0 =	sadd.s32 s0, s1  }
0x1a: {  	[dreg:$0xe] =	wrdreg s26;
	s24 =	simm.s32 $0x400;
	s26 =	simm.s32 $0x200  }
0x1b: {  	s1 =	simm.s32 $0x4;
	s15 =	simm.s32 $0x2;
	[dreg:$0xc] =	wrdreg s25  }
0x1c: {  	[dreg:$0xd] =	wrdreg s0;
	s25 =	simm.s32 $0x7;
	s0 =	simm.s32 $0x3  }
.LBB2_4:
0x1d: {  	_ =	swait.ge [sflag:s0], $0x4000  }
0x1e: {  	[sflag:s0] =	ssyncset.done $0x0  }
0x1f: {  	[sflag:s0] =	ssyncadd.s32 $0xFFFFC000  }
0x20: {  	[spmem:s2] =	stream.indirect.scatter.add.f32 [tilespmem:s24], [sflag:$0x5], $0x80, s19, s30, $0xb8;
	[tilespmem:$0x1C400] =	vst v63  }
0x21: {  	_ =	swait.ge [sflag:s1], $0x4000  }
0x22: {  	[sflag:s1] =	ssyncset.done $0x0  }
0x23: {  	[sflag:s1] =	ssyncadd.s32 $0xFFFFC000  }
0x24: {  	[spmem:s2] =	stream.indirect.scatter.add.f32 [tilespmem:s31], [sflag:$0x6], $0x80, s14, s30, $0xb8;
	[tilespmem:$0x1C400] =	vst v63  }
0x25: {  	_ =	swait.ge [sflag:s16], $0x4000  }
0x26: {  	[sflag:s16] =	ssyncset.done $0x0  }
0x27: {  	[sflag:s16] =	ssyncadd.s32 $0xFFFFC000  }
0x28: {  	_ =	swait.ge [sflag:s17], $0x4000  }
0x29: {  	[sflag:s17] =	ssyncset.done $0x0  }
0x2a: {  	[sflag:s17] =	ssyncadd.s32 $0xFFFFC000  }
0x2b: {  	s7 =	stileid.u32;
	[bflag:$0x0] =	sbarrier.arrive $0xFFFF  }
0x2c: {  	s7 =	sshll.u32 s7, $0x6;
	s8 =	rddreg [dreg:$0x4]  }
0x2d: {  	s7 =	sor.u32 $0x1C07, s7;
	s23 =	rddreg [dreg:$0x9];
	s21 =	sshrl.u32 s8, $0x3  }
0x2e: {  	[hbm:s23], [sflag:s7] =	dma.local [spmem:s21], $0x800  }
0x2f: {  	_ =	swait.ge [sflag:s25], $0x800  }
0x30: {  	[sflag:s25] =	ssyncset.done $0x0  }
0x31: {  	s21 =	sshrl.u32 s22, $0x3;
	s23 =	rddreg [dreg:$0xa];
	[sflag:s25] =	ssyncadd.s32 $0xFFFFF800  }
0x32: {  	[hbm:s23], [sflag:s7] =	dma.local [spmem:s21], $0x800  }
0x33: {  	_ =	swait.ge [sflag:s25], $0x800  }
0x34: {  	[sflag:s25] =	ssyncset.done $0x0  }
0x35: {  	s21 =	sshrl.u32 s10, $0x3;
	s23 =	rddreg [dreg:$0xb];
	[sflag:s25] =	ssyncadd.s32 $0xFFFFF800  }
0x36: {  	[hbm:s23], [sflag:s7] =	dma.local [spmem:s21], $0x800  }
0x37: {  	_ =	swait.ge [sflag:s25], $0x800  }
0x38: {  	[sflag:s25] =	ssyncset.done $0x0  }
0x39: {  	s21 =	sshrl.u32 s11, $0x3;
	s23 =	rddreg [dreg:$0xc];
	[sflag:s25] =	ssyncadd.s32 $0xFFFFF800  }
0x3a: {  	[hbm:s23], [sflag:s7] =	dma.local [spmem:s21], $0x800  }
0x3b: {  	_ =	swait.ge [sflag:s25], $0x800  }
0x3c: {  	[sflag:s25] =	ssyncset.done $0x0  }
0x3d: {  	s21 =	sshrl.u32 s13, $0x3;
	s23 =	rddreg [dreg:$0xd];
	[sflag:s25] =	ssyncadd.s32 $0xFFFFF800  }
0x3e: {  	[hbm:s23], [sflag:s7] =	dma.local [spmem:s21], $0x800  }
0x3f: {  	_ =	swait.ge [sflag:s25], $0x800  }
0x40: {  	s20 =	sadd.s32 $0x1, s20;
	s23 =	rddreg [dreg:$0xe]  }
0x41: {  	p0 =	sne.s32 s20, s23  }
.Ltmp1:
0x42: {  	_ = 	snop;
	(pc) =	sbr.rel @!p0 .LBB2_5-.Ltmp1, $3  }
0x43: {  	_ =	sdelay $0x1  }
0x44: {  	[sflag:s25] =	ssyncset.done $0x0  }
0x45: {  	s21 =	smov.u32 s8;
	[sflag:s25] =	ssyncadd.s32 $0xFFFFF800  }
.LBB2_1:
0x46: {  	s7 =	rddreg [dreg:$0x1]  }
0x47: {  	[tilespmem:s24], [sflag:$0x7] =	stream.linear.gather [hbm4b:s7+s4], $0x4000, $0x38;
	[tilespmem:$0x1C400] =	vst v63  }
0x48: {  	_ =	swait.ge [sflag:s25], $0x4000  }
0x49: {  	[sflag:s25] =	ssyncset.done $0x0  }
0x4a: {  	[sflag:s25] =	ssyncadd.s32 $0xFFFFC000  }
0x4b: {  	[spmem:s21] =	stream.linear.scatter [tilespmem:s24], [sflag:$0x7], $0x4000, $0x38;
	[tilespmem:$0x1C400] =	vst v63  }
0x4c: {  	_ =	swait.ge [sflag:s25], $0x4000  }
0x4d: {  	[sflag:s25] =	ssyncset.done $0x0  }
0x4e: {  	[sflag:s25] =	ssyncadd.s32 $0xFFFFC000  }
0x4f: {  	[spmem:s22] =	stream.linear.scatter [tilespmem:s24], [sflag:$0x7], $0x4000, $0x38;
	[tilespmem:$0x1C400] =	vst v63  }
0x50: {  	_ =	swait.ge [sflag:s25], $0x4000  }
0x51: {  	[sflag:s25] =	ssyncset.done $0x0  }
0x52: {  	[sflag:s25] =	ssyncadd.s32 $0xFFFFC000  }
0x53: {  	[spmem:s10] =	stream.linear.scatter [tilespmem:s24], [sflag:$0x7], $0x4000, $0x38;
	[tilespmem:$0x1C400] =	vst v63  }
0x54: {  	_ =	swait.ge [sflag:s25], $0x4000  }
0x55: {  	[sflag:s25] =	ssyncset.done $0x0  }
0x56: {  	[sflag:s25] =	ssyncadd.s32 $0xFFFFC000  }
0x57: {  	[spmem:s11] =	stream.linear.scatter [tilespmem:s24], [sflag:$0x7], $0x4000, $0x38;
	[tilespmem:$0x1C400] =	vst v63  }
0x58: {  	_ =	swait.ge [sflag:s25], $0x4000  }
0x59: {  	[sflag:s25] =	ssyncset.done $0x0  }
0x5a: {  	[sflag:s25] =	ssyncadd.s32 $0xFFFFC000  }
0x5b: {  	[spmem:s13] =	stream.linear.scatter [tilespmem:s24], [sflag:$0x7], $0x4000, $0x38;
	[tilespmem:$0x1C400] =	vst v63  }
0x5c: {  	_ =	swait.ge [sflag:s25], $0x4000  }
0x5d: {  	[sflag:s25] =	ssyncset.done $0x0  }
0x5e: {  	[sflag:s25] =	ssyncadd.s32 $0xFFFFC000  }
0x5f: {  	[bflag:$0x0] =	sbarrier.arrive $0xFFFF  }
0x60: {  	s23 =	rddreg [dreg:$0x5]  }
0x61: {  	[tilespmem:s4], [sflag:$0x1] =	stream.linear.gather [hbm4b:s23+s4], $0x100, $0x38;
	[tilespmem:$0x1C400] =	vst v63  }
0x62: {  	s8 =	rddreg [dreg:$0x6]  }
0x63: {  	[tilespmem:s26], [sflag:$0x1] =	stream.linear.gather [hbm4b:s8+s4], $0x100, $0x38;
	[tilespmem:$0x1C400] =	vst v63  }
0x64: {  	s21 =	rddreg [dreg:$0x7]  }
0x65: {  	[tilespmem:s28], [sflag:$0x2] =	stream.linear.gather [hbm4b:s21+s4], $0x100, $0x38;
	[tilespmem:$0x1C400] =	vst v63  }
0x66: {  	s23 =	rddreg [dreg:$0x8]  }
0x67: {  	[tilespmem:s19], [sflag:$0x2] =	stream.linear.gather [hbm4b:s23+s4], $0x100, $0x38;
	[tilespmem:$0x1C400] =	vst v63  }
0x68: {  	_ =	swait.ge [sflag:s29], $0x100  }
0x69: {  	[sflag:s29] =	ssyncset.done $0x0  }
0x6a: {  	[sflag:s29] =	ssyncadd.s32 $0xFFFFFF00  }
0x6b: {  	_ =	swait.ge [sflag:s29], $0x100  }
0x6c: {  	[sflag:s29] =	ssyncset.done $0x0  }
0x6d: {  	[sflag:s29] =	ssyncadd.s32 $0xFFFFFF00  }
0x6e: {  	[tilespmem:s24], [sflag:$0x3] =	stream.indirect.gather [hbm4b:s6+s30], $0x80, s4, s30, $0xb8;
	[tilespmem:$0x1C400] =	vst v63  }
0x6f: {  	s21 =	simm.s32 $0x300  }
0x70: {  	[tilespmem:s31], [sflag:$0x4] =	stream.indirect.gather [hbm4b:s6+s30], $0x80, s30, s30, $0xb8;
	[tilespmem:$0x1C400] =	vst v63  }
.LBB2_2:
0x71: {  	_ =	swait.ge [sflag:s0], $0x4000  }
0x72: {  	[sflag:s0] =	ssyncset.done $0x0  }
0x73: {  	[sflag:s0] =	ssyncadd.s32 $0xFFFFC000  }
0x74: {  	[spmem:s2] =	stream.indirect.scatter.add.f32 [tilespmem:s24], [sflag:$0x5], $0x80, s26, s30, $0xb8;
	[tilespmem:$0x1C400] =	vst v63  }
0x75: {  	_ =	swait.ge [sflag:s1], $0x4000  }
0x76: {  	[sflag:s1] =	ssyncset.done $0x0  }
0x77: {  	[sflag:s1] =	ssyncadd.s32 $0xFFFFC000  }
0x78: {  	[spmem:s2] =	stream.indirect.scatter.add.f32 [tilespmem:s31], [sflag:$0x6], $0x80, s3, s30, $0xb8;
	[tilespmem:$0x1C400] =	vst v63  }
0x79: {  	_ =	swait.ge [sflag:s15], $0x100  }
0x7a: {  	[sflag:s15] =	ssyncset.done $0x0  }
0x7b: {  	[sflag:s15] =	ssyncadd.s32 $0xFFFFFF00  }
0x7c: {  	_ =	swait.ge [sflag:s15], $0x100  }
0x7d: {  	[sflag:s15] =	ssyncset.done $0x0  }
0x7e: {  	[sflag:s15] =	ssyncadd.s32 $0xFFFFFF00  }
0x7f: {  	_ =	swait.ge [sflag:s16], $0x4000  }
0x80: {  	[sflag:s16] =	ssyncset.done $0x0  }
0x81: {  	p0 =	seq.s32 s21, $0x2900;
	[sflag:s16] =	ssyncadd.s32 $0xFFFFC000  }
0x82: {  	[tilespmem:s24], [sflag:$0x3] =	stream.indirect.gather [hbm4b:s6+s30], $0x80, s28, s30, $0xb8;
	[tilespmem:$0x1C400] =	vst v63  }
.Ltmp2:
0x83: {  	_ = 	snop;
	(pc) =	sbr.rel @p0 .LBB2_4-.Ltmp2, $4  }
0x84: {  	_ =	swait.ge [sflag:s17], $0x4000  }
0x85: {  	[sflag:s17] =	ssyncset.done $0x0  }
0x86: {  	[sflag:s17] =	ssyncadd.s32 $0xFFFFC000  }
0x87: {  	[tilespmem:s31], [sflag:$0x4] =	stream.indirect.gather [hbm4b:s6+s30], $0x80, s18, s30, $0xb8;
	[tilespmem:$0x1C400] =	vst v63  }
0x88: {  	s8 =	smov.u32 s13;
	s13 =	smov.u32 s11  }
0x89: {  	s11 =	smov.u32 s10;
	s10 =	smov.u32 s22;
	s22 =	sadd.s32 $0xFFFFFF00, s21  }
0x8a: {  	s23 =	sand.u32 $0x7C00, s22  }
0x8b: {  	s22 =	sand.u32 $0x200, s22;
	s7 =	sadd.s32 s9, s23  }
0x8c: {  	s7 =	sor.u32 s22, s7  }
0x8d: {  	s7 =	sshrl.u32 s7, $0x3  }
0x8e: {  	s23 =	sadd.s32 s12, s23;
	s7 =	sadd.s32 s5, s7  }
0x8f: {  	[tilespmem:s4], [sflag:$0x1] =	stream.linear.gather [hbm4b:s7+s4], $0x100, $0x38;
	[tilespmem:$0x1C400] =	vst v63  }
0x90: {  	s7 =	sor.u32 s22, s23  }
0x91: {  	s7 =	sshrl.u32 s7, $0x3  }
0x92: {  	s7 =	sadd.s32 s5, s7  }
0x93: {  	[tilespmem:s26], [sflag:$0x1] =	stream.linear.gather [hbm4b:s7+s4], $0x100, $0x38;
	[tilespmem:$0x1C400] =	vst v63  }
0x94: {  	_ =	swait.ge [sflag:s0], $0x4000  }
0x95: {  	[sflag:s0] =	ssyncset.done $0x0  }
0x96: {  	[sflag:s0] =	ssyncadd.s32 $0xFFFFC000  }
0x97: {  	[spmem:s2] =	stream.indirect.scatter.add.f32 [tilespmem:s24], [sflag:$0x5], $0x80, s19, s30, $0xb8;
	[tilespmem:$0x1C400] =	vst v63  }
0x98: {  	_ =	swait.ge [sflag:s1], $0x4000  }
0x99: {  	[sflag:s1] =	ssyncset.done $0x0  }
0x9a: {  	[sflag:s1] =	ssyncadd.s32 $0xFFFFC000  }
0x9b: {  	[spmem:s2] =	stream.indirect.scatter.add.f32 [tilespmem:s31], [sflag:$0x6], $0x80, s14, s30, $0xb8;
	[tilespmem:$0x1C400] =	vst v63  }
0x9c: {  	_ =	swait.ge [sflag:s29], $0x100  }
0x9d: {  	[sflag:s29] =	ssyncset.done $0x0  }
0x9e: {  	[sflag:s29] =	ssyncadd.s32 $0xFFFFFF00  }
0x9f: {  	_ =	swait.ge [sflag:s29], $0x100  }
0xa0: {  	[sflag:s29] =	ssyncset.done $0x0  }
0xa1: {  	[sflag:s29] =	ssyncadd.s32 $0xFFFFFF00  }
0xa2: {  	_ =	swait.ge [sflag:s16], $0x4000  }
0xa3: {  	[sflag:s16] =	ssyncset.done $0x0  }
0xa4: {  	s7 =	sand.u32 $0x7C00, s21;
	[sflag:s16] =	ssyncadd.s32 $0xFFFFC000  }
0xa5: {  	[tilespmem:s24], [sflag:$0x3] =	stream.indirect.gather [hbm4b:s6+s30], $0x80, s4, s30, $0xb8;
	[tilespmem:$0x1C400] =	vst v63  }
0xa6: {  	s23 =	sand.u32 $0x300, s21;
	s22 =	sadd.s32 s9, s7;
	_ =	swait.ge [sflag:s17], $0x4000  }
0xa7: {  	s7 =	sadd.s32 s12, s7;
	s22 =	sor.u32 s23, s22;
	[sflag:s17] =	ssyncset.done $0x0  }
0xa8: {  	s7 =	sor.u32 s23, s7;
	s22 =	sshrl.u32 s22, $0x3;
	[sflag:s17] =	ssyncadd.s32 $0xFFFFC000  }
0xa9: {  	[tilespmem:s31], [sflag:$0x4] =	stream.indirect.gather [hbm4b:s6+s30], $0x80, s30, s30, $0xb8;
	[tilespmem:$0x1C400] =	vst v63  }
.Ltmp3:
0xaa: {  	s7 =	sshrl.u32 s7, $0x3;
	s22 =	sadd.s32 s5, s22;
	(pc) =	sbr.rel .LBB2_2-.Ltmp3, $4  }
0xab: {  	[tilespmem:s28], [sflag:$0x2] =	stream.linear.gather [hbm4b:s22+s4], $0x100, $0x38;
	[tilespmem:$0x1C400] =	vst v63  }
0xac: {  	s21 =	sadd.s32 $0x200, s21;
	s7 =	sadd.s32 s5, s7;
	s22 =	smov.u32 s10  }
0xad: {  	s10 =	smov.u32 s11;
	s11 =	smov.u32 s13;
	s13 =	smov.u32 s8  }
0xae: {  	[tilespmem:s19], [sflag:$0x2] =	stream.linear.gather [hbm4b:s7+s4], $0x100, $0x38;
	[tilespmem:$0x1C400] =	vst v63  }
.LBB2_5:
0xaf: {  	_ =	sfence.sel $0x180000  }
0xb0: {  	[bflag:$0x0] =	sbarrier.arrive $0xFFFF  }
0xb1: {  	_ =	strace $0x9000004D  }
0xb2: {  	s0 =	stileid.u32;
	[bflag:$0x2] =	sbarrier.arrive $0xFFFF  }
0xb3: {  	p0 =	sne.s32 s0, $0x0;
	s0 =	rddreg [dreg:$0x3]  }
0xb4: {  	s0 =	sadd.s32 @!p0 $0x100000, s0  }
0xb5: {  	[sflag:s0] =	ssyncadd.tile.s32 @!p0 $0x1;
	_ =	shalt  }
.Lfunc_end2:
_tile_overlayer_lowered:
.L_overlay_start_2:
0xb6: {  	(tag) =	ssettag $0x2  }
0xb7: {  	s0 =	rddreg [dreg:$0x0];
	s2 =	stileid.u32  }
0xb8: {  	s1 =	rddreg [dreg:$0x1];
	p0 =	sne.s32 s2, $0x0  }
0xb9: {  	s3 =	rddreg [dreg:$0x2];
	[bflag:$0x3] =	sbarrier.arrive $0xFFFF;
	s2 =	simm.s32 @!p0 $0x1C07  }
0xba: {  	[timem:s3], [sflag:s2] =	dma.local @!p0 [hbm:s0], s1  }
0xbb: {  	s0 =	simm.s32 @!p0 $0x7  }
0xbc: {  	_ =	swait.ge @!p0 [sflag:s0], s1  }
0xbd: {  	s1 =	ssub.s32 @!p0 $0x0, s1;
	[sflag:s0] =	ssyncset.done @!p0 $0x0  }
0xbe: {  	[sflag:s0] =	ssyncadd.s32 @!p0 s1  }
0xbf: {  	[bflag:$0x3] =	sbarrier.arrive $0xFFFF  }
0xc0: {  	_ =	shalt  }

// kernel: kernel.8.cloned.1.call-start
scs
__scs_entry_jumppad:
0x0: {  	(pc) =	sbr.rel $0x88, $3  }
0x1: {  	(tag) =	ssettag $0x0;
	lr =	simm.s32 $0x1  }
0x2: {  	[smem:$0x3F99] =	sst lr;
	_ =	strace $0xD0000000  }
0x3: {  	_ = 	snop  }
0x4: {  	_ = 	snop  }
0x5: {  	_ = 	snop  }
0x6: {  	_ = 	snop  }
0x7: {  	_ = 	snop  }
__scs_overlays_trampoline_lowered:
0x8: {  	[smem:$0x3FA8] =	sst s0  }
0x9: {  	[smem:$0x3FA9] =	sst s1  }
0xa: {  	[smem:$0x3FAA] =	sst s2  }
0xb: {  	[smem:$0x3FAB] =	sst s3  }
0xc: {  	[smem:$0x3FAC] =	sst s4  }
0xd: {  	[smem:$0x3FAD] =	sst s5  }
0xe: {  	[smem:$0x3FAE] =	sst s6  }
0xf: {  	[smem:$0x3FAF] =	sst s7  }
0x10: {  	[smem:$0x3FB0] =	sst s8  }
0x11: {  	[smem:$0x3FB1] =	sst s9;
	s0 =	simm.s32 @!p0 $0x0  }
0x12: {  	s1 =	sld [smem:$0x3F97];
	s0 =	simm.s32 @p0 $0x1  }
0x13: {  	[smem:$0x3FB2] =	sst s0;
	s0 =	simm.s32 @!p1 $0x0  }
0x14: {  	s2 =	sld [smem:$0x3F96];
	s0 =	simm.s32 @p1 $0x1  }
0x15: {  	[smem:$0x3FB3] =	sst s0;
	s0 =	simm.s32 @!p2 $0x0  }
0x16: {  	s3 =	sld [smem:$0x3FDB];
	s0 =	simm.s32 @p2 $0x1  }
0x17: {  	s4 =	simm.s32 $0x1BF5;
	[smem:$0x3FB5] =	sst s0  }
0x18: {  	s0 =	sld [smem:$0x3F98];
	_ =	swait.ge [sflag:s4], $0x0  }
0x19: {  	s7 =	sld [smem:$0x3F99]  }
0x1a: {  	s8 =	sadd.s32 $0xFFFFE003, lr  }
0x1b: {  	s9 =	sadd.s32 $0xFFFFFEF7, lr;
	s5 =	simm.s32 $0xFFFFFFFF;
	p2 =	slt.u32 s8, $0xFFFFF086  }
0x1c: {  	p1 =	slt.u32 s9, $0xF7A;
	s5 =	simm.s32 @!p2 $0x0  }
0x1d: {  	s5 =	simm.s32 @p1 $0x1;
	p0 =	seq.s32 s7, s2  }
0x1e: {  	s7 =	smul.u32 @!p0 $0xF7A, s2;
	p2 =	seq.s32 @!p0 s5, $0x0  }
0x1f: {  	s9 =	smul.u32 $0xF7A, s1;
	s8 =	simm.s32 @!p0 $0x1BF5;
	p2 =	por !p2, p0  }
0x20: {  	[sflag:s8] =	ssyncset.s32 @!p0 $0xFFFFF086;
	s6 =	sadd.s32 @!p0 s3, s7;
	s7 =	simm.s32 @!p0 $0x108  }
0x21: {  	s3 =	sadd.s32 s3, s9;
	s6 =	sadd.s32 @!p0 $0x88, s6;
	s7 =	simm.s32 @p2 $0x1082  }
0x22: {  	[simem:s7], [sflag:s8] =	dma.local @!p0 [hbm:s6], $0xF7A  }
0x23: {  	s9 =	sor.u32 $0xD0000000, s2;
	s6 =	simm.s32 $0x108;
	_ =	swait.ge @!p0 [sflag:s8], $0x0  }
0x24: {  	s3 =	sadd.s32 $0x88, s3;
	s6 =	simm.s32 @!p1 $0x1082;
	[sflag:s4] =	ssyncset.s32 $0xFFFFF086  }
0x25: {  	[simem:s6], [sflag:s4] =	dma.local [hbm:s3], $0xF7A  }
0x26: {  	[smem:$0x3F99] =	sst s1;
	(tag) =	ssettag s2;
	_ =	strace s9  }
0x27: {  	s1 =	sld [smem:$0x3FA9]  }
0x28: {  	s2 =	sld [smem:$0x3FAA]  }
0x29: {  	s4 =	sld [smem:$0x3FAC]  }
0x2a: {  	p0 =	seq.s32 s5, $0x0;
	s5 =	sld [smem:$0x3FAD]  }
0x2b: {  	s6 =	sld [smem:$0x3FAE]  }
0x2c: {  	s7 =	sld [smem:$0x3FAF]  }
0x2d: {  	s3 =	simm.s32 $0x108;
	s8 =	sld [smem:$0x3FB0]  }
0x2e: {  	s3 =	simm.s32 @!p0 $0x1082;
	s9 =	sld [smem:$0x3FB1]  }
0x2f: {  	lr =	sadd.s32 s0, s3;
	s0 =	sld [smem:$0x3FA8]  }
0x30: {  	s3 =	sld [smem:$0x3FAB]  }
0x31: {  	[smem:$0x3FB4] =	sst s10  }
0x32: {  	s10 =	sld [smem:$0x3FB2];
	_ =	sdelay $0x3  }
0x33: {  	p0 =	seq.s32 s10, $0x1;
	s10 =	sld [smem:$0x3FB4];
	_ =	sdelay $0x3  }
0x34: {  	[smem:$0x3FB4] =	sst s10  }
0x35: {  	s10 =	sld [smem:$0x3FB3];
	_ =	sdelay $0x3  }
0x36: {  	p1 =	seq.s32 s10, $0x1;
	s10 =	sld [smem:$0x3FB4];
	_ =	sdelay $0x3  }
0x37: {  	[smem:$0x3FB4] =	sst s10  }
0x38: {  	s10 =	sld [smem:$0x3FB5]  }
0x39: {  	_ = 	snop;
	(pc) =	sbr.ind lr, $3  }
0x3a: {  	_ = 	snop  }
0x3b: {  	_ = 	snop  }
0x3c: {  	p2 =	seq.s32 s10, $0x1;
	s10 =	sld [smem:$0x3FB4]  }
0x3d: {  	_ =	shalt  }
0x3e: {  	_ =	shalt  }
0x3f: {  	_ =	shalt  }
0x40: {  	_ =	shalt  }
0x41: {  	_ =	shalt  }
0x42: {  	_ =	shalt  }
0x43: {  	_ =	shalt  }
0x44: {  	_ =	shalt  }
0x45: {  	_ =	shalt  }
0x46: {  	_ =	shalt  }
0x47: {  	_ =	shalt  }
0x48: {  	_ =	shalt  }
0x49: {  	_ =	shalt  }
0x4a: {  	_ =	shalt  }
0x4b: {  	_ =	shalt  }
0x4c: {  	_ =	shalt  }
0x4d: {  	_ =	shalt  }
0x4e: {  	_ =	shalt  }
0x4f: {  	_ =	shalt  }
0x50: {  	_ =	shalt  }
0x51: {  	_ =	shalt  }
0x52: {  	_ =	shalt  }
0x53: {  	_ =	shalt  }
0x54: {  	_ =	shalt  }
0x55: {  	_ =	shalt  }
0x56: {  	_ =	shalt  }
0x57: {  	_ =	shalt  }
0x58: {  	_ =	shalt  }
0x59: {  	_ =	shalt  }
0x5a: {  	_ =	shalt  }
0x5b: {  	_ =	shalt  }
0x5c: {  	_ =	shalt  }
0x5d: {  	_ =	shalt  }
0x5e: {  	_ =	shalt  }
0x5f: {  	_ =	shalt  }
0x60: {  	_ =	shalt  }
0x61: {  	_ =	shalt  }
0x62: {  	_ =	shalt  }
0x63: {  	_ =	shalt  }
0x64: {  	_ =	shalt  }
0x65: {  	_ =	shalt  }
0x66: {  	_ =	shalt  }
0x67: {  	_ =	shalt  }
0x68: {  	_ =	shalt  }
0x69: {  	_ =	shalt  }
0x6a: {  	_ =	shalt  }
0x6b: {  	_ =	shalt  }
0x6c: {  	_ =	shalt  }
0x6d: {  	_ =	shalt  }
0x6e: {  	_ =	shalt  }
0x6f: {  	_ =	shalt  }
0x70: {  	_ =	shalt  }
0x71: {  	_ =	shalt  }
0x72: {  	_ =	shalt  }
0x73: {  	_ =	shalt  }
0x74: {  	_ =	shalt  }
0x75: {  	_ =	shalt  }
0x76: {  	_ =	shalt  }
0x77: {  	_ =	shalt  }
0x78: {  	_ =	shalt  }
0x79: {  	_ =	shalt  }
0x7a: {  	_ =	shalt  }
0x7b: {  	_ =	shalt  }
0x7c: {  	_ =	shalt  }
0x7d: {  	_ =	shalt  }
0x7e: {  	_ =	shalt  }
0x7f: {  	_ =	shalt  }
0x80: {  	_ =	shalt  }
0x81: {  	_ =	shalt  }
0x82: {  	_ =	shalt  }
0x83: {  	_ =	shalt  }
0x84: {  	_ =	shalt  }
0x85: {  	_ =	shalt  }
0x86: {  	_ =	shalt  }
0x87: {  	_ =	shalt  }
.Lfunc_end0:
.L_simem_size_0:
called_computation_lowered:
.L_overlay_start_0:
0x88: {  	s2 =	sld [smem:$0x3FD9]  }
0x89: {  	s3 =	sld [smem:$0x3FFE];
	_ =	sdelay $0x1  }
0x8a: {  	s1 =	srdreg.scid  }
0x8b: {  	s0 =	sand.u32 $0x1, s1  }
0x8c: {  	s17 =	sshll.u32 s0, $0xA;
	s2 =	sadd.s32 s3, s2  }
0x8d: {  	s2 =	sadd.s32 s2, s17  }
0x8e: {  	[smem:$0x3FC0] =	sst s2  }
0x8f: {  	_ = 	snop  }
0x90: {  	s2 =	sld [smem:$0x3FD0];
	(tm) =	ssettm $0x1  }
0x91: {  	s18 =	sld [smem:$0x3FFB];
	_ =	sdelay $0x3  }
0x92: {  	_ =	strace s18  }
0x93: {  	s3 =	sld [smem:$0x3FFC];
	_ =	sdelay $0x3  }
0x94: {  	_ =	strace s3  }
0x95: {  	s3 =	sld [smem:$0x3FFD];
	_ =	sdelay $0x3  }
0x96: {  	_ =	strace s3  }
0x97: {  	_ =	strace $0x8FFFFFFF  }
0x98: {  	s19 =	sld [smem:$0x3FDB];
	_ =	sdelay $0x1  }
0x99: {  	s4 =	simm.s32 $_scs_section_size  }
0x9a: {  	s5 =	simm.s32 $_size__tile_overlayer_lowered;
	s6 =	simm.s32 $_tile_overlayer_lowered  }
0x9b: {  	s22 =	simm.s32 $0x1BFF;
	s21 =	sshll.u32 s6, $0x1;
	s3 =	sadd.s32 s4, s19  }
0x9c: {  	s7 =	simm.s32 $0x0;
	s20 =	sshll.u32 s5, $0x1;
	s5 =	sadd.s32 s21, s3  }
0x9d: {  	[timem:s7], [sflag:s22] =	dma.local [hbm:s5], s20  }
0x9e: {  	_ =	swait.ge [sflag:s22], s20  }
0x9f: {  	s4 =	ssub.s32 $0x0, s20;
	[sflag:s22] =	ssyncset.done $0x0  }
0xa0: {  	[sflag:s22] =	ssyncadd.s32 s4;
	_ =	sdelay $0x1  }
0xa1: {  	s23 =	simm.s32 $0x1B8B  }
0xa2: {  	_ =	swait.ge [sflag:s23], $0x1  }
0xa3: {  	[sflag:s23] =	ssyncset.done $0x0  }
0xa4: {  	s25 =	simm.s32 $0x1B8E;
	s24 =	sld [smem:$0x3FFE];
	[sflag:s23] =	ssyncadd.s32 $0xFFFFFFFF  }
0xa5: {  	s26 =	simm.s32 $execute0_lowered;
	[smem:$0x3FD2] =	sst s25  }
0xa6: {  	s5 =	sshll.u32 s26, $0x1;
	_ =	strace $0x80000046;
	[dreg:$0x1] =	wrdreg $0xFFFFFFFF  }
0xa7: {  	s28 =	simm.s32 $_size_execute0_lowered;
	s3 =	sadd.s32 s3, s5;
	[dreg:$0x0] =	wrdreg $0x0  }
0xa8: {  	s5 =	sshll.u32 s28, $0x1;
	[dreg:$0x2] =	wrdreg s3  }
0xa9: {  	[dreg:$0x3] =	wrdreg s5  }
0xaa: {  	[dreg:$0x4] =	wrdreg $0xC0  }
0xab: {  	_ =	task [dreg:s7], $0x5FFFF  }
0xac: {  	[dreg:$0x1] =	wrdreg $0xFFFFFFFF  }
0xad: {  	[dreg:$0x0] =	wrdreg $0x60  }
0xae: {  	[dreg:$0x2] =	wrdreg s24  }
0xaf: {  	[dreg:$0x3] =	wrdreg s2  }
0xb0: {  	[dreg:$0x4] =	wrdreg $0x55800  }
0xb1: {  	[dreg:$0x5] =	wrdreg $0x9  }
0xb2: {  	_ =	task.clear_ibuf [dreg:s7], $0x6FFFF;
	_ =	strace $0x90000046  }
0xb3: {  	s29 =	simm.s32 $0x9;
	_ =	strace $0x80000048  }
0xb4: {  	_ =	swait.ge [sflag:s29], $0x1  }
0xb5: {  	[sflag:s29] =	ssyncadd.s32 $0xFFFFFFFF  }
0xb6: {  	_ =	strace $0x90000048  }
0xb7: {  	_ =	sfence  }
0xb8: {  	s30 =	sld [smem:$0x0];
	_ =	sdelay $0x2  }
0xb9: {  	s31 =	sshll.u32 s1, $0xD;
	s1 =	sshrl.u32 s1, $0x2  }
0xba: {  	s3 =	sand.u32 $0x4000, s31;
	s1 =	sadd.s32 s1, s30  }
0xbb: {  	s0 =	sor.u32 s3, s0;
	s1 =	sshll.u32 s1, $0x11  }
0xbc: {  	s0 =	sor.u32 s1, s0  }
0xbd: {  	s0 =	sadd.s32 $0x8F2B, s0  }
0xbe: {  	[sflag:s0] =	ssyncadd.remote.s32 $0x1  }
0xbf: {  	_ =	sfence.sel $0xFFFF  }
0xc0: {  	[dreg:$0x0] =	wrdreg $0xFFFFFFFF;
	(pc) =	sbr.abs _section_cstart, $3  }
0xc1: {  	[dreg:$0x1] =	wrdreg $0xFFFFFFFF  }
0xc2: {  	_ =	task.clear_ibuf [dreg:s7], $0x2FFFF;
	_ =	strace $0x9FFFFFFF  }
0xc3: {  	(tm) =	ssettm $0x7FFFFFFF  }
tec
execute0_lowered:
.L_overlay_start_1:
0x0: {  	(tag) =	ssettag $0x1  }
0x1: {  	s4 =	rddreg [dreg:$0x0]  }
0x2: {  	s1 =	srdreg.scid;
	s8 =	rddreg [dreg:$0x1]  }
0x3: {  	s0 =	stileid.u32;
	s2 =	rddreg [dreg:$0x2]  }
0x4: {  	s3 =	simm.s32 $0x0;
	s12 =	simm.s32 $0x2800;
	s13 =	simm.s32 $0x80  }
0x5: {  	s14 =	simm.s32 $0x5000;
	s17 =	simm.s32 $0x20;
	s18 =	simm.s32 $0x10  }
0x6: {  	s19 =	simm.s32 $0x0;
	s5 =	sand.u32 $0x1, s1;
	s7 =	smul.u32 $0x1400, s0  }
0x7: {  	s29 =	sshll.u32 s0, $0x1;
	[smem:$0x7FF] =	sst s3;
	s30 =	smul.u32 $0xA00, s0  }
0x8: {  	s15 =	sshll.u32 s0, $0x6;
	s1 =	sor.u32 s5, s29;
	s10 =	ssub.s32 $0x2, s5  }
0x9: {  	s5 =	sshll.u32 s5, $0x7;
	s15 =	sor.u32 $0x1C01, s15;
	s6 =	smul.u32 $0x2800, s1  }
0xa: {  	s1 =	rddreg [dreg:$0x3];
	_ =	strace $0x80000047;
	s11 =	sshrl.u32 s10, $0x1  }
0xb: {  	s7 =	sshrl.u32 s7, $0x2;
	s10 =	ssub.s32 s10, s11;
	s6 =	sshrl.u32 s6, $0x3  }
0xc: {  	s11 =	simm.s32 $0x1;
	s9 =	sadd.s32 s6, s4;
	s6 =	sor.u32 s5, s30  }
0xd: {  	s4 =	sadd.s32 $0x2A800, s4;
	s5 =	sadd.s32 s7, s2;
	s31 =	sshrl.u32 s6, $0x3  }
0xe: {  	s6 =	sadd.s32 $0x16800, s9;
	s7 =	sadd.s32 $0x20800, s9;
	s9 =	smax.u32 s10, $0x1  }
0xf: {  	v0 =	vimm.f32 $1.000000000e+00;
	s10 =	simm.s32 $0x5080;
	s16 =	sshrl.u32 s5, $0x3;
	s8 =	sadd.s32 s8, s31  }
.LBB2_1:
0x10: {  	[tilespmem:$0x5000] =	vst v0  }
0x11: {  	[tilespmem:$0x5010] =	vst v0  }
0x12: {  	[tilespmem:$0x5020] =	vst v0  }
0x13: {  	[tilespmem:$0x5030] =	vst v0  }
0x14: {  	[tilespmem:$0x5040] =	vst v0  }
0x15: {  	[tilespmem:$0x5050] =	vst v0  }
0x16: {  	[tilespmem:$0x5060] =	vst v0  }
0x17: {  	[tilespmem:$0x5070] =	vst v0  }
0x18: {  	[tilespmem:s10], [sflag:$0x1] =	stream.linear.gather [hbm4b:s4+s3], $0x500, $0x38;
	[tilespmem:$0x5A80] =	vst v63  }
0x19: {  	_ =	swait.ge [sflag:s11], $0x500  }
0x1a: {  	[sflag:s11] =	ssyncset.done $0x0  }
0x1b: {  	[sflag:s11] =	ssyncadd.s32 $0xFFFFFB00  }
0x1c: {  	[spmem:s5] =	stream.linear.scatter [tilespmem:s10], [sflag:$0x1], $0x500, $0x38;
	[tilespmem:$0x5A80] =	vst v63  }
0x1d: {  	_ =	swait.ge [sflag:s11], $0x500  }
0x1e: {  	[sflag:s11] =	ssyncset.done $0x0  }
0x1f: {  	[sflag:s11] =	ssyncadd.s32 $0xFFFFFB00  }
0x20: {  	[tilespmem:s3], [sflag:$0x1] =	stream.linear.gather [hbm4b:s6+s3], $0x2800, $0x38;
	[tilespmem:$0x5A80] =	vst v63  }
0x21: {  	_ =	swait.ge [sflag:s11], $0x2800  }
0x22: {  	[sflag:s11] =	ssyncset.done $0x0  }
0x23: {  	[sflag:s11] =	ssyncadd.s32 $0xFFFFD800  }
0x24: {  	[tilespmem:s12], [sflag:$0x1] =	stream.linear.gather [hbm4b:s7+s3], $0x2800, $0x38;
	[tilespmem:$0x5A80] =	vst v63  }
0x25: {  	_ =	swait.ge [sflag:s11], $0x2800  }
0x26: {  	[sflag:s11] =	ssyncset.done $0x0  }
0x27: {  	[sflag:s11] =	ssyncadd.s32 $0xFFFFD800  }
0x28: {  	s20 =	simm.s32 $0x0;
	[bflag:$0x0] =	sbarrier.arrive $0xFFFF  }
0x29: {  	[spmem:s2] =	stream.indirect.scatter.add.f32 [tilespmem:s14], [sflag:$0x1], $0x1, s20, s13, $0xb8;
	[tilespmem:$0x5A80] =	vst v63  }
0x2a: {  	_ =	swait.ge [sflag:s11], $0x80  }
0x2b: {  	[sflag:s11] =	ssyncset.done $0x0  }
0x2c: {  	s31 =	simm.s32 $0x2800;
	[sflag:s11] =	ssyncadd.s32 $0xFFFFFF80  }
0x2d: {  	[spmem:s2] =	stream.indirect.scatter.add.f32 [tilespmem:s14], [sflag:$0x1], $0x1, s31, s13, $0xb8;
	[tilespmem:$0x5A80] =	vst v63  }
0x2e: {  	_ =	swait.ge [sflag:s11], $0x80  }
0x2f: {  	s21 =	simm.s32 $0x400;
	s20 =	simm.s32 $0x200;
	[sflag:s11] =	ssyncset.done $0x0  }
.LBB2_2:
0x30: {  	s22 =	sshra.s32 s20, $0x2  }
0x31: {  	[sflag:s11] =	ssyncadd.s32 $0xFFFFFF80;
	s20 =	smov.u32 s21;
	s23 =	sadd.s32 $0x200, s21  }
0x32: {  	[spmem:s2] =	stream.indirect.scatter.add.f32 [tilespmem:s14], [sflag:$0x1], $0x1, s22, s13, $0xb8;
	[tilespmem:$0x5A80] =	vst v63  }
0x33: {  	p0 =	sne.s32 s21, $0x9E00;
	_ =	swait.ge [sflag:s11], $0x80  }
.Ltmp0:
0x34: {  	[sflag:s11] =	ssyncset.done $0x0;
	(pc) =	sbr.rel @p0 .LBB2_2-.Ltmp0, $4  }
0x35: {  	s21 =	sadd.s32 $0x2800, s22;
	[sflag:s11] =	ssyncadd.s32 $0xFFFFFF80  }
0x36: {  	[spmem:s2] =	stream.indirect.scatter.add.f32 [tilespmem:s14], [sflag:$0x1], $0x1, s21, s13, $0xb8;
	[tilespmem:$0x5A80] =	vst v63  }
0x37: {  	_ =	swait.ge [sflag:s11], $0x80  }
0x38: {  	s21 =	smov.u32 s23;
	[sflag:s11] =	ssyncset.done $0x0  }
0x39: {  	s20 =	sshra.s32 s20, $0x2;
	[sflag:s11] =	ssyncadd.s32 $0xFFFFFF80  }
0x3a: {  	[spmem:s2] =	stream.indirect.scatter.add.f32 [tilespmem:s14], [sflag:$0x1], $0x1, s20, s13, $0xb8;
	[tilespmem:$0x5A80] =	vst v63  }
0x3b: {  	_ =	swait.ge [sflag:s11], $0x80  }
0x3c: {  	[sflag:s11] =	ssyncset.done $0x0  }
0x3d: {  	s20 =	sadd.s32 $0x2800, s20;
	[sflag:s11] =	ssyncadd.s32 $0xFFFFFF80  }
0x3e: {  	[spmem:s2] =	stream.indirect.scatter.add.f32 [tilespmem:s14], [sflag:$0x1], $0x1, s20, s13, $0xb8;
	[tilespmem:$0x5A80] =	vst v63  }
0x3f: {  	_ =	swait.ge [sflag:s11], $0x80  }
0x40: {  	s19 =	sadd.s32 $0x1, s19;
	[sflag:s11] =	ssyncset.done $0x0  }
0x41: {  	p0 =	sne.s32 s19, s9;
	[sflag:s11] =	ssyncadd.s32 $0xFFFFFF80  }
.Ltmp1:
0x42: {  	[bflag:$0x0] =	sbarrier.arrive $0xFFFF;
	(pc) =	sbr.rel @p0 .LBB2_1-.Ltmp1, $4  }
0x43: {  	[hbm:s8@s17], [sflag:s15] =	dma.strided [spmem:s16@s18], $0xA0, s11, $0x10   }
0x44: {  	_ =	swait.ge [sflag:s11], $0xA0  }
0x45: {  	[sflag:s11] =	ssyncset.done $0x0  }
0x46: {  	[sflag:s11] =	ssyncadd.s32 $0xFFFFFF60  }
0x47: {  	_ =	sfence.sel $0x180000  }
0x48: {  	[bflag:$0x0] =	sbarrier.arrive $0xFFFF  }
0x49: {  	p0 =	sne.s32 s0, $0x0;
	_ =	strace $0x90000047  }
0x4a: {  	s0 =	sadd.s32 @!p0 $0x100000, s1;
	[bflag:$0x2] =	sbarrier.arrive $0xFFFF  }
0x4b: {  	[sflag:s0] =	ssyncadd.tile.s32 @!p0 $0x1;
	_ =	shalt  }
.Lfunc_end2:
_tile_overlayer_lowered:
.L_overlay_start_2:
0x4c: {  	(tag) =	ssettag $0x2  }
0x4d: {  	s0 =	rddreg [dreg:$0x0];
	s2 =	stileid.u32  }
0x4e: {  	s1 =	rddreg [dreg:$0x1];
	p0 =	sne.s32 s2, $0x0  }
0x4f: {  	s3 =	rddreg [dreg:$0x2];
	[bflag:$0x3] =	sbarrier.arrive $0xFFFF;
	s2 =	simm.s32 @!p0 $0x1C01  }
0x50: {  	[timem:s3], [sflag:s2] =	dma.local @!p0 [hbm:s0], s1  }
0x51: {  	s0 =	simm.s32 @!p0 $0x1  }
0x52: {  	_ =	swait.ge @!p0 [sflag:s0], s1  }
0x53: {  	s1 =	ssub.s32 @!p0 $0x0, s1;
	[sflag:s0] =	ssyncset.done @!p0 $0x0  }
0x54: {  	[sflag:s0] =	ssyncadd.s32 @!p0 s1  }
0x55: {  	[bflag:$0x3] =	sbarrier.arrive $0xFFFF  }
0x56: {  	_ =	shalt  }

</sc_bundles>
